<compile_context>
chip_gen: v7x
topology: tpu7x:2x2x1
jax: 0.10.2.dev20260603
libtpu: 0.0.44.dev20260713+nightly
codegen_flags: <defaults>
</compile_context>

<pallas_src>
import functools

import jax
import jax.numpy as jnp
from jax import lax
from jax.experimental import pallas as pl
from jax.experimental.pallas import tpu as pltpu
from jax.experimental.pallas import tpu_sc as plsc

_WAVE = 128
_L = 16


@functools.lru_cache(maxsize=None)
def _build(B, V, D):
    info = plsc.get_sparse_core_info()
    NC, NS = info.num_cores, info.num_subcores
    NW = NC * NS
    b_per_w = B // NW

    mesh = plsc.VectorSubcoreMesh(core_axis_name="c", subcore_axis_name="s")

    @functools.partial(
        pl.kernel,
        mesh=mesh,
        out_type=jax.ShapeDtypeStruct((B // 8, 8, D), jnp.float32),
        scratch_types=[
            pltpu.VMEM((b_per_w,), jnp.int32),
            pltpu.VMEM((b_per_w // 8, 8, D), jnp.float32),
            pltpu.SemaphoreType.DMA,
        ],
    )
    def gather_kernel(idx_hbm, table_hbm, out_hbm, idx_v, rows_v, sem):
        wid = lax.axis_index("s") * NC + lax.axis_index("c")
        base = wid * b_per_w
        pltpu.sync_copy(idx_hbm.at[pl.ds(base, b_per_w)], idx_v)

        def fire(g, carry):
            vec = idx_v[pl.ds(g * _L, _L)]
            bv = vec >> 3
            sv = vec & 7
            for l in range(_L):
                pltpu.async_copy(
                    table_hbm.at[bv[l], sv[l]],
                    rows_v.at[2 * g + l // 8, l % 8],
                    sem,
                )
            return carry

        def drain_wave():
            pltpu.make_async_copy(
                out_hbm.at[pl.ds(0, _WAVE // 8)],
                rows_v.at[pl.ds(0, _WAVE // 8)],
                sem,
            ).wait()

        n_wave = b_per_w // _WAVE
        for w in range(n_wave):
            lax.fori_loop(w * _WAVE // _L, (w + 1) * _WAVE // _L, fire, 0)
            if w > 0:
                drain_wave()
        drain_wave()

        pltpu.sync_copy(rows_v, out_hbm.at[pl.ds(base // 8, b_per_w // 8)])

    return gather_kernel, NW


def kernel(t, emb_weight):
    (B,) = t.shape
    V, D = emb_weight.shape
    fn, NW = _build(B, V, D)
    out3 = fn(t.astype(jnp.int32), emb_weight.reshape(V // 8, 8, D))
    return out3.reshape(B, D)

# --- scband reference (transcript-rebuilt; emitter-appended) ---
"""Pipeline reference for scband-index-time-encoder-57904749085055 (READ-ONLY COPY).

The authoritative reference and input builder live on the scoring server;
editing this copy changes nothing except your own understanding.
"""

import jax, jax.numpy as jnp
import numpy as np

NUM_TIMESTAMPS = 100000
OUT_DIM = 64
BATCH = 16384

def setup_inputs(seed: int = 0) -> dict:
    key = jax.random.key(seed)
    k_t, k_w = jax.random.split(key)
    t = jax.random.randint(k_t, (BATCH,), 0, NUM_TIMESTAMPS, dtype=jnp.int64) if jax.config.jax_enable_x64 else jax.random.randint(k_t, (BATCH,), 0, NUM_TIMESTAMPS, dtype=jnp.int32)
    emb_weight = jax.random.normal(k_w, (NUM_TIMESTAMPS, OUT_DIM), dtype=jnp.float32) * 0.02
    return {"t": t, "emb_weight": emb_weight}

def reference(t, emb_weight):
    # nn.Embedding lookup: out = emb.weight[t]
    return jnp.take(emb_weight, t, axis=0)

if __name__ == "__main__":
    import jax
    _d = setup_inputs()
    print(jax.jit(kernel)(*tuple(_d.values())))

</pallas_src>

<mosaic_0001>
#map = affine_map<(d0, d1) -> (0)>
#map1 = affine_map<(d0, d1) -> (0, 0, 0)>
module attributes {stable_mosaic.version = 14 : i64} {
  func.func @gather_kernel(%arg0: i32, %arg1: i32, %arg2: memref<16384xi32, #tpu.memory_space<hbm>>, %arg3: memref<12500x8x64xf32, #tpu.memory_space<hbm>>, %arg4: memref<2048x8x64xf32, #tpu.memory_space<hbm>>, %arg5: memref<512xi32, #tpu.memory_space<vmem>>, %arg6: memref<64x8x64xf32, #tpu.memory_space<vmem>>, %arg7: memref<!tpu.dma_semaphore, #tpu.memory_space<semaphore_mem>>) attributes {dimension_semantics = [#tpu.dimension_semantics<core_parallel>, #tpu.dimension_semantics<subcore_parallel>], iteration_bounds = array<i64: 2, 16>, scalar_prefetch = 0 : i64, scratch_operands = 3 : i64, tpu.core_type = #tpu.core_type<sc_vector_subcore>, window_params = [{transform_indices = #map}, {transform_indices = #map1}, {transform_indices = #map1}]} {
    %mul3A = arith.constant 2 : i32
    %mul3A_0 = arith.muli %arg1, %mul3A : i32
    %add3A = arith.addi %mul3A_0, %arg0 : i32
    %mul3A_1 = arith.constant 512 : i32
    %mul3A_2 = arith.muli %add3A, %mul3A_1 : i32
    "tpu.region"() ({
      %run_scoped3A = tpu.sem_alloc : memref<!tpu.dma_semaphore, #tpu.memory_space<semaphore_mem>>
      %dma_start3A = tpu.memref_slice %arg2[%mul3A_2] : memref<16384xi32, #tpu.memory_space<hbm>> -> memref<512xi32, #tpu.memory_space<hbm>>
      %dma_start3A_105 = tpu.memref_slice %arg2[%mul3A_2] : memref<16384xi32, #tpu.memory_space<hbm>> -> memref<512xi32, #tpu.memory_space<hbm>>
      tpu.enqueue_dma source(%dma_start3A_105 : memref<512xi32, #tpu.memory_space<hbm>>) target(%arg5 : memref<512xi32, #tpu.memory_space<vmem>>) target_semaphore(%run_scoped3A : memref<!tpu.dma_semaphore, #tpu.memory_space<semaphore_mem>>)
      %dma_wait3A_106 = tpu.memref_slice %arg2[%mul3A_2] : memref<16384xi32, #tpu.memory_space<hbm>> -> memref<512xi32, #tpu.memory_space<hbm>>
      %dma_wait3A_107 = tpu.memref_slice %arg2[%mul3A_2] : memref<16384xi32, #tpu.memory_space<hbm>> -> memref<512xi32, #tpu.memory_space<hbm>>
      tpu.wait_dma2 semaphore(%run_scoped3A : memref<!tpu.dma_semaphore, #tpu.memory_space<semaphore_mem>>) src(%dma_wait3A_107 : memref<512xi32, #tpu.memory_space<hbm>>) dst(%arg5 : memref<512xi32, #tpu.memory_space<vmem>>)
      tpu.yield
    }) : () -> ()
    %scan3A = arith.constant 0 : i32
    %scan3A_3 = arith.constant 0 : i32
    %scan3A_4 = arith.constant 8 : i32
    %scan3A_5 = arith.addi %scan3A_3, %scan3A_4 : i32
    %scan3A_6 = arith.constant 1 : i32
    scf.for %scan3A_105 = %scan3A_3 to %scan3A_5 step %scan3A_6  : i32 {
      %mul3A_106 = arith.constant 16 : i32
      %mul3A_107 = arith.muli %scan3A_105, %mul3A_106 : i32
      %get3A = arith.index_cast %mul3A_107 : i32 to index
      %get3A_108 = tpu.vector_load %arg5[%get3A] {strides = array<i32>} : memref<512xi32, #tpu.memory_space<vmem>>, vector<16xi32>,
      %get3A_109 = vector.shape_cast %get3A_108 : vector<16xi32> to vector<16xi32>
      %shift_right_arithmetic3A = arith.constant 3 : i32
      %shift_right_arithmetic3A_110 = vector.broadcast %shift_right_arithmetic3A : i32 to vector<16xi32>
      %shift_right_arithmetic3A_111 = arith.shrsi %get3A_109, %shift_right_arithmetic3A_110 : vector<16xi32>
      %and3A_112 = arith.constant 7 : i32
      %and3A_113 = vector.broadcast %and3A_112 : i32 to vector<16xi32>
      %and3A_114 = arith.andi %get3A_109, %and3A_113 : vector<16xi32>
      %slice3A = vector.extract_strided_slice %shift_right_arithmetic3A_111 {offsets = [0], sizes = [1], strides = [1]} : vector<16xi32> to vector<1xi32>
      %squeeze3A = vector.extract %slice3A[0] : i32 from vector<1xi32>
      %slice3A_115 = vector.extract_strided_slice %and3A_114 {offsets = [0], sizes = [1], strides = [1]} : vector<16xi32> to vector<1xi32>
      %squeeze3A_116 = vector.extract %slice3A_115[0] : i32 from vector<1xi32>
      %mul3A_117 = arith.constant 2 : i32
      %mul3A_118 = arith.muli %mul3A_117, %scan3A_105 : i32
      %add3A_119 = arith.constant 0 : i32
      %add3A_120 = arith.addi %mul3A_118, %add3A_119 : i32
      %dma_start3A = arith.constant 0 : i32
      %dma_start3A_121 = arith.constant 0 : i32
      %dma_start3A_122 = tpu.memref_slice %arg6[%add3A_120, %dma_start3A, %dma_start3A_121] : memref<64x8x64xf32, #tpu.memory_space<vmem>> -> memref<1x1x64xf32, #tpu.memory_space<vmem>>
      %dma_start3A_123 = tpu.memref_squeeze %dma_start3A_122 : memref<1x1x64xf32, #tpu.memory_space<vmem>> -> memref<64xf32, #tpu.memory_space<vmem>>
      %dma_start3A_124 = arith.constant 0 : i32
      %dma_start3A_125 = tpu.memref_slice %arg3[%squeeze3A, %squeeze3A_116, %dma_start3A_124] : memref<12500x8x64xf32, #tpu.memory_space<hbm>> -> memref<1x1x64xf32, #tpu.memory_space<hbm>>
      %dma_start3A_126 = tpu.memref_squeeze %dma_start3A_125 : memref<1x1x64xf32, #tpu.memory_space<hbm>> -> memref<64xf32, #tpu.memory_space<hbm>>
      %dma_start3A_127 = arith.constant 0 : i32
      %dma_start3A_128 = tpu.memref_slice %arg6[%add3A_120, %dma_start3A, %dma_start3A_127] : memref<64x8x64xf32, #tpu.memory_space<vmem>> -> memref<1x1x64xf32, #tpu.memory_space<vmem>>
      %dma_start3A_129 = tpu.memref_squeeze %dma_start3A_128 : memref<1x1x64xf32, #tpu.memory_space<vmem>> -> memref<64xf32, #tpu.memory_space<vmem>>
      %dma_start3A_130 = arith.constant 0 : i32
      %dma_start3A_131 = tpu.memref_slice %arg3[%squeeze3A, %squeeze3A_116, %dma_start3A_130] : memref<12500x8x64xf32, #tpu.memory_space<hbm>> -> memref<1x1x64xf32, #tpu.memory_space<hbm>>
      %dma_start3A_132 = tpu.memref_squeeze %dma_start3A_131 : memref<1x1x64xf32, #tpu.memory_space<hbm>> -> memref<64xf32, #tpu.memory_space<hbm>>
      tpu.enqueue_dma source(%dma_start3A_132 : memref<64xf32, #tpu.memory_space<hbm>>) target(%dma_start3A_129 : memref<64xf32, #tpu.memory_space<vmem>>) target_semaphore(%arg7 : memref<!tpu.dma_semaphore, #tpu.memory_space<semaphore_mem>>)
      %slice3A_133 = vector.extract_strided_slice %shift_right_arithmetic3A_111 {offsets = [1], sizes = [1], strides = [1]} : vector<16xi32> to vector<1xi32>
      %squeeze3A_134 = vector.extract %slice3A_133[0] : i32 from vector<1xi32>
      %slice3A_135 = vector.extract_strided_slice %and3A_114 {offsets = [1], sizes = [1], strides = [1]} : vector<16xi32> to vector<1xi32>
      %squeeze3A_136 = vector.extract %slice3A_135[0] : i32 from vector<1xi32>
      %mul3A_137 = arith.constant 2 : i32
      %mul3A_138 = arith.muli %mul3A_137, %scan3A_105 : i32
      %add3A_139 = arith.constant 0 : i32
      %add3A_140 = arith.addi %mul3A_138, %add3A_139 : i32
      %dma_start3A_141 = arith.constant 1 : i32
      %dma_start3A_142 = arith.constant 0 : i32
      %dma_start3A_143 = tpu.memref_slice %arg6[%add3A_140, %dma_start3A_141, %dma_start3A_142] : memref<64x8x64xf32, #tpu.memory_space<vmem>> -> memref<1x1x64xf32, #tpu.memory_space<vmem>>
      %dma_start3A_144 = tpu.memref_squeeze %dma_start3A_143 : memref<1x1x64xf32, #tpu.memory_space<vmem>> -> memref<64xf32, #tpu.memory_space<vmem>>
      %dma_start3A_145 = arith.constant 0 : i32
      %dma_start3A_146 = tpu.memref_slice %arg3[%squeeze3A_134, %squeeze3A_136, %dma_start3A_145] : memref<12500x8x64xf32, #tpu.memory_space<hbm>> -> memref<1x1x64xf32, #tpu.memory_space<hbm>>
      %dma_start3A_147 = tpu.memref_squeeze %dma_start3A_146 : memref<1x1x64xf32, #tpu.memory_space<hbm>> -> memref<64xf32, #tpu.memory_space<hbm>>
      %dma_start3A_148 = arith.constant 0 : i32
      %dma_start3A_149 = tpu.memref_slice %arg6[%add3A_140, %dma_start3A_141, %dma_start3A_148] : memref<64x8x64xf32, #tpu.memory_space<vmem>> -> memref<1x1x64xf32, #tpu.memory_space<vmem>>
      %dma_start3A_150 = tpu.memref_squeeze %dma_start3A_149 : memref<1x1x64xf32, #tpu.memory_space<vmem>> -> memref<64xf32, #tpu.memory_space<vmem>>
      %dma_start3A_151 = arith.constant 0 : i32
      %dma_start3A_152 = tpu.memref_slice %arg3[%squeeze3A_134, %squeeze3A_136, %dma_start3A_151] : memref<12500x8x64xf32, #tpu.memory_space<hbm>> -> memref<1x1x64xf32, #tpu.memory_space<hbm>>
      %dma_start3A_153 = tpu.memref_squeeze %dma_start3A_152 : memref<1x1x64xf32, #tpu.memory_space<hbm>> -> memref<64xf32, #tpu.memory_space<hbm>>
      tpu.enqueue_dma source(%dma_start3A_153 : memref<64xf32, #tpu.memory_space<hbm>>) target(%dma_start3A_150 : memref<64xf32, #tpu.memory_space<vmem>>) target_semaphore(%arg7 : memref<!tpu.dma_semaphore, #tpu.memory_space<semaphore_mem>>)
      %slice3A_154 = vector.extract_strided_slice %shift_right_arithmetic3A_111 {offsets = [2], sizes = [1], strides = [1]} : vector<16xi32> to vector<1xi32>
      %squeeze3A_155 = vector.extract %slice3A_154[0] : i32 from vector<1xi32>
      %slice3A_156 = vector.extract_strided_slice %and3A_114 {offsets = [2], sizes = [1], strides = [1]} : vector<16xi32> to vector<1xi32>
      %squeeze3A_157 = vector.extract %slice3A_156[0] : i32 from vector<1xi32>
      %mul3A_158 = arith.constant 2 : i32
      %mul3A_159 = arith.muli %mul3A_158, %scan3A_105 : i32
      %add3A_160 = arith.constant 0 : i32
      %add3A_161 = arith.addi %mul3A_159, %add3A_160 : i32
      %dma_start3A_162 = arith.constant 2 : i32
      %dma_start3A_163 = arith.constant 0 : i32
      %dma_start3A_164 = tpu.memref_slice %arg6[%add3A_161, %dma_start3A_162, %dma_start3A_163] : memref<64x8x64xf32, #tpu.memory_space<vmem>> -> memref<1x1x64xf32, #tpu.memory_space<vmem>>
      %dma_start3A_165 = tpu.memref_squeeze %dma_start3A_164 : memref<1x1x64xf32, #tpu.memory_space<vmem>> -> memref<64xf32, #tpu.memory_space<vmem>>
      %dma_start3A_166 = arith.constant 0 : i32
      %dma_start3A_167 = tpu.memref_slice %arg3[%squeeze3A_155, %squeeze3A_157, %dma_start3A_166] : memref<12500x8x64xf32, #tpu.memory_space<hbm>> -> memref<1x1x64xf32, #tpu.memory_space<hbm>>
      %dma_start3A_168 = tpu.memref_squeeze %dma_start3A_167 : memref<1x1x64xf32, #tpu.memory_space<hbm>> -> memref<64xf32, #tpu.memory_space<hbm>>
      %dma_start3A_169 = arith.constant 0 : i32
      %dma_start3A_170 = tpu.memref_slice %arg6[%add3A_161, %dma_start3A_162, %dma_start3A_169] : memref<64x8x64xf32, #tpu.memory_space<vmem>> -> memref<1x1x64xf32, #tpu.memory_space<vmem>>
      %dma_start3A_171 = tpu.memref_squeeze %dma_start3A_170 : memref<1x1x64xf32, #tpu.memory_space<vmem>> -> memref<64xf32, #tpu.memory_space<vmem>>
      %dma_start3A_172 = arith.constant 0 : i32
      %dma_start3A_173 = tpu.memref_slice %arg3[%squeeze3A_155, %squeeze3A_157, %dma_start3A_172] : memref<12500x8x64xf32, #tpu.memory_space<hbm>> -> memref<1x1x64xf32, #tpu.memory_space<hbm>>
      %dma_start3A_174 = tpu.memref_squeeze %dma_start3A_173 : memref<1x1x64xf32, #tpu.memory_space<hbm>> -> memref<64xf32, #tpu.memory_space<hbm>>
      tpu.enqueue_dma source(%dma_start3A_174 : memref<64xf32, #tpu.memory_space<hbm>>) target(%dma_start3A_171 : memref<64xf32, #tpu.memory_space<vmem>>) target_semaphore(%arg7 : memref<!tpu.dma_semaphore, #tpu.memory_space<semaphore_mem>>)
      %slice3A_175 = vector.extract_strided_slice %shift_right_arithmetic3A_111 {offsets = [3], sizes = [1], strides = [1]} : vector<16xi32> to vector<1xi32>
      %squeeze3A_176 = vector.extract %slice3A_175[0] : i32 from vector<1xi32>
      %slice3A_177 = vector.extract_strided_slice %and3A_114 {offsets = [3], sizes = [1], strides = [1]} : vector<16xi32> to vector<1xi32>
      %squeeze3A_178 = vector.extract %slice3A_177[0] : i32 from vector<1xi32>
      %mul3A_179 = arith.constant 2 : i32
      %mul3A_180 = arith.muli %mul3A_179, %scan3A_105 : i32
      %add3A_181 = arith.constant 0 : i32
      %add3A_182 = arith.addi %mul3A_180, %add3A_181 : i32
      %dma_start3A_183 = arith.constant 3 : i32
      %dma_start3A_184 = arith.constant 0 : i32
      %dma_start3A_185 = tpu.memref_slice %arg6[%add3A_182, %dma_start3A_183, %dma_start3A_184] : memref<64x8x64xf32, #tpu.memory_space<vmem>> -> memref<1x1x64xf32, #tpu.memory_space<vmem>>
      %dma_start3A_186 = tpu.memref_squeeze %dma_start3A_185 : memref<1x1x64xf32, #tpu.memory_space<vmem>> -> memref<64xf32, #tpu.memory_space<vmem>>
      %dma_start3A_187 = arith.constant 0 : i32
      %dma_start3A_188 = tpu.memref_slice %arg3[%squeeze3A_176, %squeeze3A_178, %dma_start3A_187] : memref<12500x8x64xf32, #tpu.memory_space<hbm>> -> memref<1x1x64xf32, #tpu.memory_space<hbm>>
      %dma_start3A_189 = tpu.memref_squeeze %dma_start3A_188 : memref<1x1x64xf32, #tpu.memory_space<hbm>> -> memref<64xf32, #tpu.memory_space<hbm>>
      %dma_start3A_190 = arith.constant 0 : i32
      %dma_start3A_191 = tpu.memref_slice %arg6[%add3A_182, %dma_start3A_183, %dma_start3A_190] : memref<64x8x64xf32, #tpu.memory_space<vmem>> -> memref<1x1x64xf32, #tpu.memory_space<vmem>>
      %dma_start3A_192 = tpu.memref_squeeze %dma_start3A_191 : memref<1x1x64xf32, #tpu.memory_space<vmem>> -> memref<64xf32, #tpu.memory_space<vmem>>
      %dma_start3A_193 = arith.constant 0 : i32
      %dma_start3A_194 = tpu.memref_slice %arg3[%squeeze3A_176, %squeeze3A_178, %dma_start3A_193] : memref<12500x8x64xf32, #tpu.memory_space<hbm>> -> memref<1x1x64xf32, #tpu.memory_space<hbm>>
      %dma_start3A_195 = tpu.memref_squeeze %dma_start3A_194 : memref<1x1x64xf32, #tpu.memory_space<hbm>> -> memref<64xf32, #tpu.memory_space<hbm>>
      tpu.enqueue_dma source(%dma_start3A_195 : memref<64xf32, #tpu.memory_space<hbm>>) target(%dma_start3A_192 : memref<64xf32, #tpu.memory_space<vmem>>) target_semaphore(%arg7 : memref<!tpu.dma_semaphore, #tpu.memory_space<semaphore_mem>>)
      %slice3A_196 = vector.extract_strided_slice %shift_right_arithmetic3A_111 {offsets = [4], sizes = [1], strides = [1]} : vector<16xi32> to vector<1xi32>
      %squeeze3A_197 = vector.extract %slice3A_196[0] : i32 from vector<1xi32>
      %slice3A_198 = vector.extract_strided_slice %and3A_114 {offsets = [4], sizes = [1], strides = [1]} : vector<16xi32> to vector<1xi32>
      %squeeze3A_199 = vector.extract %slice3A_198[0] : i32 from vector<1xi32>
      %mul3A_200 = arith.constant 2 : i32
      %mul3A_201 = arith.muli %mul3A_200, %scan3A_105 : i32
      %add3A_202 = arith.constant 0 : i32
      %add3A_203 = arith.addi %mul3A_201, %add3A_202 : i32
      %dma_start3A_204 = arith.constant 4 : i32
      %dma_start3A_205 = arith.constant 0 : i32
      %dma_start3A_206 = tpu.memref_slice %arg6[%add3A_203, %dma_start3A_204, %dma_start3A_205] : memref<64x8x64xf32, #tpu.memory_space<vmem>> -> memref<1x1x64xf32, #tpu.memory_space<vmem>>
      %dma_start3A_207 = tpu.memref_squeeze %dma_start3A_206 : memref<1x1x64xf32, #tpu.memory_space<vmem>> -> memref<64xf32, #tpu.memory_space<vmem>>
      %dma_start3A_208 = arith.constant 0 : i32
      %dma_start3A_209 = tpu.memref_slice %arg3[%squeeze3A_197, %squeeze3A_199, %dma_start3A_208] : memref<12500x8x64xf32, #tpu.memory_space<hbm>> -> memref<1x1x64xf32, #tpu.memory_space<hbm>>
      %dma_start3A_210 = tpu.memref_squeeze %dma_start3A_209 : memref<1x1x64xf32, #tpu.memory_space<hbm>> -> memref<64xf32, #tpu.memory_space<hbm>>
      %dma_start3A_211 = arith.constant 0 : i32
      %dma_start3A_212 = tpu.memref_slice %arg6[%add3A_203, %dma_start3A_204, %dma_start3A_211] : memref<64x8x64xf32, #tpu.memory_space<vmem>> -> memref<1x1x64xf32, #tpu.memory_space<vmem>>
      %dma_start3A_213 = tpu.memref_squeeze %dma_start3A_212 : memref<1x1x64xf32, #tpu.memory_space<vmem>> -> memref<64xf32, #tpu.memory_space<vmem>>
      %dma_start3A_214 = arith.constant 0 : i32
      %dma_start3A_215 = tpu.memref_slice %arg3[%squeeze3A_197, %squeeze3A_199, %dma_start3A_214] : memref<12500x8x64xf32, #tpu.memory_space<hbm>> -> memref<1x1x64xf32, #tpu.memory_space<hbm>>
      %dma_start3A_216 = tpu.memref_squeeze %dma_start3A_215 : memref<1x1x64xf32, #tpu.memory_space<hbm>> -> memref<64xf32, #tpu.memory_space<hbm>>
      tpu.enqueue_dma source(%dma_start3A_216 : memref<64xf32, #tpu.memory_space<hbm>>) target(%dma_start3A_213 : memref<64xf32, #tpu.memory_space<vmem>>) target_semaphore(%arg7 : memref<!tpu.dma_semaphore, #tpu.memory_space<semaphore_mem>>)
      %slice3A_217 = vector.extract_strided_slice %shift_right_arithmetic3A_111 {offsets = [5], sizes = [1], strides = [1]} : vector<16xi32> to vector<1xi32>
      %squeeze3A_218 = vector.extract %slice3A_217[0] : i32 from vector<1xi32>
      %slice3A_219 = vector.extract_strided_slice %and3A_114 {offsets = [5], sizes = [1], strides = [1]} : vector<16xi32> to vector<1xi32>
      %squeeze3A_220 = vector.extract %slice3A_219[0] : i32 from vector<1xi32>
      %mul3A_221 = arith.constant 2 : i32
      %mul3A_222 = arith.muli %mul3A_221, %scan3A_105 : i32
      %add3A_223 = arith.constant 0 : i32
      %add3A_224 = arith.addi %mul3A_222, %add3A_223 : i32
      %dma_start3A_225 = arith.constant 5 : i32
      %dma_start3A_226 = arith.constant 0 : i32
      %dma_start3A_227 = tpu.memref_slice %arg6[%add3A_224, %dma_start3A_225, %dma_start3A_226] : memref<64x8x64xf32, #tpu.memory_space<vmem>> -> memref<1x1x64xf32, #tpu.memory_space<vmem>>
      %dma_start3A_228 = tpu.memref_squeeze %dma_start3A_227 : memref<1x1x64xf32, #tpu.memory_space<vmem>> -> memref<64xf32, #tpu.memory_space<vmem>>
      %dma_start3A_229 = arith.constant 0 : i32
      %dma_start3A_230 = tpu.memref_slice %arg3[%squeeze3A_218, %squeeze3A_220, %dma_start3A_229] : memref<12500x8x64xf32, #tpu.memory_space<hbm>> -> memref<1x1x64xf32, #tpu.memory_space<hbm>>
      %dma_start3A_231 = tpu.memref_squeeze %dma_start3A_230 : memref<1x1x64xf32, #tpu.memory_space<hbm>> -> memref<64xf32, #tpu.memory_space<hbm>>
      %dma_start3A_232 = arith.constant 0 : i32
      %dma_start3A_233 = tpu.memref_slice %arg6[%add3A_224, %dma_start3A_225, %dma_start3A_232] : memref<64x8x64xf32, #tpu.memory_space<vmem>> -> memref<1x1x64xf32, #tpu.memory_space<vmem>>
      %dma_start3A_234 = tpu.memref_squeeze %dma_start3A_233 : memref<1x1x64xf32, #tpu.memory_space<vmem>> -> memref<64xf32, #tpu.memory_space<vmem>>
      %dma_start3A_235 = arith.constant 0 : i32
      %dma_start3A_236 = tpu.memref_slice %arg3[%squeeze3A_218, %squeeze3A_220, %dma_start3A_235] : memref<12500x8x64xf32, #tpu.memory_space<hbm>> -> memref<1x1x64xf32, #tpu.memory_space<hbm>>
      %dma_start3A_237 = tpu.memref_squeeze %dma_start3A_236 : memref<1x1x64xf32, #tpu.memory_space<hbm>> -> memref<64xf32, #tpu.memory_space<hbm>>
      tpu.enqueue_dma source(%dma_start3A_237 : memref<64xf32, #tpu.memory_space<hbm>>) target(%dma_start3A_234 : memref<64xf32, #tpu.memory_space<vmem>>) target_semaphore(%arg7 : memref<!tpu.dma_semaphore, #tpu.memory_space<semaphore_mem>>)
      %slice3A_238 = vector.extract_strided_slice %shift_right_arithmetic3A_111 {offsets = [6], sizes = [1], strides = [1]} : vector<16xi32> to vector<1xi32>
      %squeeze3A_239 = vector.extract %slice3A_238[0] : i32 from vector<1xi32>
      %slice3A_240 = vector.extract_strided_slice %and3A_114 {offsets = [6], sizes = [1], strides = [1]} : vector<16xi32> to vector<1xi32>
      %squeeze3A_241 = vector.extract %slice3A_240[0] : i32 from vector<1xi32>
      %mul3A_242 = arith.constant 2 : i32
      %mul3A_243 = arith.muli %mul3A_242, %scan3A_105 : i32
      %add3A_244 = arith.constant 0 : i32
      %add3A_245 = arith.addi %mul3A_243, %add3A_244 : i32
      %dma_start3A_246 = arith.constant 6 : i32
      %dma_start3A_247 = arith.constant 0 : i32
      %dma_start3A_248 = tpu.memref_slice %arg6[%add3A_245, %dma_start3A_246, %dma_start3A_247] : memref<64x8x64xf32, #tpu.memory_space<vmem>> -> memref<1x1x64xf32, #tpu.memory_space<vmem>>
      %dma_start3A_249 = tpu.memref_squeeze %dma_start3A_248 : memref<1x1x64xf32, #tpu.memory_space<vmem>> -> memref<64xf32, #tpu.memory_space<vmem>>
      %dma_start3A_250 = arith.constant 0 : i32
      %dma_start3A_251 = tpu.memref_slice %arg3[%squeeze3A_239, %squeeze3A_241, %dma_start3A_250] : memref<12500x8x64xf32, #tpu.memory_space<hbm>> -> memref<1x1x64xf32, #tpu.memory_space<hbm>>
      %dma_start3A_252 = tpu.memref_squeeze %dma_start3A_251 : memref<1x1x64xf32, #tpu.memory_space<hbm>> -> memref<64xf32, #tpu.memory_space<hbm>>
      %dma_start3A_253 = arith.constant 0 : i32
      %dma_start3A_254 = tpu.memref_slice %arg6[%add3A_245, %dma_start3A_246, %dma_start3A_253] : memref<64x8x64xf32, #tpu.memory_space<vmem>> -> memref<1x1x64xf32, #tpu.memory_space<vmem>>
      %dma_start3A_255 = tpu.memref_squeeze %dma_start3A_254 : memref<1x1x64xf32, #tpu.memory_space<vmem>> -> memref<64xf32, #tpu.memory_space<vmem>>
      %dma_start3A_256 = arith.constant 0 : i32
      %dma_start3A_257 = tpu.memref_slice %arg3[%squeeze3A_239, %squeeze3A_241, %dma_start3A_256] : memref<12500x8x64xf32, #tpu.memory_space<hbm>> -> memref<1x1x64xf32, #tpu.memory_space<hbm>>
      %dma_start3A_258 = tpu.memref_squeeze %dma_start3A_257 : memref<1x1x64xf32, #tpu.memory_space<hbm>> -> memref<64xf32, #tpu.memory_space<hbm>>
      tpu.enqueue_dma source(%dma_start3A_258 : memref<64xf32, #tpu.memory_space<hbm>>) target(%dma_start3A_255 : memref<64xf32, #tpu.memory_space<vmem>>) target_semaphore(%arg7 : memref<!tpu.dma_semaphore, #tpu.memory_space<semaphore_mem>>)
      %slice3A_259 = vector.extract_strided_slice %shift_right_arithmetic3A_111 {offsets = [7], sizes = [1], strides = [1]} : vector<16xi32> to vector<1xi32>
      %squeeze3A_260 = vector.extract %slice3A_259[0] : i32 from vector<1xi32>
      %slice3A_261 = vector.extract_strided_slice %and3A_114 {offsets = [7], sizes = [1], strides = [1]} : vector<16xi32> to vector<1xi32>
      %squeeze3A_262 = vector.extract %slice3A_261[0] : i32 from vector<1xi32>
      %mul3A_263 = arith.constant 2 : i32
      %mul3A_264 = arith.muli %mul3A_263, %scan3A_105 : i32
      %add3A_265 = arith.constant 0 : i32
      %add3A_266 = arith.addi %mul3A_264, %add3A_265 : i32
      %dma_start3A_267 = arith.constant 7 : i32
      %dma_start3A_268 = arith.constant 0 : i32
      %dma_start3A_269 = tpu.memref_slice %arg6[%add3A_266, %dma_start3A_267, %dma_start3A_268] : memref<64x8x64xf32, #tpu.memory_space<vmem>> -> memref<1x1x64xf32, #tpu.memory_space<vmem>>
      %dma_start3A_270 = tpu.memref_squeeze %dma_start3A_269 : memref<1x1x64xf32, #tpu.memory_space<vmem>> -> memref<64xf32, #tpu.memory_space<vmem>>
      %dma_start3A_271 = arith.constant 0 : i32
      %dma_start3A_272 = tpu.memref_slice %arg3[%squeeze3A_260, %squeeze3A_262, %dma_start3A_271] : memref<12500x8x64xf32, #tpu.memory_space<hbm>> -> memref<1x1x64xf32, #tpu.memory_space<hbm>>
      %dma_start3A_273 = tpu.memref_squeeze %dma_start3A_272 : memref<1x1x64xf32, #tpu.memory_space<hbm>> -> memref<64xf32, #tpu.memory_space<hbm>>
      %dma_start3A_274 = arith.constant 0 : i32
      %dma_start3A_275 = tpu.memref_slice %arg6[%add3A_266, %dma_start3A_267, %dma_start3A_274] : memref<64x8x64xf32, #tpu.memory_space<vmem>> -> memref<1x1x64xf32, #tpu.memory_space<vmem>>
      %dma_start3A_276 = tpu.memref_squeeze %dma_start3A_275 : memref<1x1x64xf32, #tpu.memory_space<vmem>> -> memref<64xf32, #tpu.memory_space<vmem>>
      %dma_start3A_277 = arith.constant 0 : i32
      %dma_start3A_278 = tpu.memref_slice %arg3[%squeeze3A_260, %squeeze3A_262, %dma_start3A_277] : memref<12500x8x64xf32, #tpu.memory_space<hbm>> -> memref<1x1x64xf32, #tpu.memory_space<hbm>>
      %dma_start3A_279 = tpu.memref_squeeze %dma_start3A_278 : memref<1x1x64xf32, #tpu.memory_space<hbm>> -> memref<64xf32, #tpu.memory_space<hbm>>
      tpu.enqueue_dma source(%dma_start3A_279 : memref<64xf32, #tpu.memory_space<hbm>>) target(%dma_start3A_276 : memref<64xf32, #tpu.memory_space<vmem>>) target_semaphore(%arg7 : memref<!tpu.dma_semaphore, #tpu.memory_space<semaphore_mem>>)
      %slice3A_280 = vector.extract_strided_slice %shift_right_arithmetic3A_111 {offsets = [8], sizes = [1], strides = [1]} : vector<16xi32> to vector<1xi32>
      %squeeze3A_281 = vector.extract %slice3A_280[0] : i32 from vector<1xi32>
      %slice3A_282 = vector.extract_strided_slice %and3A_114 {offsets = [8], sizes = [1], strides = [1]} : vector<16xi32> to vector<1xi32>
      %squeeze3A_283 = vector.extract %slice3A_282[0] : i32 from vector<1xi32>
      %mul3A_284 = arith.constant 2 : i32
      %mul3A_285 = arith.muli %mul3A_284, %scan3A_105 : i32
      %add3A_286 = arith.constant 1 : i32
      %add3A_287 = arith.addi %mul3A_285, %add3A_286 : i32
      %dma_start3A_288 = arith.constant 0 : i32
      %dma_start3A_289 = arith.constant 0 : i32
      %dma_start3A_290 = tpu.memref_slice %arg6[%add3A_287, %dma_start3A_288, %dma_start3A_289] : memref<64x8x64xf32, #tpu.memory_space<vmem>> -> memref<1x1x64xf32, #tpu.memory_space<vmem>>
      %dma_start3A_291 = tpu.memref_squeeze %dma_start3A_290 : memref<1x1x64xf32, #tpu.memory_space<vmem>> -> memref<64xf32, #tpu.memory_space<vmem>>
      %dma_start3A_292 = arith.constant 0 : i32
      %dma_start3A_293 = tpu.memref_slice %arg3[%squeeze3A_281, %squeeze3A_283, %dma_start3A_292] : memref<12500x8x64xf32, #tpu.memory_space<hbm>> -> memref<1x1x64xf32, #tpu.memory_space<hbm>>
      %dma_start3A_294 = tpu.memref_squeeze %dma_start3A_293 : memref<1x1x64xf32, #tpu.memory_space<hbm>> -> memref<64xf32, #tpu.memory_space<hbm>>
      %dma_start3A_295 = arith.constant 0 : i32
      %dma_start3A_296 = tpu.memref_slice %arg6[%add3A_287, %dma_start3A_288, %dma_start3A_295] : memref<64x8x64xf32, #tpu.memory_space<vmem>> -> memref<1x1x64xf32, #tpu.memory_space<vmem>>
      %dma_start3A_297 = tpu.memref_squeeze %dma_start3A_296 : memref<1x1x64xf32, #tpu.memory_space<vmem>> -> memref<64xf32, #tpu.memory_space<vmem>>
      %dma_start3A_298 = arith.constant 0 : i32
      %dma_start3A_299 = tpu.memref_slice %arg3[%squeeze3A_281, %squeeze3A_283, %dma_start3A_298] : memref<12500x8x64xf32, #tpu.memory_space<hbm>> -> memref<1x1x64xf32, #tpu.memory_space<hbm>>
      %dma_start3A_300 = tpu.memref_squeeze %dma_start3A_299 : memref<1x1x64xf32, #tpu.memory_space<hbm>> -> memref<64xf32, #tpu.memory_space<hbm>>
      tpu.enqueue_dma source(%dma_start3A_300 : memref<64xf32, #tpu.memory_space<hbm>>) target(%dma_start3A_297 : memref<64xf32, #tpu.memory_space<vmem>>) target_semaphore(%arg7 : memref<!tpu.dma_semaphore, #tpu.memory_space<semaphore_mem>>)
      %slice3A_301 = vector.extract_strided_slice %shift_right_arithmetic3A_111 {offsets = [9], sizes = [1], strides = [1]} : vector<16xi32> to vector<1xi32>
      %squeeze3A_302 = vector.extract %slice3A_301[0] : i32 from vector<1xi32>
      %slice3A_303 = vector.extract_strided_slice %and3A_114 {offsets = [9], sizes = [1], strides = [1]} : vector<16xi32> to vector<1xi32>
      %squeeze3A_304 = vector.extract %slice3A_303[0] : i32 from vector<1xi32>
      %mul3A_305 = arith.constant 2 : i32
      %mul3A_306 = arith.muli %mul3A_305, %scan3A_105 : i32
      %add3A_307 = arith.constant 1 : i32
      %add3A_308 = arith.addi %mul3A_306, %add3A_307 : i32
      %dma_start3A_309 = arith.constant 1 : i32
      %dma_start3A_310 = arith.constant 0 : i32
      %dma_start3A_311 = tpu.memref_slice %arg6[%add3A_308, %dma_start3A_309, %dma_start3A_310] : memref<64x8x64xf32, #tpu.memory_space<vmem>> -> memref<1x1x64xf32, #tpu.memory_space<vmem>>
      %dma_start3A_312 = tpu.memref_squeeze %dma_start3A_311 : memref<1x1x64xf32, #tpu.memory_space<vmem>> -> memref<64xf32, #tpu.memory_space<vmem>>
      %dma_start3A_313 = arith.constant 0 : i32
      %dma_start3A_314 = tpu.memref_slice %arg3[%squeeze3A_302, %squeeze3A_304, %dma_start3A_313] : memref<12500x8x64xf32, #tpu.memory_space<hbm>> -> memref<1x1x64xf32, #tpu.memory_space<hbm>>
      %dma_start3A_315 = tpu.memref_squeeze %dma_start3A_314 : memref<1x1x64xf32, #tpu.memory_space<hbm>> -> memref<64xf32, #tpu.memory_space<hbm>>
      %dma_start3A_316 = arith.constant 0 : i32
      %dma_start3A_317 = tpu.memref_slice %arg6[%add3A_308, %dma_start3A_309, %dma_start3A_316] : memref<64x8x64xf32, #tpu.memory_space<vmem>> -> memref<1x1x64xf32, #tpu.memory_space<vmem>>
      %dma_start3A_318 = tpu.memref_squeeze %dma_start3A_317 : memref<1x1x64xf32, #tpu.memory_space<vmem>> -> memref<64xf32, #tpu.memory_space<vmem>>
      %dma_start3A_319 = arith.constant 0 : i32
      %dma_start3A_320 = tpu.memref_slice %arg3[%squeeze3A_302, %squeeze3A_304, %dma_start3A_319] : memref<12500x8x64xf32, #tpu.memory_space<hbm>> -> memref<1x1x64xf32, #tpu.memory_space<hbm>>
      %dma_start3A_321 = tpu.memref_squeeze %dma_start3A_320 : memref<1x1x64xf32, #tpu.memory_space<hbm>> -> memref<64xf32, #tpu.memory_space<hbm>>
      tpu.enqueue_dma source(%dma_start3A_321 : memref<64xf32, #tpu.memory_space<hbm>>) target(%dma_start3A_318 : memref<64xf32, #tpu.memory_space<vmem>>) target_semaphore(%arg7 : memref<!tpu.dma_semaphore, #tpu.memory_space<semaphore_mem>>)
      %slice3A_322 = vector.extract_strided_slice %shift_right_arithmetic3A_111 {offsets = [10], sizes = [1], strides = [1]} : vector<16xi32> to vector<1xi32>
      %squeeze3A_323 = vector.extract %slice3A_322[0] : i32 from vector<1xi32>
      %slice3A_324 = vector.extract_strided_slice %and3A_114 {offsets = [10], sizes = [1], strides = [1]} : vector<16xi32> to vector<1xi32>
      %squeeze3A_325 = vector.extract %slice3A_324[0] : i32 from vector<1xi32>
      %mul3A_326 = arith.constant 2 : i32
      %mul3A_327 = arith.muli %mul3A_326, %scan3A_105 : i32
      %add3A_328 = arith.constant 1 : i32
      %add3A_329 = arith.addi %mul3A_327, %add3A_328 : i32
      %dma_start3A_330 = arith.constant 2 : i32
      %dma_start3A_331 = arith.constant 0 : i32
      %dma_start3A_332 = tpu.memref_slice %arg6[%add3A_329, %dma_start3A_330, %dma_start3A_331] : memref<64x8x64xf32, #tpu.memory_space<vmem>> -> memref<1x1x64xf32, #tpu.memory_space<vmem>>
      %dma_start3A_333 = tpu.memref_squeeze %dma_start3A_332 : memref<1x1x64xf32, #tpu.memory_space<vmem>> -> memref<64xf32, #tpu.memory_space<vmem>>
      %dma_start3A_334 = arith.constant 0 : i32
      %dma_start3A_335 = tpu.memref_slice %arg3[%squeeze3A_323, %squeeze3A_325, %dma_start3A_334] : memref<12500x8x64xf32, #tpu.memory_space<hbm>> -> memref<1x1x64xf32, #tpu.memory_space<hbm>>
      %dma_start3A_336 = tpu.memref_squeeze %dma_start3A_335 : memref<1x1x64xf32, #tpu.memory_space<hbm>> -> memref<64xf32, #tpu.memory_space<hbm>>
      %dma_start3A_337 = arith.constant 0 : i32
      %dma_start3A_338 = tpu.memref_slice %arg6[%add3A_329, %dma_start3A_330, %dma_start3A_337] : memref<64x8x64xf32, #tpu.memory_space<vmem>> -> memref<1x1x64xf32, #tpu.memory_space<vmem>>
      %dma_start3A_339 = tpu.memref_squeeze %dma_start3A_338 : memref<1x1x64xf32, #tpu.memory_space<vmem>> -> memref<64xf32, #tpu.memory_space<vmem>>
      %dma_start3A_340 = arith.constant 0 : i32
      %dma_start3A_341 = tpu.memref_slice %arg3[%squeeze3A_323, %squeeze3A_325, %dma_start3A_340] : memref<12500x8x64xf32, #tpu.memory_space<hbm>> -> memref<1x1x64xf32, #tpu.memory_space<hbm>>
      %dma_start3A_342 = tpu.memref_squeeze %dma_start3A_341 : memref<1x1x64xf32, #tpu.memory_space<hbm>> -> memref<64xf32, #tpu.memory_space<hbm>>
      tpu.enqueue_dma source(%dma_start3A_342 : memref<64xf32, #tpu.memory_space<hbm>>) target(%dma_start3A_339 : memref<64xf32, #tpu.memory_space<vmem>>) target_semaphore(%arg7 : memref<!tpu.dma_semaphore, #tpu.memory_space<semaphore_mem>>)
      %slice3A_343 = vector.extract_strided_slice %shift_right_arithmetic3A_111 {offsets = [11], sizes = [1], strides = [1]} : vector<16xi32> to vector<1xi32>
      %squeeze3A_344 = vector.extract %slice3A_343[0] : i32 from vector<1xi32>
      %slice3A_345 = vector.extract_strided_slice %and3A_114 {offsets = [11], sizes = [1], strides = [1]} : vector<16xi32> to vector<1xi32>
      %squeeze3A_346 = vector.extract %slice3A_345[0] : i32 from vector<1xi32>
      %mul3A_347 = arith.constant 2 : i32
      %mul3A_348 = arith.muli %mul3A_347, %scan3A_105 : i32
      %add3A_349 = arith.constant 1 : i32
      %add3A_350 = arith.addi %mul3A_348, %add3A_349 : i32
      %dma_start3A_351 = arith.constant 3 : i32
      %dma_start3A_352 = arith.constant 0 : i32
      %dma_start3A_353 = tpu.memref_slice %arg6[%add3A_350, %dma_start3A_351, %dma_start3A_352] : memref<64x8x64xf32, #tpu.memory_space<vmem>> -> memref<1x1x64xf32, #tpu.memory_space<vmem>>
      %dma_start3A_354 = tpu.memref_squeeze %dma_start3A_353 : memref<1x1x64xf32, #tpu.memory_space<vmem>> -> memref<64xf32, #tpu.memory_space<vmem>>
      %dma_start3A_355 = arith.constant 0 : i32
      %dma_start3A_356 = tpu.memref_slice %arg3[%squeeze3A_344, %squeeze3A_346, %dma_start3A_355] : memref<12500x8x64xf32, #tpu.memory_space<hbm>> -> memref<1x1x64xf32, #tpu.memory_space<hbm>>
      %dma_start3A_357 = tpu.memref_squeeze %dma_start3A_356 : memref<1x1x64xf32, #tpu.memory_space<hbm>> -> memref<64xf32, #tpu.memory_space<hbm>>
      %dma_start3A_358 = arith.constant 0 : i32
      %dma_start3A_359 = tpu.memref_slice %arg6[%add3A_350, %dma_start3A_351, %dma_start3A_358] : memref<64x8x64xf32, #tpu.memory_space<vmem>> -> memref<1x1x64xf32, #tpu.memory_space<vmem>>
      %dma_start3A_360 = tpu.memref_squeeze %dma_start3A_359 : memref<1x1x64xf32, #tpu.memory_space<vmem>> -> memref<64xf32, #tpu.memory_space<vmem>>
      %dma_start3A_361 = arith.constant 0 : i32
      %dma_start3A_362 = tpu.memref_slice %arg3[%squeeze3A_344, %squeeze3A_346, %dma_start3A_361] : memref<12500x8x64xf32, #tpu.memory_space<hbm>> -> memref<1x1x64xf32, #tpu.memory_space<hbm>>
      %dma_start3A_363 = tpu.memref_squeeze %dma_start3A_362 : memref<1x1x64xf32, #tpu.memory_space<hbm>> -> memref<64xf32, #tpu.memory_space<hbm>>
      tpu.enqueue_dma source(%dma_start3A_363 : memref<64xf32, #tpu.memory_space<hbm>>) target(%dma_start3A_360 : memref<64xf32, #tpu.memory_space<vmem>>) target_semaphore(%arg7 : memref<!tpu.dma_semaphore, #tpu.memory_space<semaphore_mem>>)
      %slice3A_364 = vector.extract_strided_slice %shift_right_arithmetic3A_111 {offsets = [12], sizes = [1], strides = [1]} : vector<16xi32> to vector<1xi32>
      %squeeze3A_365 = vector.extract %slice3A_364[0] : i32 from vector<1xi32>
      %slice3A_366 = vector.extract_strided_slice %and3A_114 {offsets = [12], sizes = [1], strides = [1]} : vector<16xi32> to vector<1xi32>
      %squeeze3A_367 = vector.extract %slice3A_366[0] : i32 from vector<1xi32>
      %mul3A_368 = arith.constant 2 : i32
      %mul3A_369 = arith.muli %mul3A_368, %scan3A_105 : i32
      %add3A_370 = arith.constant 1 : i32
      %add3A_371 = arith.addi %mul3A_369, %add3A_370 : i32
      %dma_start3A_372 = arith.constant 4 : i32
      %dma_start3A_373 = arith.constant 0 : i32
      %dma_start3A_374 = tpu.memref_slice %arg6[%add3A_371, %dma_start3A_372, %dma_start3A_373] : memref<64x8x64xf32, #tpu.memory_space<vmem>> -> memref<1x1x64xf32, #tpu.memory_space<vmem>>
      %dma_start3A_375 = tpu.memref_squeeze %dma_start3A_374 : memref<1x1x64xf32, #tpu.memory_space<vmem>> -> memref<64xf32, #tpu.memory_space<vmem>>
      %dma_start3A_376 = arith.constant 0 : i32
      %dma_start3A_377 = tpu.memref_slice %arg3[%squeeze3A_365, %squeeze3A_367, %dma_start3A_376] : memref<12500x8x64xf32, #tpu.memory_space<hbm>> -> memref<1x1x64xf32, #tpu.memory_space<hbm>>
      %dma_start3A_378 = tpu.memref_squeeze %dma_start3A_377 : memref<1x1x64xf32, #tpu.memory_space<hbm>> -> memref<64xf32, #tpu.memory_space<hbm>>
      %dma_start3A_379 = arith.constant 0 : i32
      %dma_start3A_380 = tpu.memref_slice %arg6[%add3A_371, %dma_start3A_372, %dma_start3A_379] : memref<64x8x64xf32, #tpu.memory_space<vmem>> -> memref<1x1x64xf32, #tpu.memory_space<vmem>>
      %dma_start3A_381 = tpu.memref_squeeze %dma_start3A_380 : memref<1x1x64xf32, #tpu.memory_space<vmem>> -> memref<64xf32, #tpu.memory_space<vmem>>
      %dma_start3A_382 = arith.constant 0 : i32
      %dma_start3A_383 = tpu.memref_slice %arg3[%squeeze3A_365, %squeeze3A_367, %dma_start3A_382] : memref<12500x8x64xf32, #tpu.memory_space<hbm>> -> memref<1x1x64xf32, #tpu.memory_space<hbm>>
      %dma_start3A_384 = tpu.memref_squeeze %dma_start3A_383 : memref<1x1x64xf32, #tpu.memory_space<hbm>> -> memref<64xf32, #tpu.memory_space<hbm>>
      tpu.enqueue_dma source(%dma_start3A_384 : memref<64xf32, #tpu.memory_space<hbm>>) target(%dma_start3A_381 : memref<64xf32, #tpu.memory_space<vmem>>) target_semaphore(%arg7 : memref<!tpu.dma_semaphore, #tpu.memory_space<semaphore_mem>>)
      %slice3A_385 = vector.extract_strided_slice %shift_right_arithmetic3A_111 {offsets = [13], sizes = [1], strides = [1]} : vector<16xi32> to vector<1xi32>
      %squeeze3A_386 = vector.extract %slice3A_385[0] : i32 from vector<1xi32>
      %slice3A_387 = vector.extract_strided_slice %and3A_114 {offsets = [13], sizes = [1], strides = [1]} : vector<16xi32> to vector<1xi32>
      %squeeze3A_388 = vector.extract %slice3A_387[0] : i32 from vector<1xi32>
      %mul3A_389 = arith.constant 2 : i32
      %mul3A_390 = arith.muli %mul3A_389, %scan3A_105 : i32
      %add3A_391 = arith.constant 1 : i32
      %add3A_392 = arith.addi %mul3A_390, %add3A_391 : i32
      %dma_start3A_393 = arith.constant 5 : i32
      %dma_start3A_394 = arith.constant 0 : i32
      %dma_start3A_395 = tpu.memref_slice %arg6[%add3A_392, %dma_start3A_393, %dma_start3A_394] : memref<64x8x64xf32, #tpu.memory_space<vmem>> -> memref<1x1x64xf32, #tpu.memory_space<vmem>>
      %dma_start3A_396 = tpu.memref_squeeze %dma_start3A_395 : memref<1x1x64xf32, #tpu.memory_space<vmem>> -> memref<64xf32, #tpu.memory_space<vmem>>
      %dma_start3A_397 = arith.constant 0 : i32
      %dma_start3A_398 = tpu.memref_slice %arg3[%squeeze3A_386, %squeeze3A_388, %dma_start3A_397] : memref<12500x8x64xf32, #tpu.memory_space<hbm>> -> memref<1x1x64xf32, #tpu.memory_space<hbm>>
      %dma_start3A_399 = tpu.memref_squeeze %dma_start3A_398 : memref<1x1x64xf32, #tpu.memory_space<hbm>> -> memref<64xf32, #tpu.memory_space<hbm>>
      %dma_start3A_400 = arith.constant 0 : i32
      %dma_start3A_401 = tpu.memref_slice %arg6[%add3A_392, %dma_start3A_393, %dma_start3A_400] : memref<64x8x64xf32, #tpu.memory_space<vmem>> -> memref<1x1x64xf32, #tpu.memory_space<vmem>>
      %dma_start3A_402 = tpu.memref_squeeze %dma_start3A_401 : memref<1x1x64xf32, #tpu.memory_space<vmem>> -> memref<64xf32, #tpu.memory_space<vmem>>
      %dma_start3A_403 = arith.constant 0 : i32
      %dma_start3A_404 = tpu.memref_slice %arg3[%squeeze3A_386, %squeeze3A_388, %dma_start3A_403] : memref<12500x8x64xf32, #tpu.memory_space<hbm>> -> memref<1x1x64xf32, #tpu.memory_space<hbm>>
      %dma_start3A_405 = tpu.memref_squeeze %dma_start3A_404 : memref<1x1x64xf32, #tpu.memory_space<hbm>> -> memref<64xf32, #tpu.memory_space<hbm>>
      tpu.enqueue_dma source(%dma_start3A_405 : memref<64xf32, #tpu.memory_space<hbm>>) target(%dma_start3A_402 : memref<64xf32, #tpu.memory_space<vmem>>) target_semaphore(%arg7 : memref<!tpu.dma_semaphore, #tpu.memory_space<semaphore_mem>>)
      %slice3A_406 = vector.extract_strided_slice %shift_right_arithmetic3A_111 {offsets = [14], sizes = [1], strides = [1]} : vector<16xi32> to vector<1xi32>
      %squeeze3A_407 = vector.extract %slice3A_406[0] : i32 from vector<1xi32>
      %slice3A_408 = vector.extract_strided_slice %and3A_114 {offsets = [14], sizes = [1], strides = [1]} : vector<16xi32> to vector<1xi32>
      %squeeze3A_409 = vector.extract %slice3A_408[0] : i32 from vector<1xi32>
      %mul3A_410 = arith.constant 2 : i32
      %mul3A_411 = arith.muli %mul3A_410, %scan3A_105 : i32
      %add3A_412 = arith.constant 1 : i32
      %add3A_413 = arith.addi %mul3A_411, %add3A_412 : i32
      %dma_start3A_414 = arith.constant 6 : i32
      %dma_start3A_415 = arith.constant 0 : i32
      %dma_start3A_416 = tpu.memref_slice %arg6[%add3A_413, %dma_start3A_414, %dma_start3A_415] : memref<64x8x64xf32, #tpu.memory_space<vmem>> -> memref<1x1x64xf32, #tpu.memory_space<vmem>>
      %dma_start3A_417 = tpu.memref_squeeze %dma_start3A_416 : memref<1x1x64xf32, #tpu.memory_space<vmem>> -> memref<64xf32, #tpu.memory_space<vmem>>
      %dma_start3A_418 = arith.constant 0 : i32
      %dma_start3A_419 = tpu.memref_slice %arg3[%squeeze3A_407, %squeeze3A_409, %dma_start3A_418] : memref<12500x8x64xf32, #tpu.memory_space<hbm>> -> memref<1x1x64xf32, #tpu.memory_space<hbm>>
      %dma_start3A_420 = tpu.memref_squeeze %dma_start3A_419 : memref<1x1x64xf32, #tpu.memory_space<hbm>> -> memref<64xf32, #tpu.memory_space<hbm>>
      %dma_start3A_421 = arith.constant 0 : i32
      %dma_start3A_422 = tpu.memref_slice %arg6[%add3A_413, %dma_start3A_414, %dma_start3A_421] : memref<64x8x64xf32, #tpu.memory_space<vmem>> -> memref<1x1x64xf32, #tpu.memory_space<vmem>>
      %dma_start3A_423 = tpu.memref_squeeze %dma_start3A_422 : memref<1x1x64xf32, #tpu.memory_space<vmem>> -> memref<64xf32, #tpu.memory_space<vmem>>
      %dma_start3A_424 = arith.constant 0 : i32
      %dma_start3A_425 = tpu.memref_slice %arg3[%squeeze3A_407, %squeeze3A_409, %dma_start3A_424] : memref<12500x8x64xf32, #tpu.memory_space<hbm>> -> memref<1x1x64xf32, #tpu.memory_space<hbm>>
      %dma_start3A_426 = tpu.memref_squeeze %dma_start3A_425 : memref<1x1x64xf32, #tpu.memory_space<hbm>> -> memref<64xf32, #tpu.memory_space<hbm>>
      tpu.enqueue_dma source(%dma_start3A_426 : memref<64xf32, #tpu.memory_space<hbm>>) target(%dma_start3A_423 : memref<64xf32, #tpu.memory_space<vmem>>) target_semaphore(%arg7 : memref<!tpu.dma_semaphore, #tpu.memory_space<semaphore_mem>>)
      %slice3A_427 = vector.extract_strided_slice %shift_right_arithmetic3A_111 {offsets = [15], sizes = [1], strides = [1]} : vector<16xi32> to vector<1xi32>
      %squeeze3A_428 = vector.extract %slice3A_427[0] : i32 from vector<1xi32>
      %slice3A_429 = vector.extract_strided_slice %and3A_114 {offsets = [15], sizes = [1], strides = [1]} : vector<16xi32> to vector<1xi32>
      %squeeze3A_430 = vector.extract %slice3A_429[0] : i32 from vector<1xi32>
      %mul3A_431 = arith.constant 2 : i32
      %mul3A_432 = arith.muli %mul3A_431, %scan3A_105 : i32
      %add3A_433 = arith.constant 1 : i32
      %add3A_434 = arith.addi %mul3A_432, %add3A_433 : i32
      %dma_start3A_435 = arith.constant 7 : i32
      %dma_start3A_436 = arith.constant 0 : i32
      %dma_start3A_437 = tpu.memref_slice %arg6[%add3A_434, %dma_start3A_435, %dma_start3A_436] : memref<64x8x64xf32, #tpu.memory_space<vmem>> -> memref<1x1x64xf32, #tpu.memory_space<vmem>>
      %dma_start3A_438 = tpu.memref_squeeze %dma_start3A_437 : memref<1x1x64xf32, #tpu.memory_space<vmem>> -> memref<64xf32, #tpu.memory_space<vmem>>
      %dma_start3A_439 = arith.constant 0 : i32
      %dma_start3A_440 = tpu.memref_slice %arg3[%squeeze3A_428, %squeeze3A_430, %dma_start3A_439] : memref<12500x8x64xf32, #tpu.memory_space<hbm>> -> memref<1x1x64xf32, #tpu.memory_space<hbm>>
      %dma_start3A_441 = tpu.memref_squeeze %dma_start3A_440 : memref<1x1x64xf32, #tpu.memory_space<hbm>> -> memref<64xf32, #tpu.memory_space<hbm>>
      %dma_start3A_442 = arith.constant 0 : i32
      %dma_start3A_443 = tpu.memref_slice %arg6[%add3A_434, %dma_start3A_435, %dma_start3A_442] : memref<64x8x64xf32, #tpu.memory_space<vmem>> -> memref<1x1x64xf32, #tpu.memory_space<vmem>>
      %dma_start3A_444 = tpu.memref_squeeze %dma_start3A_443 : memref<1x1x64xf32, #tpu.memory_space<vmem>> -> memref<64xf32, #tpu.memory_space<vmem>>
      %dma_start3A_445 = arith.constant 0 : i32
      %dma_start3A_446 = tpu.memref_slice %arg3[%squeeze3A_428, %squeeze3A_430, %dma_start3A_445] : memref<12500x8x64xf32, #tpu.memory_space<hbm>> -> memref<1x1x64xf32, #tpu.memory_space<hbm>>
      %dma_start3A_447 = tpu.memref_squeeze %dma_start3A_446 : memref<1x1x64xf32, #tpu.memory_space<hbm>> -> memref<64xf32, #tpu.memory_space<hbm>>
      tpu.enqueue_dma source(%dma_start3A_447 : memref<64xf32, #tpu.memory_space<hbm>>) target(%dma_start3A_444 : memref<64xf32, #tpu.memory_space<vmem>>) target_semaphore(%arg7 : memref<!tpu.dma_semaphore, #tpu.memory_space<semaphore_mem>>)
    }
    %scan3A_7 = arith.constant 8 : i32
    %scan3A_8 = arith.constant 0 : i32
    %scan3A_9 = arith.constant 8 : i32
    %scan3A_10 = arith.constant 8 : i32
    %scan3A_11 = arith.addi %scan3A_9, %scan3A_10 : i32
    %scan3A_12 = arith.constant 1 : i32
    scf.for %scan3A_105 = %scan3A_9 to %scan3A_11 step %scan3A_12  : i32 {
      %mul3A_106 = arith.constant 16 : i32
      %mul3A_107 = arith.muli %scan3A_105, %mul3A_106 : i32
      %get3A = arith.index_cast %mul3A_107 : i32 to index
      %get3A_108 = tpu.vector_load %arg5[%get3A] {strides = array<i32>} : memref<512xi32, #tpu.memory_space<vmem>>, vector<16xi32>,
      %get3A_109 = vector.shape_cast %get3A_108 : vector<16xi32> to vector<16xi32>
      %shift_right_arithmetic3A = arith.constant 3 : i32
      %shift_right_arithmetic3A_110 = vector.broadcast %shift_right_arithmetic3A : i32 to vector<16xi32>
      %shift_right_arithmetic3A_111 = arith.shrsi %get3A_109, %shift_right_arithmetic3A_110 : vector<16xi32>
      %and3A_112 = arith.constant 7 : i32
      %and3A_113 = vector.broadcast %and3A_112 : i32 to vector<16xi32>
      %and3A_114 = arith.andi %get3A_109, %and3A_113 : vector<16xi32>
      %slice3A = vector.extract_strided_slice %shift_right_arithmetic3A_111 {offsets = [0], sizes = [1], strides = [1]} : vector<16xi32> to vector<1xi32>
      %squeeze3A = vector.extract %slice3A[0] : i32 from vector<1xi32>
      %slice3A_115 = vector.extract_strided_slice %and3A_114 {offsets = [0], sizes = [1], strides = [1]} : vector<16xi32> to vector<1xi32>
      %squeeze3A_116 = vector.extract %slice3A_115[0] : i32 from vector<1xi32>
      %mul3A_117 = arith.constant 2 : i32
      %mul3A_118 = arith.muli %mul3A_117, %scan3A_105 : i32
      %add3A_119 = arith.constant 0 : i32
      %add3A_120 = arith.addi %mul3A_118, %add3A_119 : i32
      %dma_start3A = arith.constant 0 : i32
      %dma_start3A_121 = arith.constant 0 : i32
      %dma_start3A_122 = tpu.memref_slice %arg6[%add3A_120, %dma_start3A, %dma_start3A_121] : memref<64x8x64xf32, #tpu.memory_space<vmem>> -> memref<1x1x64xf32, #tpu.memory_space<vmem>>
      %dma_start3A_123 = tpu.memref_squeeze %dma_start3A_122 : memref<1x1x64xf32, #tpu.memory_space<vmem>> -> memref<64xf32, #tpu.memory_space<vmem>>
      %dma_start3A_124 = arith.constant 0 : i32
      %dma_start3A_125 = tpu.memref_slice %arg3[%squeeze3A, %squeeze3A_116, %dma_start3A_124] : memref<12500x8x64xf32, #tpu.memory_space<hbm>> -> memref<1x1x64xf32, #tpu.memory_space<hbm>>
      %dma_start3A_126 = tpu.memref_squeeze %dma_start3A_125 : memref<1x1x64xf32, #tpu.memory_space<hbm>> -> memref<64xf32, #tpu.memory_space<hbm>>
      %dma_start3A_127 = arith.constant 0 : i32
      %dma_start3A_128 = tpu.memref_slice %arg6[%add3A_120, %dma_start3A, %dma_start3A_127] : memref<64x8x64xf32, #tpu.memory_space<vmem>> -> memref<1x1x64xf32, #tpu.memory_space<vmem>>
      %dma_start3A_129 = tpu.memref_squeeze %dma_start3A_128 : memref<1x1x64xf32, #tpu.memory_space<vmem>> -> memref<64xf32, #tpu.memory_space<vmem>>
      %dma_start3A_130 = arith.constant 0 : i32
      %dma_start3A_131 = tpu.memref_slice %arg3[%squeeze3A, %squeeze3A_116, %dma_start3A_130] : memref<12500x8x64xf32, #tpu.memory_space<hbm>> -> memref<1x1x64xf32, #tpu.memory_space<hbm>>
      %dma_start3A_132 = tpu.memref_squeeze %dma_start3A_131 : memref<1x1x64xf32, #tpu.memory_space<hbm>> -> memref<64xf32, #tpu.memory_space<hbm>>
      tpu.enqueue_dma source(%dma_start3A_132 : memref<64xf32, #tpu.memory_space<hbm>>) target(%dma_start3A_129 : memref<64xf32, #tpu.memory_space<vmem>>) target_semaphore(%arg7 : memref<!tpu.dma_semaphore, #tpu.memory_space<semaphore_mem>>)
      %slice3A_133 = vector.extract_strided_slice %shift_right_arithmetic3A_111 {offsets = [1], sizes = [1], strides = [1]} : vector<16xi32> to vector<1xi32>
      %squeeze3A_134 = vector.extract %slice3A_133[0] : i32 from vector<1xi32>
      %slice3A_135 = vector.extract_strided_slice %and3A_114 {offsets = [1], sizes = [1], strides = [1]} : vector<16xi32> to vector<1xi32>
      %squeeze3A_136 = vector.extract %slice3A_135[0] : i32 from vector<1xi32>
      %mul3A_137 = arith.constant 2 : i32
      %mul3A_138 = arith.muli %mul3A_137, %scan3A_105 : i32
      %add3A_139 = arith.constant 0 : i32
      %add3A_140 = arith.addi %mul3A_138, %add3A_139 : i32
      %dma_start3A_141 = arith.constant 1 : i32
      %dma_start3A_142 = arith.constant 0 : i32
      %dma_start3A_143 = tpu.memref_slice %arg6[%add3A_140, %dma_start3A_141, %dma_start3A_142] : memref<64x8x64xf32, #tpu.memory_space<vmem>> -> memref<1x1x64xf32, #tpu.memory_space<vmem>>
      %dma_start3A_144 = tpu.memref_squeeze %dma_start3A_143 : memref<1x1x64xf32, #tpu.memory_space<vmem>> -> memref<64xf32, #tpu.memory_space<vmem>>
      %dma_start3A_145 = arith.constant 0 : i32
      %dma_start3A_146 = tpu.memref_slice %arg3[%squeeze3A_134, %squeeze3A_136, %dma_start3A_145] : memref<12500x8x64xf32, #tpu.memory_space<hbm>> -> memref<1x1x64xf32, #tpu.memory_space<hbm>>
      %dma_start3A_147 = tpu.memref_squeeze %dma_start3A_146 : memref<1x1x64xf32, #tpu.memory_space<hbm>> -> memref<64xf32, #tpu.memory_space<hbm>>
      %dma_start3A_148 = arith.constant 0 : i32
      %dma_start3A_149 = tpu.memref_slice %arg6[%add3A_140, %dma_start3A_141, %dma_start3A_148] : memref<64x8x64xf32, #tpu.memory_space<vmem>> -> memref<1x1x64xf32, #tpu.memory_space<vmem>>
      %dma_start3A_150 = tpu.memref_squeeze %dma_start3A_149 : memref<1x1x64xf32, #tpu.memory_space<vmem>> -> memref<64xf32, #tpu.memory_space<vmem>>
      %dma_start3A_151 = arith.constant 0 : i32
      %dma_start3A_152 = tpu.memref_slice %arg3[%squeeze3A_134, %squeeze3A_136, %dma_start3A_151] : memref<12500x8x64xf32, #tpu.memory_space<hbm>> -> memref<1x1x64xf32, #tpu.memory_space<hbm>>
      %dma_start3A_153 = tpu.memref_squeeze %dma_start3A_152 : memref<1x1x64xf32, #tpu.memory_space<hbm>> -> memref<64xf32, #tpu.memory_space<hbm>>
      tpu.enqueue_dma source(%dma_start3A_153 : memref<64xf32, #tpu.memory_space<hbm>>) target(%dma_start3A_150 : memref<64xf32, #tpu.memory_space<vmem>>) target_semaphore(%arg7 : memref<!tpu.dma_semaphore, #tpu.memory_space<semaphore_mem>>)
      %slice3A_154 = vector.extract_strided_slice %shift_right_arithmetic3A_111 {offsets = [2], sizes = [1], strides = [1]} : vector<16xi32> to vector<1xi32>
      %squeeze3A_155 = vector.extract %slice3A_154[0] : i32 from vector<1xi32>
      %slice3A_156 = vector.extract_strided_slice %and3A_114 {offsets = [2], sizes = [1], strides = [1]} : vector<16xi32> to vector<1xi32>
      %squeeze3A_157 = vector.extract %slice3A_156[0] : i32 from vector<1xi32>
      %mul3A_158 = arith.constant 2 : i32
      %mul3A_159 = arith.muli %mul3A_158, %scan3A_105 : i32
      %add3A_160 = arith.constant 0 : i32
      %add3A_161 = arith.addi %mul3A_159, %add3A_160 : i32
      %dma_start3A_162 = arith.constant 2 : i32
      %dma_start3A_163 = arith.constant 0 : i32
      %dma_start3A_164 = tpu.memref_slice %arg6[%add3A_161, %dma_start3A_162, %dma_start3A_163] : memref<64x8x64xf32, #tpu.memory_space<vmem>> -> memref<1x1x64xf32, #tpu.memory_space<vmem>>
      %dma_start3A_165 = tpu.memref_squeeze %dma_start3A_164 : memref<1x1x64xf32, #tpu.memory_space<vmem>> -> memref<64xf32, #tpu.memory_space<vmem>>
      %dma_start3A_166 = arith.constant 0 : i32
      %dma_start3A_167 = tpu.memref_slice %arg3[%squeeze3A_155, %squeeze3A_157, %dma_start3A_166] : memref<12500x8x64xf32, #tpu.memory_space<hbm>> -> memref<1x1x64xf32, #tpu.memory_space<hbm>>
      %dma_start3A_168 = tpu.memref_squeeze %dma_start3A_167 : memref<1x1x64xf32, #tpu.memory_space<hbm>> -> memref<64xf32, #tpu.memory_space<hbm>>
      %dma_start3A_169 = arith.constant 0 : i32
      %dma_start3A_170 = tpu.memref_slice %arg6[%add3A_161, %dma_start3A_162, %dma_start3A_169] : memref<64x8x64xf32, #tpu.memory_space<vmem>> -> memref<1x1x64xf32, #tpu.memory_space<vmem>>
      %dma_start3A_171 = tpu.memref_squeeze %dma_start3A_170 : memref<1x1x64xf32, #tpu.memory_space<vmem>> -> memref<64xf32, #tpu.memory_space<vmem>>
      %dma_start3A_172 = arith.constant 0 : i32
      %dma_start3A_173 = tpu.memref_slice %arg3[%squeeze3A_155, %squeeze3A_157, %dma_start3A_172] : memref<12500x8x64xf32, #tpu.memory_space<hbm>> -> memref<1x1x64xf32, #tpu.memory_space<hbm>>
      %dma_start3A_174 = tpu.memref_squeeze %dma_start3A_173 : memref<1x1x64xf32, #tpu.memory_space<hbm>> -> memref<64xf32, #tpu.memory_space<hbm>>
      tpu.enqueue_dma source(%dma_start3A_174 : memref<64xf32, #tpu.memory_space<hbm>>) target(%dma_start3A_171 : memref<64xf32, #tpu.memory_space<vmem>>) target_semaphore(%arg7 : memref<!tpu.dma_semaphore, #tpu.memory_space<semaphore_mem>>)
      %slice3A_175 = vector.extract_strided_slice %shift_right_arithmetic3A_111 {offsets = [3], sizes = [1], strides = [1]} : vector<16xi32> to vector<1xi32>
      %squeeze3A_176 = vector.extract %slice3A_175[0] : i32 from vector<1xi32>
      %slice3A_177 = vector.extract_strided_slice %and3A_114 {offsets = [3], sizes = [1], strides = [1]} : vector<16xi32> to vector<1xi32>
      %squeeze3A_178 = vector.extract %slice3A_177[0] : i32 from vector<1xi32>
      %mul3A_179 = arith.constant 2 : i32
      %mul3A_180 = arith.muli %mul3A_179, %scan3A_105 : i32
      %add3A_181 = arith.constant 0 : i32
      %add3A_182 = arith.addi %mul3A_180, %add3A_181 : i32
      %dma_start3A_183 = arith.constant 3 : i32
      %dma_start3A_184 = arith.constant 0 : i32
      %dma_start3A_185 = tpu.memref_slice %arg6[%add3A_182, %dma_start3A_183, %dma_start3A_184] : memref<64x8x64xf32, #tpu.memory_space<vmem>> -> memref<1x1x64xf32, #tpu.memory_space<vmem>>
      %dma_start3A_186 = tpu.memref_squeeze %dma_start3A_185 : memref<1x1x64xf32, #tpu.memory_space<vmem>> -> memref<64xf32, #tpu.memory_space<vmem>>
      %dma_start3A_187 = arith.constant 0 : i32
      %dma_start3A_188 = tpu.memref_slice %arg3[%squeeze3A_176, %squeeze3A_178, %dma_start3A_187] : memref<12500x8x64xf32, #tpu.memory_space<hbm>> -> memref<1x1x64xf32, #tpu.memory_space<hbm>>
      %dma_start3A_189 = tpu.memref_squeeze %dma_start3A_188 : memref<1x1x64xf32, #tpu.memory_space<hbm>> -> memref<64xf32, #tpu.memory_space<hbm>>
      %dma_start3A_190 = arith.constant 0 : i32
      %dma_start3A_191 = tpu.memref_slice %arg6[%add3A_182, %dma_start3A_183, %dma_start3A_190] : memref<64x8x64xf32, #tpu.memory_space<vmem>> -> memref<1x1x64xf32, #tpu.memory_space<vmem>>
      %dma_start3A_192 = tpu.memref_squeeze %dma_start3A_191 : memref<1x1x64xf32, #tpu.memory_space<vmem>> -> memref<64xf32, #tpu.memory_space<vmem>>
      %dma_start3A_193 = arith.constant 0 : i32
      %dma_start3A_194 = tpu.memref_slice %arg3[%squeeze3A_176, %squeeze3A_178, %dma_start3A_193] : memref<12500x8x64xf32, #tpu.memory_space<hbm>> -> memref<1x1x64xf32, #tpu.memory_space<hbm>>
      %dma_start3A_195 = tpu.memref_squeeze %dma_start3A_194 : memref<1x1x64xf32, #tpu.memory_space<hbm>> -> memref<64xf32, #tpu.memory_space<hbm>>
      tpu.enqueue_dma source(%dma_start3A_195 : memref<64xf32, #tpu.memory_space<hbm>>) target(%dma_start3A_192 : memref<64xf32, #tpu.memory_space<vmem>>) target_semaphore(%arg7 : memref<!tpu.dma_semaphore, #tpu.memory_space<semaphore_mem>>)
      %slice3A_196 = vector.extract_strided_slice %shift_right_arithmetic3A_111 {offsets = [4], sizes = [1], strides = [1]} : vector<16xi32> to vector<1xi32>
      %squeeze3A_197 = vector.extract %slice3A_196[0] : i32 from vector<1xi32>
      %slice3A_198 = vector.extract_strided_slice %and3A_114 {offsets = [4], sizes = [1], strides = [1]} : vector<16xi32> to vector<1xi32>
      %squeeze3A_199 = vector.extract %slice3A_198[0] : i32 from vector<1xi32>
      %mul3A_200 = arith.constant 2 : i32
      %mul3A_201 = arith.muli %mul3A_200, %scan3A_105 : i32
      %add3A_202 = arith.constant 0 : i32
      %add3A_203 = arith.addi %mul3A_201, %add3A_202 : i32
      %dma_start3A_204 = arith.constant 4 : i32
      %dma_start3A_205 = arith.constant 0 : i32
      %dma_start3A_206 = tpu.memref_slice %arg6[%add3A_203, %dma_start3A_204, %dma_start3A_205] : memref<64x8x64xf32, #tpu.memory_space<vmem>> -> memref<1x1x64xf32, #tpu.memory_space<vmem>>
      %dma_start3A_207 = tpu.memref_squeeze %dma_start3A_206 : memref<1x1x64xf32, #tpu.memory_space<vmem>> -> memref<64xf32, #tpu.memory_space<vmem>>
      %dma_start3A_208 = arith.constant 0 : i32
      %dma_start3A_209 = tpu.memref_slice %arg3[%squeeze3A_197, %squeeze3A_199, %dma_start3A_208] : memref<12500x8x64xf32, #tpu.memory_space<hbm>> -> memref<1x1x64xf32, #tpu.memory_space<hbm>>
      %dma_start3A_210 = tpu.memref_squeeze %dma_start3A_209 : memref<1x1x64xf32, #tpu.memory_space<hbm>> -> memref<64xf32, #tpu.memory_space<hbm>>
      %dma_start3A_211 = arith.constant 0 : i32
      %dma_start3A_212 = tpu.memref_slice %arg6[%add3A_203, %dma_start3A_204, %dma_start3A_211] : memref<64x8x64xf32, #tpu.memory_space<vmem>> -> memref<1x1x64xf32, #tpu.memory_space<vmem>>
      %dma_start3A_213 = tpu.memref_squeeze %dma_start3A_212 : memref<1x1x64xf32, #tpu.memory_space<vmem>> -> memref<64xf32, #tpu.memory_space<vmem>>
      %dma_start3A_214 = arith.constant 0 : i32
      %dma_start3A_215 = tpu.memref_slice %arg3[%squeeze3A_197, %squeeze3A_199, %dma_start3A_214] : memref<12500x8x64xf32, #tpu.memory_space<hbm>> -> memref<1x1x64xf32, #tpu.memory_space<hbm>>
      %dma_start3A_216 = tpu.memref_squeeze %dma_start3A_215 : memref<1x1x64xf32, #tpu.memory_space<hbm>> -> memref<64xf32, #tpu.memory_space<hbm>>
      tpu.enqueue_dma source(%dma_start3A_216 : memref<64xf32, #tpu.memory_space<hbm>>) target(%dma_start3A_213 : memref<64xf32, #tpu.memory_space<vmem>>) target_semaphore(%arg7 : memref<!tpu.dma_semaphore, #tpu.memory_space<semaphore_mem>>)
      %slice3A_217 = vector.extract_strided_slice %shift_right_arithmetic3A_111 {offsets = [5], sizes = [1], strides = [1]} : vector<16xi32> to vector<1xi32>
      %squeeze3A_218 = vector.extract %slice3A_217[0] : i32 from vector<1xi32>
      %slice3A_219 = vector.extract_strided_slice %and3A_114 {offsets = [5], sizes = [1], strides = [1]} : vector<16xi32> to vector<1xi32>
      %squeeze3A_220 = vector.extract %slice3A_219[0] : i32 from vector<1xi32>
      %mul3A_221 = arith.constant 2 : i32
      %mul3A_222 = arith.muli %mul3A_221, %scan3A_105 : i32
      %add3A_223 = arith.constant 0 : i32
      %add3A_224 = arith.addi %mul3A_222, %add3A_223 : i32
      %dma_start3A_225 = arith.constant 5 : i32
      %dma_start3A_226 = arith.constant 0 : i32
      %dma_start3A_227 = tpu.memref_slice %arg6[%add3A_224, %dma_start3A_225, %dma_start3A_226] : memref<64x8x64xf32, #tpu.memory_space<vmem>> -> memref<1x1x64xf32, #tpu.memory_space<vmem>>
      %dma_start3A_228 = tpu.memref_squeeze %dma_start3A_227 : memref<1x1x64xf32, #tpu.memory_space<vmem>> -> memref<64xf32, #tpu.memory_space<vmem>>
      %dma_start3A_229 = arith.constant 0 : i32
      %dma_start3A_230 = tpu.memref_slice %arg3[%squeeze3A_218, %squeeze3A_220, %dma_start3A_229] : memref<12500x8x64xf32, #tpu.memory_space<hbm>> -> memref<1x1x64xf32, #tpu.memory_space<hbm>>
      %dma_start3A_231 = tpu.memref_squeeze %dma_start3A_230 : memref<1x1x64xf32, #tpu.memory_space<hbm>> -> memref<64xf32, #tpu.memory_space<hbm>>
      %dma_start3A_232 = arith.constant 0 : i32
      %dma_start3A_233 = tpu.memref_slice %arg6[%add3A_224, %dma_start3A_225, %dma_start3A_232] : memref<64x8x64xf32, #tpu.memory_space<vmem>> -> memref<1x1x64xf32, #tpu.memory_space<vmem>>
      %dma_start3A_234 = tpu.memref_squeeze %dma_start3A_233 : memref<1x1x64xf32, #tpu.memory_space<vmem>> -> memref<64xf32, #tpu.memory_space<vmem>>
      %dma_start3A_235 = arith.constant 0 : i32
      %dma_start3A_236 = tpu.memref_slice %arg3[%squeeze3A_218, %squeeze3A_220, %dma_start3A_235] : memref<12500x8x64xf32, #tpu.memory_space<hbm>> -> memref<1x1x64xf32, #tpu.memory_space<hbm>>
      %dma_start3A_237 = tpu.memref_squeeze %dma_start3A_236 : memref<1x1x64xf32, #tpu.memory_space<hbm>> -> memref<64xf32, #tpu.memory_space<hbm>>
      tpu.enqueue_dma source(%dma_start3A_237 : memref<64xf32, #tpu.memory_space<hbm>>) target(%dma_start3A_234 : memref<64xf32, #tpu.memory_space<vmem>>) target_semaphore(%arg7 : memref<!tpu.dma_semaphore, #tpu.memory_space<semaphore_mem>>)
      %slice3A_238 = vector.extract_strided_slice %shift_right_arithmetic3A_111 {offsets = [6], sizes = [1], strides = [1]} : vector<16xi32> to vector<1xi32>
      %squeeze3A_239 = vector.extract %slice3A_238[0] : i32 from vector<1xi32>
      %slice3A_240 = vector.extract_strided_slice %and3A_114 {offsets = [6], sizes = [1], strides = [1]} : vector<16xi32> to vector<1xi32>
      %squeeze3A_241 = vector.extract %slice3A_240[0] : i32 from vector<1xi32>
      %mul3A_242 = arith.constant 2 : i32
      %mul3A_243 = arith.muli %mul3A_242, %scan3A_105 : i32
      %add3A_244 = arith.constant 0 : i32
      %add3A_245 = arith.addi %mul3A_243, %add3A_244 : i32
      %dma_start3A_246 = arith.constant 6 : i32
      %dma_start3A_247 = arith.constant 0 : i32
      %dma_start3A_248 = tpu.memref_slice %arg6[%add3A_245, %dma_start3A_246, %dma_start3A_247] : memref<64x8x64xf32, #tpu.memory_space<vmem>> -> memref<1x1x64xf32, #tpu.memory_space<vmem>>
      %dma_start3A_249 = tpu.memref_squeeze %dma_start3A_248 : memref<1x1x64xf32, #tpu.memory_space<vmem>> -> memref<64xf32, #tpu.memory_space<vmem>>
      %dma_start3A_250 = arith.constant 0 : i32
      %dma_start3A_251 = tpu.memref_slice %arg3[%squeeze3A_239, %squeeze3A_241, %dma_start3A_250] : memref<12500x8x64xf32, #tpu.memory_space<hbm>> -> memref<1x1x64xf32, #tpu.memory_space<hbm>>
      %dma_start3A_252 = tpu.memref_squeeze %dma_start3A_251 : memref<1x1x64xf32, #tpu.memory_space<hbm>> -> memref<64xf32, #tpu.memory_space<hbm>>
      %dma_start3A_253 = arith.constant 0 : i32
      %dma_start3A_254 = tpu.memref_slice %arg6[%add3A_245, %dma_start3A_246, %dma_start3A_253] : memref<64x8x64xf32, #tpu.memory_space<vmem>> -> memref<1x1x64xf32, #tpu.memory_space<vmem>>
      %dma_start3A_255 = tpu.memref_squeeze %dma_start3A_254 : memref<1x1x64xf32, #tpu.memory_space<vmem>> -> memref<64xf32, #tpu.memory_space<vmem>>
      %dma_start3A_256 = arith.constant 0 : i32
      %dma_start3A_257 = tpu.memref_slice %arg3[%squeeze3A_239, %squeeze3A_241, %dma_start3A_256] : memref<12500x8x64xf32, #tpu.memory_space<hbm>> -> memref<1x1x64xf32, #tpu.memory_space<hbm>>
      %dma_start3A_258 = tpu.memref_squeeze %dma_start3A_257 : memref<1x1x64xf32, #tpu.memory_space<hbm>> -> memref<64xf32, #tpu.memory_space<hbm>>
      tpu.enqueue_dma source(%dma_start3A_258 : memref<64xf32, #tpu.memory_space<hbm>>) target(%dma_start3A_255 : memref<64xf32, #tpu.memory_space<vmem>>) target_semaphore(%arg7 : memref<!tpu.dma_semaphore, #tpu.memory_space<semaphore_mem>>)
      %slice3A_259 = vector.extract_strided_slice %shift_right_arithmetic3A_111 {offsets = [7], sizes = [1], strides = [1]} : vector<16xi32> to vector<1xi32>
      %squeeze3A_260 = vector.extract %slice3A_259[0] : i32 from vector<1xi32>
      %slice3A_261 = vector.extract_strided_slice %and3A_114 {offsets = [7], sizes = [1], strides = [1]} : vector<16xi32> to vector<1xi32>
      %squeeze3A_262 = vector.extract %slice3A_261[0] : i32 from vector<1xi32>
      %mul3A_263 = arith.constant 2 : i32
      %mul3A_264 = arith.muli %mul3A_263, %scan3A_105 : i32
      %add3A_265 = arith.constant 0 : i32
      %add3A_266 = arith.addi %mul3A_264, %add3A_265 : i32
      %dma_start3A_267 = arith.constant 7 : i32
      %dma_start3A_268 = arith.constant 0 : i32
      %dma_start3A_269 = tpu.memref_slice %arg6[%add3A_266, %dma_start3A_267, %dma_start3A_268] : memref<64x8x64xf32, #tpu.memory_space<vmem>> -> memref<1x1x64xf32, #tpu.memory_space<vmem>>
      %dma_start3A_270 = tpu.memref_squeeze %dma_start3A_269 : memref<1x1x64xf32, #tpu.memory_space<vmem>> -> memref<64xf32, #tpu.memory_space<vmem>>
      %dma_start3A_271 = arith.constant 0 : i32
      %dma_start3A_272 = tpu.memref_slice %arg3[%squeeze3A_260, %squeeze3A_262, %dma_start3A_271] : memref<12500x8x64xf32, #tpu.memory_space<hbm>> -> memref<1x1x64xf32, #tpu.memory_space<hbm>>
      %dma_start3A_273 = tpu.memref_squeeze %dma_start3A_272 : memref<1x1x64xf32, #tpu.memory_space<hbm>> -> memref<64xf32, #tpu.memory_space<hbm>>
      %dma_start3A_274 = arith.constant 0 : i32
      %dma_start3A_275 = tpu.memref_slice %arg6[%add3A_266, %dma_start3A_267, %dma_start3A_274] : memref<64x8x64xf32, #tpu.memory_space<vmem>> -> memref<1x1x64xf32, #tpu.memory_space<vmem>>
      %dma_start3A_276 = tpu.memref_squeeze %dma_start3A_275 : memref<1x1x64xf32, #tpu.memory_space<vmem>> -> memref<64xf32, #tpu.memory_space<vmem>>
      %dma_start3A_277 = arith.constant 0 : i32
      %dma_start3A_278 = tpu.memref_slice %arg3[%squeeze3A_260, %squeeze3A_262, %dma_start3A_277] : memref<12500x8x64xf32, #tpu.memory_space<hbm>> -> memref<1x1x64xf32, #tpu.memory_space<hbm>>
      %dma_start3A_279 = tpu.memref_squeeze %dma_start3A_278 : memref<1x1x64xf32, #tpu.memory_space<hbm>> -> memref<64xf32, #tpu.memory_space<hbm>>
      tpu.enqueue_dma source(%dma_start3A_279 : memref<64xf32, #tpu.memory_space<hbm>>) target(%dma_start3A_276 : memref<64xf32, #tpu.memory_space<vmem>>) target_semaphore(%arg7 : memref<!tpu.dma_semaphore, #tpu.memory_space<semaphore_mem>>)
      %slice3A_280 = vector.extract_strided_slice %shift_right_arithmetic3A_111 {offsets = [8], sizes = [1], strides = [1]} : vector<16xi32> to vector<1xi32>
      %squeeze3A_281 = vector.extract %slice3A_280[0] : i32 from vector<1xi32>
      %slice3A_282 = vector.extract_strided_slice %and3A_114 {offsets = [8], sizes = [1], strides = [1]} : vector<16xi32> to vector<1xi32>
      %squeeze3A_283 = vector.extract %slice3A_282[0] : i32 from vector<1xi32>
      %mul3A_284 = arith.constant 2 : i32
      %mul3A_285 = arith.muli %mul3A_284, %scan3A_105 : i32
      %add3A_286 = arith.constant 1 : i32
      %add3A_287 = arith.addi %mul3A_285, %add3A_286 : i32
      %dma_start3A_288 = arith.constant 0 : i32
      %dma_start3A_289 = arith.constant 0 : i32
      %dma_start3A_290 = tpu.memref_slice %arg6[%add3A_287, %dma_start3A_288, %dma_start3A_289] : memref<64x8x64xf32, #tpu.memory_space<vmem>> -> memref<1x1x64xf32, #tpu.memory_space<vmem>>
      %dma_start3A_291 = tpu.memref_squeeze %dma_start3A_290 : memref<1x1x64xf32, #tpu.memory_space<vmem>> -> memref<64xf32, #tpu.memory_space<vmem>>
      %dma_start3A_292 = arith.constant 0 : i32
      %dma_start3A_293 = tpu.memref_slice %arg3[%squeeze3A_281, %squeeze3A_283, %dma_start3A_292] : memref<12500x8x64xf32, #tpu.memory_space<hbm>> -> memref<1x1x64xf32, #tpu.memory_space<hbm>>
      %dma_start3A_294 = tpu.memref_squeeze %dma_start3A_293 : memref<1x1x64xf32, #tpu.memory_space<hbm>> -> memref<64xf32, #tpu.memory_space<hbm>>
      %dma_start3A_295 = arith.constant 0 : i32
      %dma_start3A_296 = tpu.memref_slice %arg6[%add3A_287, %dma_start3A_288, %dma_start3A_295] : memref<64x8x64xf32, #tpu.memory_space<vmem>> -> memref<1x1x64xf32, #tpu.memory_space<vmem>>
      %dma_start3A_297 = tpu.memref_squeeze %dma_start3A_296 : memref<1x1x64xf32, #tpu.memory_space<vmem>> -> memref<64xf32, #tpu.memory_space<vmem>>
      %dma_start3A_298 = arith.constant 0 : i32
      %dma_start3A_299 = tpu.memref_slice %arg3[%squeeze3A_281, %squeeze3A_283, %dma_start3A_298] : memref<12500x8x64xf32, #tpu.memory_space<hbm>> -> memref<1x1x64xf32, #tpu.memory_space<hbm>>
      %dma_start3A_300 = tpu.memref_squeeze %dma_start3A_299 : memref<1x1x64xf32, #tpu.memory_space<hbm>> -> memref<64xf32, #tpu.memory_space<hbm>>
      tpu.enqueue_dma source(%dma_start3A_300 : memref<64xf32, #tpu.memory_space<hbm>>) target(%dma_start3A_297 : memref<64xf32, #tpu.memory_space<vmem>>) target_semaphore(%arg7 : memref<!tpu.dma_semaphore, #tpu.memory_space<semaphore_mem>>)
      %slice3A_301 = vector.extract_strided_slice %shift_right_arithmetic3A_111 {offsets = [9], sizes = [1], strides = [1]} : vector<16xi32> to vector<1xi32>
      %squeeze3A_302 = vector.extract %slice3A_301[0] : i32 from vector<1xi32>
      %slice3A_303 = vector.extract_strided_slice %and3A_114 {offsets = [9], sizes = [1], strides = [1]} : vector<16xi32> to vector<1xi32>
      %squeeze3A_304 = vector.extract %slice3A_303[0] : i32 from vector<1xi32>
      %mul3A_305 = arith.constant 2 : i32
      %mul3A_306 = arith.muli %mul3A_305, %scan3A_105 : i32
      %add3A_307 = arith.constant 1 : i32
      %add3A_308 = arith.addi %mul3A_306, %add3A_307 : i32
      %dma_start3A_309 = arith.constant 1 : i32
      %dma_start3A_310 = arith.constant 0 : i32
      %dma_start3A_311 = tpu.memref_slice %arg6[%add3A_308, %dma_start3A_309, %dma_start3A_310] : memref<64x8x64xf32, #tpu.memory_space<vmem>> -> memref<1x1x64xf32, #tpu.memory_space<vmem>>
      %dma_start3A_312 = tpu.memref_squeeze %dma_start3A_311 : memref<1x1x64xf32, #tpu.memory_space<vmem>> -> memref<64xf32, #tpu.memory_space<vmem>>
      %dma_start3A_313 = arith.constant 0 : i32
      %dma_start3A_314 = tpu.memref_slice %arg3[%squeeze3A_302, %squeeze3A_304, %dma_start3A_313] : memref<12500x8x64xf32, #tpu.memory_space<hbm>> -> memref<1x1x64xf32, #tpu.memory_space<hbm>>
      %dma_start3A_315 = tpu.memref_squeeze %dma_start3A_314 : memref<1x1x64xf32, #tpu.memory_space<hbm>> -> memref<64xf32, #tpu.memory_space<hbm>>
      %dma_start3A_316 = arith.constant 0 : i32
      %dma_start3A_317 = tpu.memref_slice %arg6[%add3A_308, %dma_start3A_309, %dma_start3A_316] : memref<64x8x64xf32, #tpu.memory_space<vmem>> -> memref<1x1x64xf32, #tpu.memory_space<vmem>>
      %dma_start3A_318 = tpu.memref_squeeze %dma_start3A_317 : memref<1x1x64xf32, #tpu.memory_space<vmem>> -> memref<64xf32, #tpu.memory_space<vmem>>
      %dma_start3A_319 = arith.constant 0 : i32
      %dma_start3A_320 = tpu.memref_slice %arg3[%squeeze3A_302, %squeeze3A_304, %dma_start3A_319] : memref<12500x8x64xf32, #tpu.memory_space<hbm>> -> memref<1x1x64xf32, #tpu.memory_space<hbm>>
      %dma_start3A_321 = tpu.memref_squeeze %dma_start3A_320 : memref<1x1x64xf32, #tpu.memory_space<hbm>> -> memref<64xf32, #tpu.memory_space<hbm>>
      tpu.enqueue_dma source(%dma_start3A_321 : memref<64xf32, #tpu.memory_space<hbm>>) target(%dma_start3A_318 : memref<64xf32, #tpu.memory_space<vmem>>) target_semaphore(%arg7 : memref<!tpu.dma_semaphore, #tpu.memory_space<semaphore_mem>>)
      %slice3A_322 = vector.extract_strided_slice %shift_right_arithmetic3A_111 {offsets = [10], sizes = [1], strides = [1]} : vector<16xi32> to vector<1xi32>
      %squeeze3A_323 = vector.extract %slice3A_322[0] : i32 from vector<1xi32>
      %slice3A_324 = vector.extract_strided_slice %and3A_114 {offsets = [10], sizes = [1], strides = [1]} : vector<16xi32> to vector<1xi32>
      %squeeze3A_325 = vector.extract %slice3A_324[0] : i32 from vector<1xi32>
      %mul3A_326 = arith.constant 2 : i32
      %mul3A_327 = arith.muli %mul3A_326, %scan3A_105 : i32
      %add3A_328 = arith.constant 1 : i32
      %add3A_329 = arith.addi %mul3A_327, %add3A_328 : i32
      %dma_start3A_330 = arith.constant 2 : i32
      %dma_start3A_331 = arith.constant 0 : i32
      %dma_start3A_332 = tpu.memref_slice %arg6[%add3A_329, %dma_start3A_330, %dma_start3A_331] : memref<64x8x64xf32, #tpu.memory_space<vmem>> -> memref<1x1x64xf32, #tpu.memory_space<vmem>>
      %dma_start3A_333 = tpu.memref_squeeze %dma_start3A_332 : memref<1x1x64xf32, #tpu.memory_space<vmem>> -> memref<64xf32, #tpu.memory_space<vmem>>
      %dma_start3A_334 = arith.constant 0 : i32
      %dma_start3A_335 = tpu.memref_slice %arg3[%squeeze3A_323, %squeeze3A_325, %dma_start3A_334] : memref<12500x8x64xf32, #tpu.memory_space<hbm>> -> memref<1x1x64xf32, #tpu.memory_space<hbm>>
      %dma_start3A_336 = tpu.memref_squeeze %dma_start3A_335 : memref<1x1x64xf32, #tpu.memory_space<hbm>> -> memref<64xf32, #tpu.memory_space<hbm>>
      %dma_start3A_337 = arith.constant 0 : i32
      %dma_start3A_338 = tpu.memref_slice %arg6[%add3A_329, %dma_start3A_330, %dma_start3A_337] : memref<64x8x64xf32, #tpu.memory_space<vmem>> -> memref<1x1x64xf32, #tpu.memory_space<vmem>>
      %dma_start3A_339 = tpu.memref_squeeze %dma_start3A_338 : memref<1x1x64xf32, #tpu.memory_space<vmem>> -> memref<64xf32, #tpu.memory_space<vmem>>
      %dma_start3A_340 = arith.constant 0 : i32
      %dma_start3A_341 = tpu.memref_slice %arg3[%squeeze3A_323, %squeeze3A_325, %dma_start3A_340] : memref<12500x8x64xf32, #tpu.memory_space<hbm>> -> memref<1x1x64xf32, #tpu.memory_space<hbm>>
      %dma_start3A_342 = tpu.memref_squeeze %dma_start3A_341 : memref<1x1x64xf32, #tpu.memory_space<hbm>> -> memref<64xf32, #tpu.memory_space<hbm>>
      tpu.enqueue_dma source(%dma_start3A_342 : memref<64xf32, #tpu.memory_space<hbm>>) target(%dma_start3A_339 : memref<64xf32, #tpu.memory_space<vmem>>) target_semaphore(%arg7 : memref<!tpu.dma_semaphore, #tpu.memory_space<semaphore_mem>>)
      %slice3A_343 = vector.extract_strided_slice %shift_right_arithmetic3A_111 {offsets = [11], sizes = [1], strides = [1]} : vector<16xi32> to vector<1xi32>
      %squeeze3A_344 = vector.extract %slice3A_343[0] : i32 from vector<1xi32>
      %slice3A_345 = vector.extract_strided_slice %and3A_114 {offsets = [11], sizes = [1], strides = [1]} : vector<16xi32> to vector<1xi32>
      %squeeze3A_346 = vector.extract %slice3A_345[0] : i32 from vector<1xi32>
      %mul3A_347 = arith.constant 2 : i32
      %mul3A_348 = arith.muli %mul3A_347, %scan3A_105 : i32
      %add3A_349 = arith.constant 1 : i32
      %add3A_350 = arith.addi %mul3A_348, %add3A_349 : i32
      %dma_start3A_351 = arith.constant 3 : i32
      %dma_start3A_352 = arith.constant 0 : i32
      %dma_start3A_353 = tpu.memref_slice %arg6[%add3A_350, %dma_start3A_351, %dma_start3A_352] : memref<64x8x64xf32, #tpu.memory_space<vmem>> -> memref<1x1x64xf32, #tpu.memory_space<vmem>>
      %dma_start3A_354 = tpu.memref_squeeze %dma_start3A_353 : memref<1x1x64xf32, #tpu.memory_space<vmem>> -> memref<64xf32, #tpu.memory_space<vmem>>
      %dma_start3A_355 = arith.constant 0 : i32
      %dma_start3A_356 = tpu.memref_slice %arg3[%squeeze3A_344, %squeeze3A_346, %dma_start3A_355] : memref<12500x8x64xf32, #tpu.memory_space<hbm>> -> memref<1x1x64xf32, #tpu.memory_space<hbm>>
      %dma_start3A_357 = tpu.memref_squeeze %dma_start3A_356 : memref<1x1x64xf32, #tpu.memory_space<hbm>> -> memref<64xf32, #tpu.memory_space<hbm>>
      %dma_start3A_358 = arith.constant 0 : i32
      %dma_start3A_359 = tpu.memref_slice %arg6[%add3A_350, %dma_start3A_351, %dma_start3A_358] : memref<64x8x64xf32, #tpu.memory_space<vmem>> -> memref<1x1x64xf32, #tpu.memory_space<vmem>>
      %dma_start3A_360 = tpu.memref_squeeze %dma_start3A_359 : memref<1x1x64xf32, #tpu.memory_space<vmem>> -> memref<64xf32, #tpu.memory_space<vmem>>
      %dma_start3A_361 = arith.constant 0 : i32
      %dma_start3A_362 = tpu.memref_slice %arg3[%squeeze3A_344, %squeeze3A_346, %dma_start3A_361] : memref<12500x8x64xf32, #tpu.memory_space<hbm>> -> memref<1x1x64xf32, #tpu.memory_space<hbm>>
      %dma_start3A_363 = tpu.memref_squeeze %dma_start3A_362 : memref<1x1x64xf32, #tpu.memory_space<hbm>> -> memref<64xf32, #tpu.memory_space<hbm>>
      tpu.enqueue_dma source(%dma_start3A_363 : memref<64xf32, #tpu.memory_space<hbm>>) target(%dma_start3A_360 : memref<64xf32, #tpu.memory_space<vmem>>) target_semaphore(%arg7 : memref<!tpu.dma_semaphore, #tpu.memory_space<semaphore_mem>>)
      %slice3A_364 = vector.extract_strided_slice %shift_right_arithmetic3A_111 {offsets = [12], sizes = [1], strides = [1]} : vector<16xi32> to vector<1xi32>
      %squeeze3A_365 = vector.extract %slice3A_364[0] : i32 from vector<1xi32>
      %slice3A_366 = vector.extract_strided_slice %and3A_114 {offsets = [12], sizes = [1], strides = [1]} : vector<16xi32> to vector<1xi32>
      %squeeze3A_367 = vector.extract %slice3A_366[0] : i32 from vector<1xi32>
      %mul3A_368 = arith.constant 2 : i32
      %mul3A_369 = arith.muli %mul3A_368, %scan3A_105 : i32
      %add3A_370 = arith.constant 1 : i32
      %add3A_371 = arith.addi %mul3A_369, %add3A_370 : i32
      %dma_start3A_372 = arith.constant 4 : i32
      %dma_start3A_373 = arith.constant 0 : i32
      %dma_start3A_374 = tpu.memref_slice %arg6[%add3A_371, %dma_start3A_372, %dma_start3A_373] : memref<64x8x64xf32, #tpu.memory_space<vmem>> -> memref<1x1x64xf32, #tpu.memory_space<vmem>>
      %dma_start3A_375 = tpu.memref_squeeze %dma_start3A_374 : memref<1x1x64xf32, #tpu.memory_space<vmem>> -> memref<64xf32, #tpu.memory_space<vmem>>
      %dma_start3A_376 = arith.constant 0 : i32
      %dma_start3A_377 = tpu.memref_slice %arg3[%squeeze3A_365, %squeeze3A_367, %dma_start3A_376] : memref<12500x8x64xf32, #tpu.memory_space<hbm>> -> memref<1x1x64xf32, #tpu.memory_space<hbm>>
      %dma_start3A_378 = tpu.memref_squeeze %dma_start3A_377 : memref<1x1x64xf32, #tpu.memory_space<hbm>> -> memref<64xf32, #tpu.memory_space<hbm>>
      %dma_start3A_379 = arith.constant 0 : i32
      %dma_start3A_380 = tpu.memref_slice %arg6[%add3A_371, %dma_start3A_372, %dma_start3A_379] : memref<64x8x64xf32, #tpu.memory_space<vmem>> -> memref<1x1x64xf32, #tpu.memory_space<vmem>>
      %dma_start3A_381 = tpu.memref_squeeze %dma_start3A_380 : memref<1x1x64xf32, #tpu.memory_space<vmem>> -> memref<64xf32, #tpu.memory_space<vmem>>
      %dma_start3A_382 = arith.constant 0 : i32
      %dma_start3A_383 = tpu.memref_slice %arg3[%squeeze3A_365, %squeeze3A_367, %dma_start3A_382] : memref<12500x8x64xf32, #tpu.memory_space<hbm>> -> memref<1x1x64xf32, #tpu.memory_space<hbm>>
      %dma_start3A_384 = tpu.memref_squeeze %dma_start3A_383 : memref<1x1x64xf32, #tpu.memory_space<hbm>> -> memref<64xf32, #tpu.memory_space<hbm>>
      tpu.enqueue_dma source(%dma_start3A_384 : memref<64xf32, #tpu.memory_space<hbm>>) target(%dma_start3A_381 : memref<64xf32, #tpu.memory_space<vmem>>) target_semaphore(%arg7 : memref<!tpu.dma_semaphore, #tpu.memory_space<semaphore_mem>>)
      %slice3A_385 = vector.extract_strided_slice %shift_right_arithmetic3A_111 {offsets = [13], sizes = [1], strides = [1]} : vector<16xi32> to vector<1xi32>
      %squeeze3A_386 = vector.extract %slice3A_385[0] : i32 from vector<1xi32>
      %slice3A_387 = vector.extract_strided_slice %and3A_114 {offsets = [13], sizes = [1], strides = [1]} : vector<16xi32> to vector<1xi32>
      %squeeze3A_388 = vector.extract %slice3A_387[0] : i32 from vector<1xi32>
      %mul3A_389 = arith.constant 2 : i32
      %mul3A_390 = arith.muli %mul3A_389, %scan3A_105 : i32
      %add3A_391 = arith.constant 1 : i32
      %add3A_392 = arith.addi %mul3A_390, %add3A_391 : i32
      %dma_start3A_393 = arith.constant 5 : i32
      %dma_start3A_394 = arith.constant 0 : i32
      %dma_start3A_395 = tpu.memref_slice %arg6[%add3A_392, %dma_start3A_393, %dma_start3A_394] : memref<64x8x64xf32, #tpu.memory_space<vmem>> -> memref<1x1x64xf32, #tpu.memory_space<vmem>>
      %dma_start3A_396 = tpu.memref_squeeze %dma_start3A_395 : memref<1x1x64xf32, #tpu.memory_space<vmem>> -> memref<64xf32, #tpu.memory_space<vmem>>
      %dma_start3A_397 = arith.constant 0 : i32
      %dma_start3A_398 = tpu.memref_slice %arg3[%squeeze3A_386, %squeeze3A_388, %dma_start3A_397] : memref<12500x8x64xf32, #tpu.memory_space<hbm>> -> memref<1x1x64xf32, #tpu.memory_space<hbm>>
      %dma_start3A_399 = tpu.memref_squeeze %dma_start3A_398 : memref<1x1x64xf32, #tpu.memory_space<hbm>> -> memref<64xf32, #tpu.memory_space<hbm>>
      %dma_start3A_400 = arith.constant 0 : i32
      %dma_start3A_401 = tpu.memref_slice %arg6[%add3A_392, %dma_start3A_393, %dma_start3A_400] : memref<64x8x64xf32, #tpu.memory_space<vmem>> -> memref<1x1x64xf32, #tpu.memory_space<vmem>>
      %dma_start3A_402 = tpu.memref_squeeze %dma_start3A_401 : memref<1x1x64xf32, #tpu.memory_space<vmem>> -> memref<64xf32, #tpu.memory_space<vmem>>
      %dma_start3A_403 = arith.constant 0 : i32
      %dma_start3A_404 = tpu.memref_slice %arg3[%squeeze3A_386, %squeeze3A_388, %dma_start3A_403] : memref<12500x8x64xf32, #tpu.memory_space<hbm>> -> memref<1x1x64xf32, #tpu.memory_space<hbm>>
      %dma_start3A_405 = tpu.memref_squeeze %dma_start3A_404 : memref<1x1x64xf32, #tpu.memory_space<hbm>> -> memref<64xf32, #tpu.memory_space<hbm>>
      tpu.enqueue_dma source(%dma_start3A_405 : memref<64xf32, #tpu.memory_space<hbm>>) target(%dma_start3A_402 : memref<64xf32, #tpu.memory_space<vmem>>) target_semaphore(%arg7 : memref<!tpu.dma_semaphore, #tpu.memory_space<semaphore_mem>>)
      %slice3A_406 = vector.extract_strided_slice %shift_right_arithmetic3A_111 {offsets = [14], sizes = [1], strides = [1]} : vector<16xi32> to vector<1xi32>
      %squeeze3A_407 = vector.extract %slice3A_406[0] : i32 from vector<1xi32>
      %slice3A_408 = vector.extract_strided_slice %and3A_114 {offsets = [14], sizes = [1], strides = [1]} : vector<16xi32> to vector<1xi32>
      %squeeze3A_409 = vector.extract %slice3A_408[0] : i32 from vector<1xi32>
      %mul3A_410 = arith.constant 2 : i32
      %mul3A_411 = arith.muli %mul3A_410, %scan3A_105 : i32
      %add3A_412 = arith.constant 1 : i32
      %add3A_413 = arith.addi %mul3A_411, %add3A_412 : i32
      %dma_start3A_414 = arith.constant 6 : i32
      %dma_start3A_415 = arith.constant 0 : i32
      %dma_start3A_416 = tpu.memref_slice %arg6[%add3A_413, %dma_start3A_414, %dma_start3A_415] : memref<64x8x64xf32, #tpu.memory_space<vmem>> -> memref<1x1x64xf32, #tpu.memory_space<vmem>>
      %dma_start3A_417 = tpu.memref_squeeze %dma_start3A_416 : memref<1x1x64xf32, #tpu.memory_space<vmem>> -> memref<64xf32, #tpu.memory_space<vmem>>
      %dma_start3A_418 = arith.constant 0 : i32
      %dma_start3A_419 = tpu.memref_slice %arg3[%squeeze3A_407, %squeeze3A_409, %dma_start3A_418] : memref<12500x8x64xf32, #tpu.memory_space<hbm>> -> memref<1x1x64xf32, #tpu.memory_space<hbm>>
      %dma_start3A_420 = tpu.memref_squeeze %dma_start3A_419 : memref<1x1x64xf32, #tpu.memory_space<hbm>> -> memref<64xf32, #tpu.memory_space<hbm>>
      %dma_start3A_421 = arith.constant 0 : i32
      %dma_start3A_422 = tpu.memref_slice %arg6[%add3A_413, %dma_start3A_414, %dma_start3A_421] : memref<64x8x64xf32, #tpu.memory_space<vmem>> -> memref<1x1x64xf32, #tpu.memory_space<vmem>>
      %dma_start3A_423 = tpu.memref_squeeze %dma_start3A_422 : memref<1x1x64xf32, #tpu.memory_space<vmem>> -> memref<64xf32, #tpu.memory_space<vmem>>
      %dma_start3A_424 = arith.constant 0 : i32
      %dma_start3A_425 = tpu.memref_slice %arg3[%squeeze3A_407, %squeeze3A_409, %dma_start3A_424] : memref<12500x8x64xf32, #tpu.memory_space<hbm>> -> memref<1x1x64xf32, #tpu.memory_space<hbm>>
      %dma_start3A_426 = tpu.memref_squeeze %dma_start3A_425 : memref<1x1x64xf32, #tpu.memory_space<hbm>> -> memref<64xf32, #tpu.memory_space<hbm>>
      tpu.enqueue_dma source(%dma_start3A_426 : memref<64xf32, #tpu.memory_space<hbm>>) target(%dma_start3A_423 : memref<64xf32, #tpu.memory_space<vmem>>) target_semaphore(%arg7 : memref<!tpu.dma_semaphore, #tpu.memory_space<semaphore_mem>>)
      %slice3A_427 = vector.extract_strided_slice %shift_right_arithmetic3A_111 {offsets = [15], sizes = [1], strides = [1]} : vector<16xi32> to vector<1xi32>
      %squeeze3A_428 = vector.extract %slice3A_427[0] : i32 from vector<1xi32>
      %slice3A_429 = vector.extract_strided_slice %and3A_114 {offsets = [15], sizes = [1], strides = [1]} : vector<16xi32> to vector<1xi32>
      %squeeze3A_430 = vector.extract %slice3A_429[0] : i32 from vector<1xi32>
      %mul3A_431 = arith.constant 2 : i32
      %mul3A_432 = arith.muli %mul3A_431, %scan3A_105 : i32
      %add3A_433 = arith.constant 1 : i32
      %add3A_434 = arith.addi %mul3A_432, %add3A_433 : i32
      %dma_start3A_435 = arith.constant 7 : i32
      %dma_start3A_436 = arith.constant 0 : i32
      %dma_start3A_437 = tpu.memref_slice %arg6[%add3A_434, %dma_start3A_435, %dma_start3A_436] : memref<64x8x64xf32, #tpu.memory_space<vmem>> -> memref<1x1x64xf32, #tpu.memory_space<vmem>>
      %dma_start3A_438 = tpu.memref_squeeze %dma_start3A_437 : memref<1x1x64xf32, #tpu.memory_space<vmem>> -> memref<64xf32, #tpu.memory_space<vmem>>
      %dma_start3A_439 = arith.constant 0 : i32
      %dma_start3A_440 = tpu.memref_slice %arg3[%squeeze3A_428, %squeeze3A_430, %dma_start3A_439] : memref<12500x8x64xf32, #tpu.memory_space<hbm>> -> memref<1x1x64xf32, #tpu.memory_space<hbm>>
      %dma_start3A_441 = tpu.memref_squeeze %dma_start3A_440 : memref<1x1x64xf32, #tpu.memory_space<hbm>> -> memref<64xf32, #tpu.memory_space<hbm>>
      %dma_start3A_442 = arith.constant 0 : i32
      %dma_start3A_443 = tpu.memref_slice %arg6[%add3A_434, %dma_start3A_435, %dma_start3A_442] : memref<64x8x64xf32, #tpu.memory_space<vmem>> -> memref<1x1x64xf32, #tpu.memory_space<vmem>>
      %dma_start3A_444 = tpu.memref_squeeze %dma_start3A_443 : memref<1x1x64xf32, #tpu.memory_space<vmem>> -> memref<64xf32, #tpu.memory_space<vmem>>
      %dma_start3A_445 = arith.constant 0 : i32
      %dma_start3A_446 = tpu.memref_slice %arg3[%squeeze3A_428, %squeeze3A_430, %dma_start3A_445] : memref<12500x8x64xf32, #tpu.memory_space<hbm>> -> memref<1x1x64xf32, #tpu.memory_space<hbm>>
      %dma_start3A_447 = tpu.memref_squeeze %dma_start3A_446 : memref<1x1x64xf32, #tpu.memory_space<hbm>> -> memref<64xf32, #tpu.memory_space<hbm>>
      tpu.enqueue_dma source(%dma_start3A_447 : memref<64xf32, #tpu.memory_space<hbm>>) target(%dma_start3A_444 : memref<64xf32, #tpu.memory_space<vmem>>) target_semaphore(%arg7 : memref<!tpu.dma_semaphore, #tpu.memory_space<semaphore_mem>>)
    }
    %scan3A_13 = arith.constant 8 : i32
    %dma_wait3A = arith.constant 0 : i32
    %dma_wait3A_14 = arith.constant 0 : i32
    %dma_wait3A_15 = arith.constant 0 : i32
    %dma_wait3A_16 = tpu.memref_slice %arg6[%dma_wait3A, %dma_wait3A_14, %dma_wait3A_15] : memref<64x8x64xf32, #tpu.memory_space<vmem>> -> memref<16x8x64xf32, #tpu.memory_space<vmem>>
    %dma_wait3A_17 = arith.constant 0 : i32
    %dma_wait3A_18 = arith.constant 0 : i32
    %dma_wait3A_19 = arith.constant 0 : i32
    %dma_wait3A_20 = tpu.memref_slice %arg4[%dma_wait3A_17, %dma_wait3A_18, %dma_wait3A_19] : memref<2048x8x64xf32, #tpu.memory_space<hbm>> -> memref<16x8x64xf32, #tpu.memory_space<hbm>>
    %dma_wait3A_21 = arith.constant 0 : i32
    %dma_wait3A_22 = arith.constant 0 : i32
    %dma_wait3A_23 = arith.constant 0 : i32
    %dma_wait3A_24 = tpu.memref_slice %arg6[%dma_wait3A_21, %dma_wait3A_22, %dma_wait3A_23] : memref<64x8x64xf32, #tpu.memory_space<vmem>> -> memref<16x8x64xf32, #tpu.memory_space<vmem>>
    %dma_wait3A_25 = arith.constant 0 : i32
    %dma_wait3A_26 = arith.constant 0 : i32
    %dma_wait3A_27 = arith.constant 0 : i32
    %dma_wait3A_28 = tpu.memref_slice %arg4[%dma_wait3A_25, %dma_wait3A_26, %dma_wait3A_27] : memref<2048x8x64xf32, #tpu.memory_space<hbm>> -> memref<16x8x64xf32, #tpu.memory_space<hbm>>
    tpu.wait_dma2 semaphore(%arg7 : memref<!tpu.dma_semaphore, #tpu.memory_space<semaphore_mem>>) src(%dma_wait3A_28 : memref<16x8x64xf32, #tpu.memory_space<hbm>>) dst(%dma_wait3A_24 : memref<16x8x64xf32, #tpu.memory_space<vmem>>)
    %scan3A_29 = arith.constant 0 : i32
    %scan3A_30 = arith.constant 16 : i32
    %scan3A_31 = arith.constant 8 : i32
    %scan3A_32 = arith.addi %scan3A_30, %scan3A_31 : i32
    %scan3A_33 = arith.constant 1 : i32
    scf.for %scan3A_105 = %scan3A_30 to %scan3A_32 step %scan3A_33  : i32 {
      %mul3A_106 = arith.constant 16 : i32
      %mul3A_107 = arith.muli %scan3A_105, %mul3A_106 : i32
      %get3A = arith.index_cast %mul3A_107 : i32 to index
      %get3A_108 = tpu.vector_load %arg5[%get3A] {strides = array<i32>} : memref<512xi32, #tpu.memory_space<vmem>>, vector<16xi32>,
      %get3A_109 = vector.shape_cast %get3A_108 : vector<16xi32> to vector<16xi32>
      %shift_right_arithmetic3A = arith.constant 3 : i32
      %shift_right_arithmetic3A_110 = vector.broadcast %shift_right_arithmetic3A : i32 to vector<16xi32>
      %shift_right_arithmetic3A_111 = arith.shrsi %get3A_109, %shift_right_arithmetic3A_110 : vector<16xi32>
      %and3A_112 = arith.constant 7 : i32
      %and3A_113 = vector.broadcast %and3A_112 : i32 to vector<16xi32>
      %and3A_114 = arith.andi %get3A_109, %and3A_113 : vector<16xi32>
      %slice3A = vector.extract_strided_slice %shift_right_arithmetic3A_111 {offsets = [0], sizes = [1], strides = [1]} : vector<16xi32> to vector<1xi32>
      %squeeze3A = vector.extract %slice3A[0] : i32 from vector<1xi32>
      %slice3A_115 = vector.extract_strided_slice %and3A_114 {offsets = [0], sizes = [1], strides = [1]} : vector<16xi32> to vector<1xi32>
      %squeeze3A_116 = vector.extract %slice3A_115[0] : i32 from vector<1xi32>
      %mul3A_117 = arith.constant 2 : i32
      %mul3A_118 = arith.muli %mul3A_117, %scan3A_105 : i32
      %add3A_119 = arith.constant 0 : i32
      %add3A_120 = arith.addi %mul3A_118, %add3A_119 : i32
      %dma_start3A = arith.constant 0 : i32
      %dma_start3A_121 = arith.constant 0 : i32
      %dma_start3A_122 = tpu.memref_slice %arg6[%add3A_120, %dma_start3A, %dma_start3A_121] : memref<64x8x64xf32, #tpu.memory_space<vmem>> -> memref<1x1x64xf32, #tpu.memory_space<vmem>>
      %dma_start3A_123 = tpu.memref_squeeze %dma_start3A_122 : memref<1x1x64xf32, #tpu.memory_space<vmem>> -> memref<64xf32, #tpu.memory_space<vmem>>
      %dma_start3A_124 = arith.constant 0 : i32
      %dma_start3A_125 = tpu.memref_slice %arg3[%squeeze3A, %squeeze3A_116, %dma_start3A_124] : memref<12500x8x64xf32, #tpu.memory_space<hbm>> -> memref<1x1x64xf32, #tpu.memory_space<hbm>>
      %dma_start3A_126 = tpu.memref_squeeze %dma_start3A_125 : memref<1x1x64xf32, #tpu.memory_space<hbm>> -> memref<64xf32, #tpu.memory_space<hbm>>
      %dma_start3A_127 = arith.constant 0 : i32
      %dma_start3A_128 = tpu.memref_slice %arg6[%add3A_120, %dma_start3A, %dma_start3A_127] : memref<64x8x64xf32, #tpu.memory_space<vmem>> -> memref<1x1x64xf32, #tpu.memory_space<vmem>>
      %dma_start3A_129 = tpu.memref_squeeze %dma_start3A_128 : memref<1x1x64xf32, #tpu.memory_space<vmem>> -> memref<64xf32, #tpu.memory_space<vmem>>
      %dma_start3A_130 = arith.constant 0 : i32
      %dma_start3A_131 = tpu.memref_slice %arg3[%squeeze3A, %squeeze3A_116, %dma_start3A_130] : memref<12500x8x64xf32, #tpu.memory_space<hbm>> -> memref<1x1x64xf32, #tpu.memory_space<hbm>>
      %dma_start3A_132 = tpu.memref_squeeze %dma_start3A_131 : memref<1x1x64xf32, #tpu.memory_space<hbm>> -> memref<64xf32, #tpu.memory_space<hbm>>
      tpu.enqueue_dma source(%dma_start3A_132 : memref<64xf32, #tpu.memory_space<hbm>>) target(%dma_start3A_129 : memref<64xf32, #tpu.memory_space<vmem>>) target_semaphore(%arg7 : memref<!tpu.dma_semaphore, #tpu.memory_space<semaphore_mem>>)
      %slice3A_133 = vector.extract_strided_slice %shift_right_arithmetic3A_111 {offsets = [1], sizes = [1], strides = [1]} : vector<16xi32> to vector<1xi32>
      %squeeze3A_134 = vector.extract %slice3A_133[0] : i32 from vector<1xi32>
      %slice3A_135 = vector.extract_strided_slice %and3A_114 {offsets = [1], sizes = [1], strides = [1]} : vector<16xi32> to vector<1xi32>
      %squeeze3A_136 = vector.extract %slice3A_135[0] : i32 from vector<1xi32>
      %mul3A_137 = arith.constant 2 : i32
      %mul3A_138 = arith.muli %mul3A_137, %scan3A_105 : i32
      %add3A_139 = arith.constant 0 : i32
      %add3A_140 = arith.addi %mul3A_138, %add3A_139 : i32
      %dma_start3A_141 = arith.constant 1 : i32
      %dma_start3A_142 = arith.constant 0 : i32
      %dma_start3A_143 = tpu.memref_slice %arg6[%add3A_140, %dma_start3A_141, %dma_start3A_142] : memref<64x8x64xf32, #tpu.memory_space<vmem>> -> memref<1x1x64xf32, #tpu.memory_space<vmem>>
      %dma_start3A_144 = tpu.memref_squeeze %dma_start3A_143 : memref<1x1x64xf32, #tpu.memory_space<vmem>> -> memref<64xf32, #tpu.memory_space<vmem>>
      %dma_start3A_145 = arith.constant 0 : i32
      %dma_start3A_146 = tpu.memref_slice %arg3[%squeeze3A_134, %squeeze3A_136, %dma_start3A_145] : memref<12500x8x64xf32, #tpu.memory_space<hbm>> -> memref<1x1x64xf32, #tpu.memory_space<hbm>>
      %dma_start3A_147 = tpu.memref_squeeze %dma_start3A_146 : memref<1x1x64xf32, #tpu.memory_space<hbm>> -> memref<64xf32, #tpu.memory_space<hbm>>
      %dma_start3A_148 = arith.constant 0 : i32
      %dma_start3A_149 = tpu.memref_slice %arg6[%add3A_140, %dma_start3A_141, %dma_start3A_148] : memref<64x8x64xf32, #tpu.memory_space<vmem>> -> memref<1x1x64xf32, #tpu.memory_space<vmem>>
      %dma_start3A_150 = tpu.memref_squeeze %dma_start3A_149 : memref<1x1x64xf32, #tpu.memory_space<vmem>> -> memref<64xf32, #tpu.memory_space<vmem>>
      %dma_start3A_151 = arith.constant 0 : i32
      %dma_start3A_152 = tpu.memref_slice %arg3[%squeeze3A_134, %squeeze3A_136, %dma_start3A_151] : memref<12500x8x64xf32, #tpu.memory_space<hbm>> -> memref<1x1x64xf32, #tpu.memory_space<hbm>>
      %dma_start3A_153 = tpu.memref_squeeze %dma_start3A_152 : memref<1x1x64xf32, #tpu.memory_space<hbm>> -> memref<64xf32, #tpu.memory_space<hbm>>
      tpu.enqueue_dma source(%dma_start3A_153 : memref<64xf32, #tpu.memory_space<hbm>>) target(%dma_start3A_150 : memref<64xf32, #tpu.memory_space<vmem>>) target_semaphore(%arg7 : memref<!tpu.dma_semaphore, #tpu.memory_space<semaphore_mem>>)
      %slice3A_154 = vector.extract_strided_slice %shift_right_arithmetic3A_111 {offsets = [2], sizes = [1], strides = [1]} : vector<16xi32> to vector<1xi32>
      %squeeze3A_155 = vector.extract %slice3A_154[0] : i32 from vector<1xi32>
      %slice3A_156 = vector.extract_strided_slice %and3A_114 {offsets = [2], sizes = [1], strides = [1]} : vector<16xi32> to vector<1xi32>
      %squeeze3A_157 = vector.extract %slice3A_156[0] : i32 from vector<1xi32>
      %mul3A_158 = arith.constant 2 : i32
      %mul3A_159 = arith.muli %mul3A_158, %scan3A_105 : i32
      %add3A_160 = arith.constant 0 : i32
      %add3A_161 = arith.addi %mul3A_159, %add3A_160 : i32
      %dma_start3A_162 = arith.constant 2 : i32
      %dma_start3A_163 = arith.constant 0 : i32
      %dma_start3A_164 = tpu.memref_slice %arg6[%add3A_161, %dma_start3A_162, %dma_start3A_163] : memref<64x8x64xf32, #tpu.memory_space<vmem>> -> memref<1x1x64xf32, #tpu.memory_space<vmem>>
      %dma_start3A_165 = tpu.memref_squeeze %dma_start3A_164 : memref<1x1x64xf32, #tpu.memory_space<vmem>> -> memref<64xf32, #tpu.memory_space<vmem>>
      %dma_start3A_166 = arith.constant 0 : i32
      %dma_start3A_167 = tpu.memref_slice %arg3[%squeeze3A_155, %squeeze3A_157, %dma_start3A_166] : memref<12500x8x64xf32, #tpu.memory_space<hbm>> -> memref<1x1x64xf32, #tpu.memory_space<hbm>>
      %dma_start3A_168 = tpu.memref_squeeze %dma_start3A_167 : memref<1x1x64xf32, #tpu.memory_space<hbm>> -> memref<64xf32, #tpu.memory_space<hbm>>
      %dma_start3A_169 = arith.constant 0 : i32
      %dma_start3A_170 = tpu.memref_slice %arg6[%add3A_161, %dma_start3A_162, %dma_start3A_169] : memref<64x8x64xf32, #tpu.memory_space<vmem>> -> memref<1x1x64xf32, #tpu.memory_space<vmem>>
      %dma_start3A_171 = tpu.memref_squeeze %dma_start3A_170 : memref<1x1x64xf32, #tpu.memory_space<vmem>> -> memref<64xf32, #tpu.memory_space<vmem>>
      %dma_start3A_172 = arith.constant 0 : i32
      %dma_start3A_173 = tpu.memref_slice %arg3[%squeeze3A_155, %squeeze3A_157, %dma_start3A_172] : memref<12500x8x64xf32, #tpu.memory_space<hbm>> -> memref<1x1x64xf32, #tpu.memory_space<hbm>>
      %dma_start3A_174 = tpu.memref_squeeze %dma_start3A_173 : memref<1x1x64xf32, #tpu.memory_space<hbm>> -> memref<64xf32, #tpu.memory_space<hbm>>
      tpu.enqueue_dma source(%dma_start3A_174 : memref<64xf32, #tpu.memory_space<hbm>>) target(%dma_start3A_171 : memref<64xf32, #tpu.memory_space<vmem>>) target_semaphore(%arg7 : memref<!tpu.dma_semaphore, #tpu.memory_space<semaphore_mem>>)
      %slice3A_175 = vector.extract_strided_slice %shift_right_arithmetic3A_111 {offsets = [3], sizes = [1], strides = [1]} : vector<16xi32> to vector<1xi32>
      %squeeze3A_176 = vector.extract %slice3A_175[0] : i32 from vector<1xi32>
      %slice3A_177 = vector.extract_strided_slice %and3A_114 {offsets = [3], sizes = [1], strides = [1]} : vector<16xi32> to vector<1xi32>
      %squeeze3A_178 = vector.extract %slice3A_177[0] : i32 from vector<1xi32>
      %mul3A_179 = arith.constant 2 : i32
      %mul3A_180 = arith.muli %mul3A_179, %scan3A_105 : i32
      %add3A_181 = arith.constant 0 : i32
      %add3A_182 = arith.addi %mul3A_180, %add3A_181 : i32
      %dma_start3A_183 = arith.constant 3 : i32
      %dma_start3A_184 = arith.constant 0 : i32
      %dma_start3A_185 = tpu.memref_slice %arg6[%add3A_182, %dma_start3A_183, %dma_start3A_184] : memref<64x8x64xf32, #tpu.memory_space<vmem>> -> memref<1x1x64xf32, #tpu.memory_space<vmem>>
      %dma_start3A_186 = tpu.memref_squeeze %dma_start3A_185 : memref<1x1x64xf32, #tpu.memory_space<vmem>> -> memref<64xf32, #tpu.memory_space<vmem>>
      %dma_start3A_187 = arith.constant 0 : i32
      %dma_start3A_188 = tpu.memref_slice %arg3[%squeeze3A_176, %squeeze3A_178, %dma_start3A_187] : memref<12500x8x64xf32, #tpu.memory_space<hbm>> -> memref<1x1x64xf32, #tpu.memory_space<hbm>>
      %dma_start3A_189 = tpu.memref_squeeze %dma_start3A_188 : memref<1x1x64xf32, #tpu.memory_space<hbm>> -> memref<64xf32, #tpu.memory_space<hbm>>
      %dma_start3A_190 = arith.constant 0 : i32
      %dma_start3A_191 = tpu.memref_slice %arg6[%add3A_182, %dma_start3A_183, %dma_start3A_190] : memref<64x8x64xf32, #tpu.memory_space<vmem>> -> memref<1x1x64xf32, #tpu.memory_space<vmem>>
      %dma_start3A_192 = tpu.memref_squeeze %dma_start3A_191 : memref<1x1x64xf32, #tpu.memory_space<vmem>> -> memref<64xf32, #tpu.memory_space<vmem>>
      %dma_start3A_193 = arith.constant 0 : i32
      %dma_start3A_194 = tpu.memref_slice %arg3[%squeeze3A_176, %squeeze3A_178, %dma_start3A_193] : memref<12500x8x64xf32, #tpu.memory_space<hbm>> -> memref<1x1x64xf32, #tpu.memory_space<hbm>>
      %dma_start3A_195 = tpu.memref_squeeze %dma_start3A_194 : memref<1x1x64xf32, #tpu.memory_space<hbm>> -> memref<64xf32, #tpu.memory_space<hbm>>
      tpu.enqueue_dma source(%dma_start3A_195 : memref<64xf32, #tpu.memory_space<hbm>>) target(%dma_start3A_192 : memref<64xf32, #tpu.memory_space<vmem>>) target_semaphore(%arg7 : memref<!tpu.dma_semaphore, #tpu.memory_space<semaphore_mem>>)
      %slice3A_196 = vector.extract_strided_slice %shift_right_arithmetic3A_111 {offsets = [4], sizes = [1], strides = [1]} : vector<16xi32> to vector<1xi32>
      %squeeze3A_197 = vector.extract %slice3A_196[0] : i32 from vector<1xi32>
      %slice3A_198 = vector.extract_strided_slice %and3A_114 {offsets = [4], sizes = [1], strides = [1]} : vector<16xi32> to vector<1xi32>
      %squeeze3A_199 = vector.extract %slice3A_198[0] : i32 from vector<1xi32>
      %mul3A_200 = arith.constant 2 : i32
      %mul3A_201 = arith.muli %mul3A_200, %scan3A_105 : i32
      %add3A_202 = arith.constant 0 : i32
      %add3A_203 = arith.addi %mul3A_201, %add3A_202 : i32
      %dma_start3A_204 = arith.constant 4 : i32
      %dma_start3A_205 = arith.constant 0 : i32
      %dma_start3A_206 = tpu.memref_slice %arg6[%add3A_203, %dma_start3A_204, %dma_start3A_205] : memref<64x8x64xf32, #tpu.memory_space<vmem>> -> memref<1x1x64xf32, #tpu.memory_space<vmem>>
      %dma_start3A_207 = tpu.memref_squeeze %dma_start3A_206 : memref<1x1x64xf32, #tpu.memory_space<vmem>> -> memref<64xf32, #tpu.memory_space<vmem>>
      %dma_start3A_208 = arith.constant 0 : i32
      %dma_start3A_209 = tpu.memref_slice %arg3[%squeeze3A_197, %squeeze3A_199, %dma_start3A_208] : memref<12500x8x64xf32, #tpu.memory_space<hbm>> -> memref<1x1x64xf32, #tpu.memory_space<hbm>>
      %dma_start3A_210 = tpu.memref_squeeze %dma_start3A_209 : memref<1x1x64xf32, #tpu.memory_space<hbm>> -> memref<64xf32, #tpu.memory_space<hbm>>
      %dma_start3A_211 = arith.constant 0 : i32
      %dma_start3A_212 = tpu.memref_slice %arg6[%add3A_203, %dma_start3A_204, %dma_start3A_211] : memref<64x8x64xf32, #tpu.memory_space<vmem>> -> memref<1x1x64xf32, #tpu.memory_space<vmem>>
      %dma_start3A_213 = tpu.memref_squeeze %dma_start3A_212 : memref<1x1x64xf32, #tpu.memory_space<vmem>> -> memref<64xf32, #tpu.memory_space<vmem>>
      %dma_start3A_214 = arith.constant 0 : i32
      %dma_start3A_215 = tpu.memref_slice %arg3[%squeeze3A_197, %squeeze3A_199, %dma_start3A_214] : memref<12500x8x64xf32, #tpu.memory_space<hbm>> -> memref<1x1x64xf32, #tpu.memory_space<hbm>>
      %dma_start3A_216 = tpu.memref_squeeze %dma_start3A_215 : memref<1x1x64xf32, #tpu.memory_space<hbm>> -> memref<64xf32, #tpu.memory_space<hbm>>
      tpu.enqueue_dma source(%dma_start3A_216 : memref<64xf32, #tpu.memory_space<hbm>>) target(%dma_start3A_213 : memref<64xf32, #tpu.memory_space<vmem>>) target_semaphore(%arg7 : memref<!tpu.dma_semaphore, #tpu.memory_space<semaphore_mem>>)
      %slice3A_217 = vector.extract_strided_slice %shift_right_arithmetic3A_111 {offsets = [5], sizes = [1], strides = [1]} : vector<16xi32> to vector<1xi32>
      %squeeze3A_218 = vector.extract %slice3A_217[0] : i32 from vector<1xi32>
      %slice3A_219 = vector.extract_strided_slice %and3A_114 {offsets = [5], sizes = [1], strides = [1]} : vector<16xi32> to vector<1xi32>
      %squeeze3A_220 = vector.extract %slice3A_219[0] : i32 from vector<1xi32>
      %mul3A_221 = arith.constant 2 : i32
      %mul3A_222 = arith.muli %mul3A_221, %scan3A_105 : i32
      %add3A_223 = arith.constant 0 : i32
      %add3A_224 = arith.addi %mul3A_222, %add3A_223 : i32
      %dma_start3A_225 = arith.constant 5 : i32
      %dma_start3A_226 = arith.constant 0 : i32
      %dma_start3A_227 = tpu.memref_slice %arg6[%add3A_224, %dma_start3A_225, %dma_start3A_226] : memref<64x8x64xf32, #tpu.memory_space<vmem>> -> memref<1x1x64xf32, #tpu.memory_space<vmem>>
      %dma_start3A_228 = tpu.memref_squeeze %dma_start3A_227 : memref<1x1x64xf32, #tpu.memory_space<vmem>> -> memref<64xf32, #tpu.memory_space<vmem>>
      %dma_start3A_229 = arith.constant 0 : i32
      %dma_start3A_230 = tpu.memref_slice %arg3[%squeeze3A_218, %squeeze3A_220, %dma_start3A_229] : memref<12500x8x64xf32, #tpu.memory_space<hbm>> -> memref<1x1x64xf32, #tpu.memory_space<hbm>>
      %dma_start3A_231 = tpu.memref_squeeze %dma_start3A_230 : memref<1x1x64xf32, #tpu.memory_space<hbm>> -> memref<64xf32, #tpu.memory_space<hbm>>
      %dma_start3A_232 = arith.constant 0 : i32
      %dma_start3A_233 = tpu.memref_slice %arg6[%add3A_224, %dma_start3A_225, %dma_start3A_232] : memref<64x8x64xf32, #tpu.memory_space<vmem>> -> memref<1x1x64xf32, #tpu.memory_space<vmem>>
      %dma_start3A_234 = tpu.memref_squeeze %dma_start3A_233 : memref<1x1x64xf32, #tpu.memory_space<vmem>> -> memref<64xf32, #tpu.memory_space<vmem>>
      %dma_start3A_235 = arith.constant 0 : i32
      %dma_start3A_236 = tpu.memref_slice %arg3[%squeeze3A_218, %squeeze3A_220, %dma_start3A_235] : memref<12500x8x64xf32, #tpu.memory_space<hbm>> -> memref<1x1x64xf32, #tpu.memory_space<hbm>>
      %dma_start3A_237 = tpu.memref_squeeze %dma_start3A_236 : memref<1x1x64xf32, #tpu.memory_space<hbm>> -> memref<64xf32, #tpu.memory_space<hbm>>
      tpu.enqueue_dma source(%dma_start3A_237 : memref<64xf32, #tpu.memory_space<hbm>>) target(%dma_start3A_234 : memref<64xf32, #tpu.memory_space<vmem>>) target_semaphore(%arg7 : memref<!tpu.dma_semaphore, #tpu.memory_space<semaphore_mem>>)
      %slice3A_238 = vector.extract_strided_slice %shift_right_arithmetic3A_111 {offsets = [6], sizes = [1], strides = [1]} : vector<16xi32> to vector<1xi32>
      %squeeze3A_239 = vector.extract %slice3A_238[0] : i32 from vector<1xi32>
      %slice3A_240 = vector.extract_strided_slice %and3A_114 {offsets = [6], sizes = [1], strides = [1]} : vector<16xi32> to vector<1xi32>
      %squeeze3A_241 = vector.extract %slice3A_240[0] : i32 from vector<1xi32>
      %mul3A_242 = arith.constant 2 : i32
      %mul3A_243 = arith.muli %mul3A_242, %scan3A_105 : i32
      %add3A_244 = arith.constant 0 : i32
      %add3A_245 = arith.addi %mul3A_243, %add3A_244 : i32
      %dma_start3A_246 = arith.constant 6 : i32
      %dma_start3A_247 = arith.constant 0 : i32
      %dma_start3A_248 = tpu.memref_slice %arg6[%add3A_245, %dma_start3A_246, %dma_start3A_247] : memref<64x8x64xf32, #tpu.memory_space<vmem>> -> memref<1x1x64xf32, #tpu.memory_space<vmem>>
      %dma_start3A_249 = tpu.memref_squeeze %dma_start3A_248 : memref<1x1x64xf32, #tpu.memory_space<vmem>> -> memref<64xf32, #tpu.memory_space<vmem>>
      %dma_start3A_250 = arith.constant 0 : i32
      %dma_start3A_251 = tpu.memref_slice %arg3[%squeeze3A_239, %squeeze3A_241, %dma_start3A_250] : memref<12500x8x64xf32, #tpu.memory_space<hbm>> -> memref<1x1x64xf32, #tpu.memory_space<hbm>>
      %dma_start3A_252 = tpu.memref_squeeze %dma_start3A_251 : memref<1x1x64xf32, #tpu.memory_space<hbm>> -> memref<64xf32, #tpu.memory_space<hbm>>
      %dma_start3A_253 = arith.constant 0 : i32
      %dma_start3A_254 = tpu.memref_slice %arg6[%add3A_245, %dma_start3A_246, %dma_start3A_253] : memref<64x8x64xf32, #tpu.memory_space<vmem>> -> memref<1x1x64xf32, #tpu.memory_space<vmem>>
      %dma_start3A_255 = tpu.memref_squeeze %dma_start3A_254 : memref<1x1x64xf32, #tpu.memory_space<vmem>> -> memref<64xf32, #tpu.memory_space<vmem>>
      %dma_start3A_256 = arith.constant 0 : i32
      %dma_start3A_257 = tpu.memref_slice %arg3[%squeeze3A_239, %squeeze3A_241, %dma_start3A_256] : memref<12500x8x64xf32, #tpu.memory_space<hbm>> -> memref<1x1x64xf32, #tpu.memory_space<hbm>>
      %dma_start3A_258 = tpu.memref_squeeze %dma_start3A_257 : memref<1x1x64xf32, #tpu.memory_space<hbm>> -> memref<64xf32, #tpu.memory_space<hbm>>
      tpu.enqueue_dma source(%dma_start3A_258 : memref<64xf32, #tpu.memory_space<hbm>>) target(%dma_start3A_255 : memref<64xf32, #tpu.memory_space<vmem>>) target_semaphore(%arg7 : memref<!tpu.dma_semaphore, #tpu.memory_space<semaphore_mem>>)
      %slice3A_259 = vector.extract_strided_slice %shift_right_arithmetic3A_111 {offsets = [7], sizes = [1], strides = [1]} : vector<16xi32> to vector<1xi32>
      %squeeze3A_260 = vector.extract %slice3A_259[0] : i32 from vector<1xi32>
      %slice3A_261 = vector.extract_strided_slice %and3A_114 {offsets = [7], sizes = [1], strides = [1]} : vector<16xi32> to vector<1xi32>
      %squeeze3A_262 = vector.extract %slice3A_261[0] : i32 from vector<1xi32>
      %mul3A_263 = arith.constant 2 : i32
      %mul3A_264 = arith.muli %mul3A_263, %scan3A_105 : i32
      %add3A_265 = arith.constant 0 : i32
      %add3A_266 = arith.addi %mul3A_264, %add3A_265 : i32
      %dma_start3A_267 = arith.constant 7 : i32
      %dma_start3A_268 = arith.constant 0 : i32
      %dma_start3A_269 = tpu.memref_slice %arg6[%add3A_266, %dma_start3A_267, %dma_start3A_268] : memref<64x8x64xf32, #tpu.memory_space<vmem>> -> memref<1x1x64xf32, #tpu.memory_space<vmem>>
      %dma_start3A_270 = tpu.memref_squeeze %dma_start3A_269 : memref<1x1x64xf32, #tpu.memory_space<vmem>> -> memref<64xf32, #tpu.memory_space<vmem>>
      %dma_start3A_271 = arith.constant 0 : i32
      %dma_start3A_272 = tpu.memref_slice %arg3[%squeeze3A_260, %squeeze3A_262, %dma_start3A_271] : memref<12500x8x64xf32, #tpu.memory_space<hbm>> -> memref<1x1x64xf32, #tpu.memory_space<hbm>>
      %dma_start3A_273 = tpu.memref_squeeze %dma_start3A_272 : memref<1x1x64xf32, #tpu.memory_space<hbm>> -> memref<64xf32, #tpu.memory_space<hbm>>
      %dma_start3A_274 = arith.constant 0 : i32
      %dma_start3A_275 = tpu.memref_slice %arg6[%add3A_266, %dma_start3A_267, %dma_start3A_274] : memref<64x8x64xf32, #tpu.memory_space<vmem>> -> memref<1x1x64xf32, #tpu.memory_space<vmem>>
      %dma_start3A_276 = tpu.memref_squeeze %dma_start3A_275 : memref<1x1x64xf32, #tpu.memory_space<vmem>> -> memref<64xf32, #tpu.memory_space<vmem>>
      %dma_start3A_277 = arith.constant 0 : i32
      %dma_start3A_278 = tpu.memref_slice %arg3[%squeeze3A_260, %squeeze3A_262, %dma_start3A_277] : memref<12500x8x64xf32, #tpu.memory_space<hbm>> -> memref<1x1x64xf32, #tpu.memory_space<hbm>>
      %dma_start3A_279 = tpu.memref_squeeze %dma_start3A_278 : memref<1x1x64xf32, #tpu.memory_space<hbm>> -> memref<64xf32, #tpu.memory_space<hbm>>
      tpu.enqueue_dma source(%dma_start3A_279 : memref<64xf32, #tpu.memory_space<hbm>>) target(%dma_start3A_276 : memref<64xf32, #tpu.memory_space<vmem>>) target_semaphore(%arg7 : memref<!tpu.dma_semaphore, #tpu.memory_space<semaphore_mem>>)
      %slice3A_280 = vector.extract_strided_slice %shift_right_arithmetic3A_111 {offsets = [8], sizes = [1], strides = [1]} : vector<16xi32> to vector<1xi32>
      %squeeze3A_281 = vector.extract %slice3A_280[0] : i32 from vector<1xi32>
      %slice3A_282 = vector.extract_strided_slice %and3A_114 {offsets = [8], sizes = [1], strides = [1]} : vector<16xi32> to vector<1xi32>
      %squeeze3A_283 = vector.extract %slice3A_282[0] : i32 from vector<1xi32>
      %mul3A_284 = arith.constant 2 : i32
      %mul3A_285 = arith.muli %mul3A_284, %scan3A_105 : i32
      %add3A_286 = arith.constant 1 : i32
      %add3A_287 = arith.addi %mul3A_285, %add3A_286 : i32
      %dma_start3A_288 = arith.constant 0 : i32
      %dma_start3A_289 = arith.constant 0 : i32
      %dma_start3A_290 = tpu.memref_slice %arg6[%add3A_287, %dma_start3A_288, %dma_start3A_289] : memref<64x8x64xf32, #tpu.memory_space<vmem>> -> memref<1x1x64xf32, #tpu.memory_space<vmem>>
      %dma_start3A_291 = tpu.memref_squeeze %dma_start3A_290 : memref<1x1x64xf32, #tpu.memory_space<vmem>> -> memref<64xf32, #tpu.memory_space<vmem>>
      %dma_start3A_292 = arith.constant 0 : i32
      %dma_start3A_293 = tpu.memref_slice %arg3[%squeeze3A_281, %squeeze3A_283, %dma_start3A_292] : memref<12500x8x64xf32, #tpu.memory_space<hbm>> -> memref<1x1x64xf32, #tpu.memory_space<hbm>>
      %dma_start3A_294 = tpu.memref_squeeze %dma_start3A_293 : memref<1x1x64xf32, #tpu.memory_space<hbm>> -> memref<64xf32, #tpu.memory_space<hbm>>
      %dma_start3A_295 = arith.constant 0 : i32
      %dma_start3A_296 = tpu.memref_slice %arg6[%add3A_287, %dma_start3A_288, %dma_start3A_295] : memref<64x8x64xf32, #tpu.memory_space<vmem>> -> memref<1x1x64xf32, #tpu.memory_space<vmem>>
      %dma_start3A_297 = tpu.memref_squeeze %dma_start3A_296 : memref<1x1x64xf32, #tpu.memory_space<vmem>> -> memref<64xf32, #tpu.memory_space<vmem>>
      %dma_start3A_298 = arith.constant 0 : i32
      %dma_start3A_299 = tpu.memref_slice %arg3[%squeeze3A_281, %squeeze3A_283, %dma_start3A_298] : memref<12500x8x64xf32, #tpu.memory_space<hbm>> -> memref<1x1x64xf32, #tpu.memory_space<hbm>>
      %dma_start3A_300 = tpu.memref_squeeze %dma_start3A_299 : memref<1x1x64xf32, #tpu.memory_space<hbm>> -> memref<64xf32, #tpu.memory_space<hbm>>
      tpu.enqueue_dma source(%dma_start3A_300 : memref<64xf32, #tpu.memory_space<hbm>>) target(%dma_start3A_297 : memref<64xf32, #tpu.memory_space<vmem>>) target_semaphore(%arg7 : memref<!tpu.dma_semaphore, #tpu.memory_space<semaphore_mem>>)
      %slice3A_301 = vector.extract_strided_slice %shift_right_arithmetic3A_111 {offsets = [9], sizes = [1], strides = [1]} : vector<16xi32> to vector<1xi32>
      %squeeze3A_302 = vector.extract %slice3A_301[0] : i32 from vector<1xi32>
      %slice3A_303 = vector.extract_strided_slice %and3A_114 {offsets = [9], sizes = [1], strides = [1]} : vector<16xi32> to vector<1xi32>
      %squeeze3A_304 = vector.extract %slice3A_303[0] : i32 from vector<1xi32>
      %mul3A_305 = arith.constant 2 : i32
      %mul3A_306 = arith.muli %mul3A_305, %scan3A_105 : i32
      %add3A_307 = arith.constant 1 : i32
      %add3A_308 = arith.addi %mul3A_306, %add3A_307 : i32
      %dma_start3A_309 = arith.constant 1 : i32
      %dma_start3A_310 = arith.constant 0 : i32
      %dma_start3A_311 = tpu.memref_slice %arg6[%add3A_308, %dma_start3A_309, %dma_start3A_310] : memref<64x8x64xf32, #tpu.memory_space<vmem>> -> memref<1x1x64xf32, #tpu.memory_space<vmem>>
      %dma_start3A_312 = tpu.memref_squeeze %dma_start3A_311 : memref<1x1x64xf32, #tpu.memory_space<vmem>> -> memref<64xf32, #tpu.memory_space<vmem>>
      %dma_start3A_313 = arith.constant 0 : i32
      %dma_start3A_314 = tpu.memref_slice %arg3[%squeeze3A_302, %squeeze3A_304, %dma_start3A_313] : memref<12500x8x64xf32, #tpu.memory_space<hbm>> -> memref<1x1x64xf32, #tpu.memory_space<hbm>>
      %dma_start3A_315 = tpu.memref_squeeze %dma_start3A_314 : memref<1x1x64xf32, #tpu.memory_space<hbm>> -> memref<64xf32, #tpu.memory_space<hbm>>
      %dma_start3A_316 = arith.constant 0 : i32
      %dma_start3A_317 = tpu.memref_slice %arg6[%add3A_308, %dma_start3A_309, %dma_start3A_316] : memref<64x8x64xf32, #tpu.memory_space<vmem>> -> memref<1x1x64xf32, #tpu.memory_space<vmem>>
      %dma_start3A_318 = tpu.memref_squeeze %dma_start3A_317 : memref<1x1x64xf32, #tpu.memory_space<vmem>> -> memref<64xf32, #tpu.memory_space<vmem>>
      %dma_start3A_319 = arith.constant 0 : i32
      %dma_start3A_320 = tpu.memref_slice %arg3[%squeeze3A_302, %squeeze3A_304, %dma_start3A_319] : memref<12500x8x64xf32, #tpu.memory_space<hbm>> -> memref<1x1x64xf32, #tpu.memory_space<hbm>>
      %dma_start3A_321 = tpu.memref_squeeze %dma_start3A_320 : memref<1x1x64xf32, #tpu.memory_space<hbm>> -> memref<64xf32, #tpu.memory_space<hbm>>
      tpu.enqueue_dma source(%dma_start3A_321 : memref<64xf32, #tpu.memory_space<hbm>>) target(%dma_start3A_318 : memref<64xf32, #tpu.memory_space<vmem>>) target_semaphore(%arg7 : memref<!tpu.dma_semaphore, #tpu.memory_space<semaphore_mem>>)
      %slice3A_322 = vector.extract_strided_slice %shift_right_arithmetic3A_111 {offsets = [10], sizes = [1], strides = [1]} : vector<16xi32> to vector<1xi32>
      %squeeze3A_323 = vector.extract %slice3A_322[0] : i32 from vector<1xi32>
      %slice3A_324 = vector.extract_strided_slice %and3A_114 {offsets = [10], sizes = [1], strides = [1]} : vector<16xi32> to vector<1xi32>
      %squeeze3A_325 = vector.extract %slice3A_324[0] : i32 from vector<1xi32>
      %mul3A_326 = arith.constant 2 : i32
      %mul3A_327 = arith.muli %mul3A_326, %scan3A_105 : i32
      %add3A_328 = arith.constant 1 : i32
      %add3A_329 = arith.addi %mul3A_327, %add3A_328 : i32
      %dma_start3A_330 = arith.constant 2 : i32
      %dma_start3A_331 = arith.constant 0 : i32
      %dma_start3A_332 = tpu.memref_slice %arg6[%add3A_329, %dma_start3A_330, %dma_start3A_331] : memref<64x8x64xf32, #tpu.memory_space<vmem>> -> memref<1x1x64xf32, #tpu.memory_space<vmem>>
      %dma_start3A_333 = tpu.memref_squeeze %dma_start3A_332 : memref<1x1x64xf32, #tpu.memory_space<vmem>> -> memref<64xf32, #tpu.memory_space<vmem>>
      %dma_start3A_334 = arith.constant 0 : i32
      %dma_start3A_335 = tpu.memref_slice %arg3[%squeeze3A_323, %squeeze3A_325, %dma_start3A_334] : memref<12500x8x64xf32, #tpu.memory_space<hbm>> -> memref<1x1x64xf32, #tpu.memory_space<hbm>>
      %dma_start3A_336 = tpu.memref_squeeze %dma_start3A_335 : memref<1x1x64xf32, #tpu.memory_space<hbm>> -> memref<64xf32, #tpu.memory_space<hbm>>
      %dma_start3A_337 = arith.constant 0 : i32
      %dma_start3A_338 = tpu.memref_slice %arg6[%add3A_329, %dma_start3A_330, %dma_start3A_337] : memref<64x8x64xf32, #tpu.memory_space<vmem>> -> memref<1x1x64xf32, #tpu.memory_space<vmem>>
      %dma_start3A_339 = tpu.memref_squeeze %dma_start3A_338 : memref<1x1x64xf32, #tpu.memory_space<vmem>> -> memref<64xf32, #tpu.memory_space<vmem>>
      %dma_start3A_340 = arith.constant 0 : i32
      %dma_start3A_341 = tpu.memref_slice %arg3[%squeeze3A_323, %squeeze3A_325, %dma_start3A_340] : memref<12500x8x64xf32, #tpu.memory_space<hbm>> -> memref<1x1x64xf32, #tpu.memory_space<hbm>>
      %dma_start3A_342 = tpu.memref_squeeze %dma_start3A_341 : memref<1x1x64xf32, #tpu.memory_space<hbm>> -> memref<64xf32, #tpu.memory_space<hbm>>
      tpu.enqueue_dma source(%dma_start3A_342 : memref<64xf32, #tpu.memory_space<hbm>>) target(%dma_start3A_339 : memref<64xf32, #tpu.memory_space<vmem>>) target_semaphore(%arg7 : memref<!tpu.dma_semaphore, #tpu.memory_space<semaphore_mem>>)
      %slice3A_343 = vector.extract_strided_slice %shift_right_arithmetic3A_111 {offsets = [11], sizes = [1], strides = [1]} : vector<16xi32> to vector<1xi32>
      %squeeze3A_344 = vector.extract %slice3A_343[0] : i32 from vector<1xi32>
      %slice3A_345 = vector.extract_strided_slice %and3A_114 {offsets = [11], sizes = [1], strides = [1]} : vector<16xi32> to vector<1xi32>
      %squeeze3A_346 = vector.extract %slice3A_345[0] : i32 from vector<1xi32>
      %mul3A_347 = arith.constant 2 : i32
      %mul3A_348 = arith.muli %mul3A_347, %scan3A_105 : i32
      %add3A_349 = arith.constant 1 : i32
      %add3A_350 = arith.addi %mul3A_348, %add3A_349 : i32
      %dma_start3A_351 = arith.constant 3 : i32
      %dma_start3A_352 = arith.constant 0 : i32
      %dma_start3A_353 = tpu.memref_slice %arg6[%add3A_350, %dma_start3A_351, %dma_start3A_352] : memref<64x8x64xf32, #tpu.memory_space<vmem>> -> memref<1x1x64xf32, #tpu.memory_space<vmem>>
      %dma_start3A_354 = tpu.memref_squeeze %dma_start3A_353 : memref<1x1x64xf32, #tpu.memory_space<vmem>> -> memref<64xf32, #tpu.memory_space<vmem>>
      %dma_start3A_355 = arith.constant 0 : i32
      %dma_start3A_356 = tpu.memref_slice %arg3[%squeeze3A_344, %squeeze3A_346, %dma_start3A_355] : memref<12500x8x64xf32, #tpu.memory_space<hbm>> -> memref<1x1x64xf32, #tpu.memory_space<hbm>>
      %dma_start3A_357 = tpu.memref_squeeze %dma_start3A_356 : memref<1x1x64xf32, #tpu.memory_space<hbm>> -> memref<64xf32, #tpu.memory_space<hbm>>
      %dma_start3A_358 = arith.constant 0 : i32
      %dma_start3A_359 = tpu.memref_slice %arg6[%add3A_350, %dma_start3A_351, %dma_start3A_358] : memref<64x8x64xf32, #tpu.memory_space<vmem>> -> memref<1x1x64xf32, #tpu.memory_space<vmem>>
      %dma_start3A_360 = tpu.memref_squeeze %dma_start3A_359 : memref<1x1x64xf32, #tpu.memory_space<vmem>> -> memref<64xf32, #tpu.memory_space<vmem>>
      %dma_start3A_361 = arith.constant 0 : i32
      %dma_start3A_362 = tpu.memref_slice %arg3[%squeeze3A_344, %squeeze3A_346, %dma_start3A_361] : memref<12500x8x64xf32, #tpu.memory_space<hbm>> -> memref<1x1x64xf32, #tpu.memory_space<hbm>>
      %dma_start3A_363 = tpu.memref_squeeze %dma_start3A_362 : memref<1x1x64xf32, #tpu.memory_space<hbm>> -> memref<64xf32, #tpu.memory_space<hbm>>
      tpu.enqueue_dma source(%dma_start3A_363 : memref<64xf32, #tpu.memory_space<hbm>>) target(%dma_start3A_360 : memref<64xf32, #tpu.memory_space<vmem>>) target_semaphore(%arg7 : memref<!tpu.dma_semaphore, #tpu.memory_space<semaphore_mem>>)
      %slice3A_364 = vector.extract_strided_slice %shift_right_arithmetic3A_111 {offsets = [12], sizes = [1], strides = [1]} : vector<16xi32> to vector<1xi32>
      %squeeze3A_365 = vector.extract %slice3A_364[0] : i32 from vector<1xi32>
      %slice3A_366 = vector.extract_strided_slice %and3A_114 {offsets = [12], sizes = [1], strides = [1]} : vector<16xi32> to vector<1xi32>
      %squeeze3A_367 = vector.extract %slice3A_366[0] : i32 from vector<1xi32>
      %mul3A_368 = arith.constant 2 : i32
      %mul3A_369 = arith.muli %mul3A_368, %scan3A_105 : i32
      %add3A_370 = arith.constant 1 : i32
      %add3A_371 = arith.addi %mul3A_369, %add3A_370 : i32
      %dma_start3A_372 = arith.constant 4 : i32
      %dma_start3A_373 = arith.constant 0 : i32
      %dma_start3A_374 = tpu.memref_slice %arg6[%add3A_371, %dma_start3A_372, %dma_start3A_373] : memref<64x8x64xf32, #tpu.memory_space<vmem>> -> memref<1x1x64xf32, #tpu.memory_space<vmem>>
      %dma_start3A_375 = tpu.memref_squeeze %dma_start3A_374 : memref<1x1x64xf32, #tpu.memory_space<vmem>> -> memref<64xf32, #tpu.memory_space<vmem>>
      %dma_start3A_376 = arith.constant 0 : i32
      %dma_start3A_377 = tpu.memref_slice %arg3[%squeeze3A_365, %squeeze3A_367, %dma_start3A_376] : memref<12500x8x64xf32, #tpu.memory_space<hbm>> -> memref<1x1x64xf32, #tpu.memory_space<hbm>>
      %dma_start3A_378 = tpu.memref_squeeze %dma_start3A_377 : memref<1x1x64xf32, #tpu.memory_space<hbm>> -> memref<64xf32, #tpu.memory_space<hbm>>
      %dma_start3A_379 = arith.constant 0 : i32
      %dma_start3A_380 = tpu.memref_slice %arg6[%add3A_371, %dma_start3A_372, %dma_start3A_379] : memref<64x8x64xf32, #tpu.memory_space<vmem>> -> memref<1x1x64xf32, #tpu.memory_space<vmem>>
      %dma_start3A_381 = tpu.memref_squeeze %dma_start3A_380 : memref<1x1x64xf32, #tpu.memory_space<vmem>> -> memref<64xf32, #tpu.memory_space<vmem>>
      %dma_start3A_382 = arith.constant 0 : i32
      %dma_start3A_383 = tpu.memref_slice %arg3[%squeeze3A_365, %squeeze3A_367, %dma_start3A_382] : memref<12500x8x64xf32, #tpu.memory_space<hbm>> -> memref<1x1x64xf32, #tpu.memory_space<hbm>>
      %dma_start3A_384 = tpu.memref_squeeze %dma_start3A_383 : memref<1x1x64xf32, #tpu.memory_space<hbm>> -> memref<64xf32, #tpu.memory_space<hbm>>
      tpu.enqueue_dma source(%dma_start3A_384 : memref<64xf32, #tpu.memory_space<hbm>>) target(%dma_start3A_381 : memref<64xf32, #tpu.memory_space<vmem>>) target_semaphore(%arg7 : memref<!tpu.dma_semaphore, #tpu.memory_space<semaphore_mem>>)
      %slice3A_385 = vector.extract_strided_slice %shift_right_arithmetic3A_111 {offsets = [13], sizes = [1], strides = [1]} : vector<16xi32> to vector<1xi32>
      %squeeze3A_386 = vector.extract %slice3A_385[0] : i32 from vector<1xi32>
      %slice3A_387 = vector.extract_strided_slice %and3A_114 {offsets = [13], sizes = [1], strides = [1]} : vector<16xi32> to vector<1xi32>
      %squeeze3A_388 = vector.extract %slice3A_387[0] : i32 from vector<1xi32>
      %mul3A_389 = arith.constant 2 : i32
      %mul3A_390 = arith.muli %mul3A_389, %scan3A_105 : i32
      %add3A_391 = arith.constant 1 : i32
      %add3A_392 = arith.addi %mul3A_390, %add3A_391 : i32
      %dma_start3A_393 = arith.constant 5 : i32
      %dma_start3A_394 = arith.constant 0 : i32
      %dma_start3A_395 = tpu.memref_slice %arg6[%add3A_392, %dma_start3A_393, %dma_start3A_394] : memref<64x8x64xf32, #tpu.memory_space<vmem>> -> memref<1x1x64xf32, #tpu.memory_space<vmem>>
      %dma_start3A_396 = tpu.memref_squeeze %dma_start3A_395 : memref<1x1x64xf32, #tpu.memory_space<vmem>> -> memref<64xf32, #tpu.memory_space<vmem>>
      %dma_start3A_397 = arith.constant 0 : i32
      %dma_start3A_398 = tpu.memref_slice %arg3[%squeeze3A_386, %squeeze3A_388, %dma_start3A_397] : memref<12500x8x64xf32, #tpu.memory_space<hbm>> -> memref<1x1x64xf32, #tpu.memory_space<hbm>>
      %dma_start3A_399 = tpu.memref_squeeze %dma_start3A_398 : memref<1x1x64xf32, #tpu.memory_space<hbm>> -> memref<64xf32, #tpu.memory_space<hbm>>
      %dma_start3A_400 = arith.constant 0 : i32
      %dma_start3A_401 = tpu.memref_slice %arg6[%add3A_392, %dma_start3A_393, %dma_start3A_400] : memref<64x8x64xf32, #tpu.memory_space<vmem>> -> memref<1x1x64xf32, #tpu.memory_space<vmem>>
      %dma_start3A_402 = tpu.memref_squeeze %dma_start3A_401 : memref<1x1x64xf32, #tpu.memory_space<vmem>> -> memref<64xf32, #tpu.memory_space<vmem>>
      %dma_start3A_403 = arith.constant 0 : i32
      %dma_start3A_404 = tpu.memref_slice %arg3[%squeeze3A_386, %squeeze3A_388, %dma_start3A_403] : memref<12500x8x64xf32, #tpu.memory_space<hbm>> -> memref<1x1x64xf32, #tpu.memory_space<hbm>>
      %dma_start3A_405 = tpu.memref_squeeze %dma_start3A_404 : memref<1x1x64xf32, #tpu.memory_space<hbm>> -> memref<64xf32, #tpu.memory_space<hbm>>
      tpu.enqueue_dma source(%dma_start3A_405 : memref<64xf32, #tpu.memory_space<hbm>>) target(%dma_start3A_402 : memref<64xf32, #tpu.memory_space<vmem>>) target_semaphore(%arg7 : memref<!tpu.dma_semaphore, #tpu.memory_space<semaphore_mem>>)
      %slice3A_406 = vector.extract_strided_slice %shift_right_arithmetic3A_111 {offsets = [14], sizes = [1], strides = [1]} : vector<16xi32> to vector<1xi32>
      %squeeze3A_407 = vector.extract %slice3A_406[0] : i32 from vector<1xi32>
      %slice3A_408 = vector.extract_strided_slice %and3A_114 {offsets = [14], sizes = [1], strides = [1]} : vector<16xi32> to vector<1xi32>
      %squeeze3A_409 = vector.extract %slice3A_408[0] : i32 from vector<1xi32>
      %mul3A_410 = arith.constant 2 : i32
      %mul3A_411 = arith.muli %mul3A_410, %scan3A_105 : i32
      %add3A_412 = arith.constant 1 : i32
      %add3A_413 = arith.addi %mul3A_411, %add3A_412 : i32
      %dma_start3A_414 = arith.constant 6 : i32
      %dma_start3A_415 = arith.constant 0 : i32
      %dma_start3A_416 = tpu.memref_slice %arg6[%add3A_413, %dma_start3A_414, %dma_start3A_415] : memref<64x8x64xf32, #tpu.memory_space<vmem>> -> memref<1x1x64xf32, #tpu.memory_space<vmem>>
      %dma_start3A_417 = tpu.memref_squeeze %dma_start3A_416 : memref<1x1x64xf32, #tpu.memory_space<vmem>> -> memref<64xf32, #tpu.memory_space<vmem>>
      %dma_start3A_418 = arith.constant 0 : i32
      %dma_start3A_419 = tpu.memref_slice %arg3[%squeeze3A_407, %squeeze3A_409, %dma_start3A_418] : memref<12500x8x64xf32, #tpu.memory_space<hbm>> -> memref<1x1x64xf32, #tpu.memory_space<hbm>>
      %dma_start3A_420 = tpu.memref_squeeze %dma_start3A_419 : memref<1x1x64xf32, #tpu.memory_space<hbm>> -> memref<64xf32, #tpu.memory_space<hbm>>
      %dma_start3A_421 = arith.constant 0 : i32
      %dma_start3A_422 = tpu.memref_slice %arg6[%add3A_413, %dma_start3A_414, %dma_start3A_421] : memref<64x8x64xf32, #tpu.memory_space<vmem>> -> memref<1x1x64xf32, #tpu.memory_space<vmem>>
      %dma_start3A_423 = tpu.memref_squeeze %dma_start3A_422 : memref<1x1x64xf32, #tpu.memory_space<vmem>> -> memref<64xf32, #tpu.memory_space<vmem>>
      %dma_start3A_424 = arith.constant 0 : i32
      %dma_start3A_425 = tpu.memref_slice %arg3[%squeeze3A_407, %squeeze3A_409, %dma_start3A_424] : memref<12500x8x64xf32, #tpu.memory_space<hbm>> -> memref<1x1x64xf32, #tpu.memory_space<hbm>>
      %dma_start3A_426 = tpu.memref_squeeze %dma_start3A_425 : memref<1x1x64xf32, #tpu.memory_space<hbm>> -> memref<64xf32, #tpu.memory_space<hbm>>
      tpu.enqueue_dma source(%dma_start3A_426 : memref<64xf32, #tpu.memory_space<hbm>>) target(%dma_start3A_423 : memref<64xf32, #tpu.memory_space<vmem>>) target_semaphore(%arg7 : memref<!tpu.dma_semaphore, #tpu.memory_space<semaphore_mem>>)
      %slice3A_427 = vector.extract_strided_slice %shift_right_arithmetic3A_111 {offsets = [15], sizes = [1], strides = [1]} : vector<16xi32> to vector<1xi32>
      %squeeze3A_428 = vector.extract %slice3A_427[0] : i32 from vector<1xi32>
      %slice3A_429 = vector.extract_strided_slice %and3A_114 {offsets = [15], sizes = [1], strides = [1]} : vector<16xi32> to vector<1xi32>
      %squeeze3A_430 = vector.extract %slice3A_429[0] : i32 from vector<1xi32>
      %mul3A_431 = arith.constant 2 : i32
      %mul3A_432 = arith.muli %mul3A_431, %scan3A_105 : i32
      %add3A_433 = arith.constant 1 : i32
      %add3A_434 = arith.addi %mul3A_432, %add3A_433 : i32
      %dma_start3A_435 = arith.constant 7 : i32
      %dma_start3A_436 = arith.constant 0 : i32
      %dma_start3A_437 = tpu.memref_slice %arg6[%add3A_434, %dma_start3A_435, %dma_start3A_436] : memref<64x8x64xf32, #tpu.memory_space<vmem>> -> memref<1x1x64xf32, #tpu.memory_space<vmem>>
      %dma_start3A_438 = tpu.memref_squeeze %dma_start3A_437 : memref<1x1x64xf32, #tpu.memory_space<vmem>> -> memref<64xf32, #tpu.memory_space<vmem>>
      %dma_start3A_439 = arith.constant 0 : i32
      %dma_start3A_440 = tpu.memref_slice %arg3[%squeeze3A_428, %squeeze3A_430, %dma_start3A_439] : memref<12500x8x64xf32, #tpu.memory_space<hbm>> -> memref<1x1x64xf32, #tpu.memory_space<hbm>>
      %dma_start3A_441 = tpu.memref_squeeze %dma_start3A_440 : memref<1x1x64xf32, #tpu.memory_space<hbm>> -> memref<64xf32, #tpu.memory_space<hbm>>
      %dma_start3A_442 = arith.constant 0 : i32
      %dma_start3A_443 = tpu.memref_slice %arg6[%add3A_434, %dma_start3A_435, %dma_start3A_442] : memref<64x8x64xf32, #tpu.memory_space<vmem>> -> memref<1x1x64xf32, #tpu.memory_space<vmem>>
      %dma_start3A_444 = tpu.memref_squeeze %dma_start3A_443 : memref<1x1x64xf32, #tpu.memory_space<vmem>> -> memref<64xf32, #tpu.memory_space<vmem>>
      %dma_start3A_445 = arith.constant 0 : i32
      %dma_start3A_446 = tpu.memref_slice %arg3[%squeeze3A_428, %squeeze3A_430, %dma_start3A_445] : memref<12500x8x64xf32, #tpu.memory_space<hbm>> -> memref<1x1x64xf32, #tpu.memory_space<hbm>>
      %dma_start3A_447 = tpu.memref_squeeze %dma_start3A_446 : memref<1x1x64xf32, #tpu.memory_space<hbm>> -> memref<64xf32, #tpu.memory_space<hbm>>
      tpu.enqueue_dma source(%dma_start3A_447 : memref<64xf32, #tpu.memory_space<hbm>>) target(%dma_start3A_444 : memref<64xf32, #tpu.memory_space<vmem>>) target_semaphore(%arg7 : memref<!tpu.dma_semaphore, #tpu.memory_space<semaphore_mem>>)
    }
    %scan3A_34 = arith.constant 8 : i32
    %dma_wait3A_35 = arith.constant 0 : i32
    %dma_wait3A_36 = arith.constant 0 : i32
    %dma_wait3A_37 = arith.constant 0 : i32
    %dma_wait3A_38 = tpu.memref_slice %arg6[%dma_wait3A_35, %dma_wait3A_36, %dma_wait3A_37] : memref<64x8x64xf32, #tpu.memory_space<vmem>> -> memref<16x8x64xf32, #tpu.memory_space<vmem>>
    %dma_wait3A_39 = arith.constant 0 : i32
    %dma_wait3A_40 = arith.constant 0 : i32
    %dma_wait3A_41 = arith.constant 0 : i32
    %dma_wait3A_42 = tpu.memref_slice %arg4[%dma_wait3A_39, %dma_wait3A_40, %dma_wait3A_41] : memref<2048x8x64xf32, #tpu.memory_space<hbm>> -> memref<16x8x64xf32, #tpu.memory_space<hbm>>
    %dma_wait3A_43 = arith.constant 0 : i32
    %dma_wait3A_44 = arith.constant 0 : i32
    %dma_wait3A_45 = arith.constant 0 : i32
    %dma_wait3A_46 = tpu.memref_slice %arg6[%dma_wait3A_43, %dma_wait3A_44, %dma_wait3A_45] : memref<64x8x64xf32, #tpu.memory_space<vmem>> -> memref<16x8x64xf32, #tpu.memory_space<vmem>>
    %dma_wait3A_47 = arith.constant 0 : i32
    %dma_wait3A_48 = arith.constant 0 : i32
    %dma_wait3A_49 = arith.constant 0 : i32
    %dma_wait3A_50 = tpu.memref_slice %arg4[%dma_wait3A_47, %dma_wait3A_48, %dma_wait3A_49] : memref<2048x8x64xf32, #tpu.memory_space<hbm>> -> memref<16x8x64xf32, #tpu.memory_space<hbm>>
    tpu.wait_dma2 semaphore(%arg7 : memref<!tpu.dma_semaphore, #tpu.memory_space<semaphore_mem>>) src(%dma_wait3A_50 : memref<16x8x64xf32, #tpu.memory_space<hbm>>) dst(%dma_wait3A_46 : memref<16x8x64xf32, #tpu.memory_space<vmem>>)
    %scan3A_51 = arith.constant 0 : i32
    %scan3A_52 = arith.constant 24 : i32
    %scan3A_53 = arith.constant 8 : i32
    %scan3A_54 = arith.addi %scan3A_52, %scan3A_53 : i32
    %scan3A_55 = arith.constant 1 : i32
    scf.for %scan3A_105 = %scan3A_52 to %scan3A_54 step %scan3A_55  : i32 {
      %mul3A_106 = arith.constant 16 : i32
      %mul3A_107 = arith.muli %scan3A_105, %mul3A_106 : i32
      %get3A = arith.index_cast %mul3A_107 : i32 to index
      %get3A_108 = tpu.vector_load %arg5[%get3A] {strides = array<i32>} : memref<512xi32, #tpu.memory_space<vmem>>, vector<16xi32>,
      %get3A_109 = vector.shape_cast %get3A_108 : vector<16xi32> to vector<16xi32>
      %shift_right_arithmetic3A = arith.constant 3 : i32
      %shift_right_arithmetic3A_110 = vector.broadcast %shift_right_arithmetic3A : i32 to vector<16xi32>
      %shift_right_arithmetic3A_111 = arith.shrsi %get3A_109, %shift_right_arithmetic3A_110 : vector<16xi32>
      %and3A_112 = arith.constant 7 : i32
      %and3A_113 = vector.broadcast %and3A_112 : i32 to vector<16xi32>
      %and3A_114 = arith.andi %get3A_109, %and3A_113 : vector<16xi32>
      %slice3A = vector.extract_strided_slice %shift_right_arithmetic3A_111 {offsets = [0], sizes = [1], strides = [1]} : vector<16xi32> to vector<1xi32>
      %squeeze3A = vector.extract %slice3A[0] : i32 from vector<1xi32>
      %slice3A_115 = vector.extract_strided_slice %and3A_114 {offsets = [0], sizes = [1], strides = [1]} : vector<16xi32> to vector<1xi32>
      %squeeze3A_116 = vector.extract %slice3A_115[0] : i32 from vector<1xi32>
      %mul3A_117 = arith.constant 2 : i32
      %mul3A_118 = arith.muli %mul3A_117, %scan3A_105 : i32
      %add3A_119 = arith.constant 0 : i32
      %add3A_120 = arith.addi %mul3A_118, %add3A_119 : i32
      %dma_start3A = arith.constant 0 : i32
      %dma_start3A_121 = arith.constant 0 : i32
      %dma_start3A_122 = tpu.memref_slice %arg6[%add3A_120, %dma_start3A, %dma_start3A_121] : memref<64x8x64xf32, #tpu.memory_space<vmem>> -> memref<1x1x64xf32, #tpu.memory_space<vmem>>
      %dma_start3A_123 = tpu.memref_squeeze %dma_start3A_122 : memref<1x1x64xf32, #tpu.memory_space<vmem>> -> memref<64xf32, #tpu.memory_space<vmem>>
      %dma_start3A_124 = arith.constant 0 : i32
      %dma_start3A_125 = tpu.memref_slice %arg3[%squeeze3A, %squeeze3A_116, %dma_start3A_124] : memref<12500x8x64xf32, #tpu.memory_space<hbm>> -> memref<1x1x64xf32, #tpu.memory_space<hbm>>
      %dma_start3A_126 = tpu.memref_squeeze %dma_start3A_125 : memref<1x1x64xf32, #tpu.memory_space<hbm>> -> memref<64xf32, #tpu.memory_space<hbm>>
      %dma_start3A_127 = arith.constant 0 : i32
      %dma_start3A_128 = tpu.memref_slice %arg6[%add3A_120, %dma_start3A, %dma_start3A_127] : memref<64x8x64xf32, #tpu.memory_space<vmem>> -> memref<1x1x64xf32, #tpu.memory_space<vmem>>
      %dma_start3A_129 = tpu.memref_squeeze %dma_start3A_128 : memref<1x1x64xf32, #tpu.memory_space<vmem>> -> memref<64xf32, #tpu.memory_space<vmem>>
      %dma_start3A_130 = arith.constant 0 : i32
      %dma_start3A_131 = tpu.memref_slice %arg3[%squeeze3A, %squeeze3A_116, %dma_start3A_130] : memref<12500x8x64xf32, #tpu.memory_space<hbm>> -> memref<1x1x64xf32, #tpu.memory_space<hbm>>
      %dma_start3A_132 = tpu.memref_squeeze %dma_start3A_131 : memref<1x1x64xf32, #tpu.memory_space<hbm>> -> memref<64xf32, #tpu.memory_space<hbm>>
      tpu.enqueue_dma source(%dma_start3A_132 : memref<64xf32, #tpu.memory_space<hbm>>) target(%dma_start3A_129 : memref<64xf32, #tpu.memory_space<vmem>>) target_semaphore(%arg7 : memref<!tpu.dma_semaphore, #tpu.memory_space<semaphore_mem>>)
      %slice3A_133 = vector.extract_strided_slice %shift_right_arithmetic3A_111 {offsets = [1], sizes = [1], strides = [1]} : vector<16xi32> to vector<1xi32>
      %squeeze3A_134 = vector.extract %slice3A_133[0] : i32 from vector<1xi32>
      %slice3A_135 = vector.extract_strided_slice %and3A_114 {offsets = [1], sizes = [1], strides = [1]} : vector<16xi32> to vector<1xi32>
      %squeeze3A_136 = vector.extract %slice3A_135[0] : i32 from vector<1xi32>
      %mul3A_137 = arith.constant 2 : i32
      %mul3A_138 = arith.muli %mul3A_137, %scan3A_105 : i32
      %add3A_139 = arith.constant 0 : i32
      %add3A_140 = arith.addi %mul3A_138, %add3A_139 : i32
      %dma_start3A_141 = arith.constant 1 : i32
      %dma_start3A_142 = arith.constant 0 : i32
      %dma_start3A_143 = tpu.memref_slice %arg6[%add3A_140, %dma_start3A_141, %dma_start3A_142] : memref<64x8x64xf32, #tpu.memory_space<vmem>> -> memref<1x1x64xf32, #tpu.memory_space<vmem>>
      %dma_start3A_144 = tpu.memref_squeeze %dma_start3A_143 : memref<1x1x64xf32, #tpu.memory_space<vmem>> -> memref<64xf32, #tpu.memory_space<vmem>>
      %dma_start3A_145 = arith.constant 0 : i32
      %dma_start3A_146 = tpu.memref_slice %arg3[%squeeze3A_134, %squeeze3A_136, %dma_start3A_145] : memref<12500x8x64xf32, #tpu.memory_space<hbm>> -> memref<1x1x64xf32, #tpu.memory_space<hbm>>
      %dma_start3A_147 = tpu.memref_squeeze %dma_start3A_146 : memref<1x1x64xf32, #tpu.memory_space<hbm>> -> memref<64xf32, #tpu.memory_space<hbm>>
      %dma_start3A_148 = arith.constant 0 : i32
      %dma_start3A_149 = tpu.memref_slice %arg6[%add3A_140, %dma_start3A_141, %dma_start3A_148] : memref<64x8x64xf32, #tpu.memory_space<vmem>> -> memref<1x1x64xf32, #tpu.memory_space<vmem>>
      %dma_start3A_150 = tpu.memref_squeeze %dma_start3A_149 : memref<1x1x64xf32, #tpu.memory_space<vmem>> -> memref<64xf32, #tpu.memory_space<vmem>>
      %dma_start3A_151 = arith.constant 0 : i32
      %dma_start3A_152 = tpu.memref_slice %arg3[%squeeze3A_134, %squeeze3A_136, %dma_start3A_151] : memref<12500x8x64xf32, #tpu.memory_space<hbm>> -> memref<1x1x64xf32, #tpu.memory_space<hbm>>
      %dma_start3A_153 = tpu.memref_squeeze %dma_start3A_152 : memref<1x1x64xf32, #tpu.memory_space<hbm>> -> memref<64xf32, #tpu.memory_space<hbm>>
      tpu.enqueue_dma source(%dma_start3A_153 : memref<64xf32, #tpu.memory_space<hbm>>) target(%dma_start3A_150 : memref<64xf32, #tpu.memory_space<vmem>>) target_semaphore(%arg7 : memref<!tpu.dma_semaphore, #tpu.memory_space<semaphore_mem>>)
      %slice3A_154 = vector.extract_strided_slice %shift_right_arithmetic3A_111 {offsets = [2], sizes = [1], strides = [1]} : vector<16xi32> to vector<1xi32>
      %squeeze3A_155 = vector.extract %slice3A_154[0] : i32 from vector<1xi32>
      %slice3A_156 = vector.extract_strided_slice %and3A_114 {offsets = [2], sizes = [1], strides = [1]} : vector<16xi32> to vector<1xi32>
      %squeeze3A_157 = vector.extract %slice3A_156[0] : i32 from vector<1xi32>
      %mul3A_158 = arith.constant 2 : i32
      %mul3A_159 = arith.muli %mul3A_158, %scan3A_105 : i32
      %add3A_160 = arith.constant 0 : i32
      %add3A_161 = arith.addi %mul3A_159, %add3A_160 : i32
      %dma_start3A_162 = arith.constant 2 : i32
      %dma_start3A_163 = arith.constant 0 : i32
      %dma_start3A_164 = tpu.memref_slice %arg6[%add3A_161, %dma_start3A_162, %dma_start3A_163] : memref<64x8x64xf32, #tpu.memory_space<vmem>> -> memref<1x1x64xf32, #tpu.memory_space<vmem>>
      %dma_start3A_165 = tpu.memref_squeeze %dma_start3A_164 : memref<1x1x64xf32, #tpu.memory_space<vmem>> -> memref<64xf32, #tpu.memory_space<vmem>>
      %dma_start3A_166 = arith.constant 0 : i32
      %dma_start3A_167 = tpu.memref_slice %arg3[%squeeze3A_155, %squeeze3A_157, %dma_start3A_166] : memref<12500x8x64xf32, #tpu.memory_space<hbm>> -> memref<1x1x64xf32, #tpu.memory_space<hbm>>
      %dma_start3A_168 = tpu.memref_squeeze %dma_start3A_167 : memref<1x1x64xf32, #tpu.memory_space<hbm>> -> memref<64xf32, #tpu.memory_space<hbm>>
      %dma_start3A_169 = arith.constant 0 : i32
      %dma_start3A_170 = tpu.memref_slice %arg6[%add3A_161, %dma_start3A_162, %dma_start3A_169] : memref<64x8x64xf32, #tpu.memory_space<vmem>> -> memref<1x1x64xf32, #tpu.memory_space<vmem>>
      %dma_start3A_171 = tpu.memref_squeeze %dma_start3A_170 : memref<1x1x64xf32, #tpu.memory_space<vmem>> -> memref<64xf32, #tpu.memory_space<vmem>>
      %dma_start3A_172 = arith.constant 0 : i32
      %dma_start3A_173 = tpu.memref_slice %arg3[%squeeze3A_155, %squeeze3A_157, %dma_start3A_172] : memref<12500x8x64xf32, #tpu.memory_space<hbm>> -> memref<1x1x64xf32, #tpu.memory_space<hbm>>
      %dma_start3A_174 = tpu.memref_squeeze %dma_start3A_173 : memref<1x1x64xf32, #tpu.memory_space<hbm>> -> memref<64xf32, #tpu.memory_space<hbm>>
      tpu.enqueue_dma source(%dma_start3A_174 : memref<64xf32, #tpu.memory_space<hbm>>) target(%dma_start3A_171 : memref<64xf32, #tpu.memory_space<vmem>>) target_semaphore(%arg7 : memref<!tpu.dma_semaphore, #tpu.memory_space<semaphore_mem>>)
      %slice3A_175 = vector.extract_strided_slice %shift_right_arithmetic3A_111 {offsets = [3], sizes = [1], strides = [1]} : vector<16xi32> to vector<1xi32>
      %squeeze3A_176 = vector.extract %slice3A_175[0] : i32 from vector<1xi32>
      %slice3A_177 = vector.extract_strided_slice %and3A_114 {offsets = [3], sizes = [1], strides = [1]} : vector<16xi32> to vector<1xi32>
      %squeeze3A_178 = vector.extract %slice3A_177[0] : i32 from vector<1xi32>
      %mul3A_179 = arith.constant 2 : i32
      %mul3A_180 = arith.muli %mul3A_179, %scan3A_105 : i32
      %add3A_181 = arith.constant 0 : i32
      %add3A_182 = arith.addi %mul3A_180, %add3A_181 : i32
      %dma_start3A_183 = arith.constant 3 : i32
      %dma_start3A_184 = arith.constant 0 : i32
      %dma_start3A_185 = tpu.memref_slice %arg6[%add3A_182, %dma_start3A_183, %dma_start3A_184] : memref<64x8x64xf32, #tpu.memory_space<vmem>> -> memref<1x1x64xf32, #tpu.memory_space<vmem>>
      %dma_start3A_186 = tpu.memref_squeeze %dma_start3A_185 : memref<1x1x64xf32, #tpu.memory_space<vmem>> -> memref<64xf32, #tpu.memory_space<vmem>>
      %dma_start3A_187 = arith.constant 0 : i32
      %dma_start3A_188 = tpu.memref_slice %arg3[%squeeze3A_176, %squeeze3A_178, %dma_start3A_187] : memref<12500x8x64xf32, #tpu.memory_space<hbm>> -> memref<1x1x64xf32, #tpu.memory_space<hbm>>
      %dma_start3A_189 = tpu.memref_squeeze %dma_start3A_188 : memref<1x1x64xf32, #tpu.memory_space<hbm>> -> memref<64xf32, #tpu.memory_space<hbm>>
      %dma_start3A_190 = arith.constant 0 : i32
      %dma_start3A_191 = tpu.memref_slice %arg6[%add3A_182, %dma_start3A_183, %dma_start3A_190] : memref<64x8x64xf32, #tpu.memory_space<vmem>> -> memref<1x1x64xf32, #tpu.memory_space<vmem>>
      %dma_start3A_192 = tpu.memref_squeeze %dma_start3A_191 : memref<1x1x64xf32, #tpu.memory_space<vmem>> -> memref<64xf32, #tpu.memory_space<vmem>>
      %dma_start3A_193 = arith.constant 0 : i32
      %dma_start3A_194 = tpu.memref_slice %arg3[%squeeze3A_176, %squeeze3A_178, %dma_start3A_193] : memref<12500x8x64xf32, #tpu.memory_space<hbm>> -> memref<1x1x64xf32, #tpu.memory_space<hbm>>
      %dma_start3A_195 = tpu.memref_squeeze %dma_start3A_194 : memref<1x1x64xf32, #tpu.memory_space<hbm>> -> memref<64xf32, #tpu.memory_space<hbm>>
      tpu.enqueue_dma source(%dma_start3A_195 : memref<64xf32, #tpu.memory_space<hbm>>) target(%dma_start3A_192 : memref<64xf32, #tpu.memory_space<vmem>>) target_semaphore(%arg7 : memref<!tpu.dma_semaphore, #tpu.memory_space<semaphore_mem>>)
      %slice3A_196 = vector.extract_strided_slice %shift_right_arithmetic3A_111 {offsets = [4], sizes = [1], strides = [1]} : vector<16xi32> to vector<1xi32>
      %squeeze3A_197 = vector.extract %slice3A_196[0] : i32 from vector<1xi32>
      %slice3A_198 = vector.extract_strided_slice %and3A_114 {offsets = [4], sizes = [1], strides = [1]} : vector<16xi32> to vector<1xi32>
      %squeeze3A_199 = vector.extract %slice3A_198[0] : i32 from vector<1xi32>
      %mul3A_200 = arith.constant 2 : i32
      %mul3A_201 = arith.muli %mul3A_200, %scan3A_105 : i32
      %add3A_202 = arith.constant 0 : i32
      %add3A_203 = arith.addi %mul3A_201, %add3A_202 : i32
      %dma_start3A_204 = arith.constant 4 : i32
      %dma_start3A_205 = arith.constant 0 : i32
      %dma_start3A_206 = tpu.memref_slice %arg6[%add3A_203, %dma_start3A_204, %dma_start3A_205] : memref<64x8x64xf32, #tpu.memory_space<vmem>> -> memref<1x1x64xf32, #tpu.memory_space<vmem>>
      %dma_start3A_207 = tpu.memref_squeeze %dma_start3A_206 : memref<1x1x64xf32, #tpu.memory_space<vmem>> -> memref<64xf32, #tpu.memory_space<vmem>>
      %dma_start3A_208 = arith.constant 0 : i32
      %dma_start3A_209 = tpu.memref_slice %arg3[%squeeze3A_197, %squeeze3A_199, %dma_start3A_208] : memref<12500x8x64xf32, #tpu.memory_space<hbm>> -> memref<1x1x64xf32, #tpu.memory_space<hbm>>
      %dma_start3A_210 = tpu.memref_squeeze %dma_start3A_209 : memref<1x1x64xf32, #tpu.memory_space<hbm>> -> memref<64xf32, #tpu.memory_space<hbm>>
      %dma_start3A_211 = arith.constant 0 : i32
      %dma_start3A_212 = tpu.memref_slice %arg6[%add3A_203, %dma_start3A_204, %dma_start3A_211] : memref<64x8x64xf32, #tpu.memory_space<vmem>> -> memref<1x1x64xf32, #tpu.memory_space<vmem>>
      %dma_start3A_213 = tpu.memref_squeeze %dma_start3A_212 : memref<1x1x64xf32, #tpu.memory_space<vmem>> -> memref<64xf32, #tpu.memory_space<vmem>>
      %dma_start3A_214 = arith.constant 0 : i32
      %dma_start3A_215 = tpu.memref_slice %arg3[%squeeze3A_197, %squeeze3A_199, %dma_start3A_214] : memref<12500x8x64xf32, #tpu.memory_space<hbm>> -> memref<1x1x64xf32, #tpu.memory_space<hbm>>
      %dma_start3A_216 = tpu.memref_squeeze %dma_start3A_215 : memref<1x1x64xf32, #tpu.memory_space<hbm>> -> memref<64xf32, #tpu.memory_space<hbm>>
      tpu.enqueue_dma source(%dma_start3A_216 : memref<64xf32, #tpu.memory_space<hbm>>) target(%dma_start3A_213 : memref<64xf32, #tpu.memory_space<vmem>>) target_semaphore(%arg7 : memref<!tpu.dma_semaphore, #tpu.memory_space<semaphore_mem>>)
      %slice3A_217 = vector.extract_strided_slice %shift_right_arithmetic3A_111 {offsets = [5], sizes = [1], strides = [1]} : vector<16xi32> to vector<1xi32>
      %squeeze3A_218 = vector.extract %slice3A_217[0] : i32 from vector<1xi32>
      %slice3A_219 = vector.extract_strided_slice %and3A_114 {offsets = [5], sizes = [1], strides = [1]} : vector<16xi32> to vector<1xi32>
      %squeeze3A_220 = vector.extract %slice3A_219[0] : i32 from vector<1xi32>
      %mul3A_221 = arith.constant 2 : i32
      %mul3A_222 = arith.muli %mul3A_221, %scan3A_105 : i32
      %add3A_223 = arith.constant 0 : i32
      %add3A_224 = arith.addi %mul3A_222, %add3A_223 : i32
      %dma_start3A_225 = arith.constant 5 : i32
      %dma_start3A_226 = arith.constant 0 : i32
      %dma_start3A_227 = tpu.memref_slice %arg6[%add3A_224, %dma_start3A_225, %dma_start3A_226] : memref<64x8x64xf32, #tpu.memory_space<vmem>> -> memref<1x1x64xf32, #tpu.memory_space<vmem>>
      %dma_start3A_228 = tpu.memref_squeeze %dma_start3A_227 : memref<1x1x64xf32, #tpu.memory_space<vmem>> -> memref<64xf32, #tpu.memory_space<vmem>>
      %dma_start3A_229 = arith.constant 0 : i32
      %dma_start3A_230 = tpu.memref_slice %arg3[%squeeze3A_218, %squeeze3A_220, %dma_start3A_229] : memref<12500x8x64xf32, #tpu.memory_space<hbm>> -> memref<1x1x64xf32, #tpu.memory_space<hbm>>
      %dma_start3A_231 = tpu.memref_squeeze %dma_start3A_230 : memref<1x1x64xf32, #tpu.memory_space<hbm>> -> memref<64xf32, #tpu.memory_space<hbm>>
      %dma_start3A_232 = arith.constant 0 : i32
      %dma_start3A_233 = tpu.memref_slice %arg6[%add3A_224, %dma_start3A_225, %dma_start3A_232] : memref<64x8x64xf32, #tpu.memory_space<vmem>> -> memref<1x1x64xf32, #tpu.memory_space<vmem>>
      %dma_start3A_234 = tpu.memref_squeeze %dma_start3A_233 : memref<1x1x64xf32, #tpu.memory_space<vmem>> -> memref<64xf32, #tpu.memory_space<vmem>>
      %dma_start3A_235 = arith.constant 0 : i32
      %dma_start3A_236 = tpu.memref_slice %arg3[%squeeze3A_218, %squeeze3A_220, %dma_start3A_235] : memref<12500x8x64xf32, #tpu.memory_space<hbm>> -> memref<1x1x64xf32, #tpu.memory_space<hbm>>
      %dma_start3A_237 = tpu.memref_squeeze %dma_start3A_236 : memref<1x1x64xf32, #tpu.memory_space<hbm>> -> memref<64xf32, #tpu.memory_space<hbm>>
      tpu.enqueue_dma source(%dma_start3A_237 : memref<64xf32, #tpu.memory_space<hbm>>) target(%dma_start3A_234 : memref<64xf32, #tpu.memory_space<vmem>>) target_semaphore(%arg7 : memref<!tpu.dma_semaphore, #tpu.memory_space<semaphore_mem>>)
      %slice3A_238 = vector.extract_strided_slice %shift_right_arithmetic3A_111 {offsets = [6], sizes = [1], strides = [1]} : vector<16xi32> to vector<1xi32>
      %squeeze3A_239 = vector.extract %slice3A_238[0] : i32 from vector<1xi32>
      %slice3A_240 = vector.extract_strided_slice %and3A_114 {offsets = [6], sizes = [1], strides = [1]} : vector<16xi32> to vector<1xi32>
      %squeeze3A_241 = vector.extract %slice3A_240[0] : i32 from vector<1xi32>
      %mul3A_242 = arith.constant 2 : i32
      %mul3A_243 = arith.muli %mul3A_242, %scan3A_105 : i32
      %add3A_244 = arith.constant 0 : i32
      %add3A_245 = arith.addi %mul3A_243, %add3A_244 : i32
      %dma_start3A_246 = arith.constant 6 : i32
      %dma_start3A_247 = arith.constant 0 : i32
      %dma_start3A_248 = tpu.memref_slice %arg6[%add3A_245, %dma_start3A_246, %dma_start3A_247] : memref<64x8x64xf32, #tpu.memory_space<vmem>> -> memref<1x1x64xf32, #tpu.memory_space<vmem>>
      %dma_start3A_249 = tpu.memref_squeeze %dma_start3A_248 : memref<1x1x64xf32, #tpu.memory_space<vmem>> -> memref<64xf32, #tpu.memory_space<vmem>>
      %dma_start3A_250 = arith.constant 0 : i32
      %dma_start3A_251 = tpu.memref_slice %arg3[%squeeze3A_239, %squeeze3A_241, %dma_start3A_250] : memref<12500x8x64xf32, #tpu.memory_space<hbm>> -> memref<1x1x64xf32, #tpu.memory_space<hbm>>
      %dma_start3A_252 = tpu.memref_squeeze %dma_start3A_251 : memref<1x1x64xf32, #tpu.memory_space<hbm>> -> memref<64xf32, #tpu.memory_space<hbm>>
      %dma_start3A_253 = arith.constant 0 : i32
      %dma_start3A_254 = tpu.memref_slice %arg6[%add3A_245, %dma_start3A_246, %dma_start3A_253] : memref<64x8x64xf32, #tpu.memory_space<vmem>> -> memref<1x1x64xf32, #tpu.memory_space<vmem>>
      %dma_start3A_255 = tpu.memref_squeeze %dma_start3A_254 : memref<1x1x64xf32, #tpu.memory_space<vmem>> -> memref<64xf32, #tpu.memory_space<vmem>>
      %dma_start3A_256 = arith.constant 0 : i32
      %dma_start3A_257 = tpu.memref_slice %arg3[%squeeze3A_239, %squeeze3A_241, %dma_start3A_256] : memref<12500x8x64xf32, #tpu.memory_space<hbm>> -> memref<1x1x64xf32, #tpu.memory_space<hbm>>
      %dma_start3A_258 = tpu.memref_squeeze %dma_start3A_257 : memref<1x1x64xf32, #tpu.memory_space<hbm>> -> memref<64xf32, #tpu.memory_space<hbm>>
      tpu.enqueue_dma source(%dma_start3A_258 : memref<64xf32, #tpu.memory_space<hbm>>) target(%dma_start3A_255 : memref<64xf32, #tpu.memory_space<vmem>>) target_semaphore(%arg7 : memref<!tpu.dma_semaphore, #tpu.memory_space<semaphore_mem>>)
      %slice3A_259 = vector.extract_strided_slice %shift_right_arithmetic3A_111 {offsets = [7], sizes = [1], strides = [1]} : vector<16xi32> to vector<1xi32>
      %squeeze3A_260 = vector.extract %slice3A_259[0] : i32 from vector<1xi32>
      %slice3A_261 = vector.extract_strided_slice %and3A_114 {offsets = [7], sizes = [1], strides = [1]} : vector<16xi32> to vector<1xi32>
      %squeeze3A_262 = vector.extract %slice3A_261[0] : i32 from vector<1xi32>
      %mul3A_263 = arith.constant 2 : i32
      %mul3A_264 = arith.muli %mul3A_263, %scan3A_105 : i32
      %add3A_265 = arith.constant 0 : i32
      %add3A_266 = arith.addi %mul3A_264, %add3A_265 : i32
      %dma_start3A_267 = arith.constant 7 : i32
      %dma_start3A_268 = arith.constant 0 : i32
      %dma_start3A_269 = tpu.memref_slice %arg6[%add3A_266, %dma_start3A_267, %dma_start3A_268] : memref<64x8x64xf32, #tpu.memory_space<vmem>> -> memref<1x1x64xf32, #tpu.memory_space<vmem>>
      %dma_start3A_270 = tpu.memref_squeeze %dma_start3A_269 : memref<1x1x64xf32, #tpu.memory_space<vmem>> -> memref<64xf32, #tpu.memory_space<vmem>>
      %dma_start3A_271 = arith.constant 0 : i32
      %dma_start3A_272 = tpu.memref_slice %arg3[%squeeze3A_260, %squeeze3A_262, %dma_start3A_271] : memref<12500x8x64xf32, #tpu.memory_space<hbm>> -> memref<1x1x64xf32, #tpu.memory_space<hbm>>
      %dma_start3A_273 = tpu.memref_squeeze %dma_start3A_272 : memref<1x1x64xf32, #tpu.memory_space<hbm>> -> memref<64xf32, #tpu.memory_space<hbm>>
      %dma_start3A_274 = arith.constant 0 : i32
      %dma_start3A_275 = tpu.memref_slice %arg6[%add3A_266, %dma_start3A_267, %dma_start3A_274] : memref<64x8x64xf32, #tpu.memory_space<vmem>> -> memref<1x1x64xf32, #tpu.memory_space<vmem>>
      %dma_start3A_276 = tpu.memref_squeeze %dma_start3A_275 : memref<1x1x64xf32, #tpu.memory_space<vmem>> -> memref<64xf32, #tpu.memory_space<vmem>>
      %dma_start3A_277 = arith.constant 0 : i32
      %dma_start3A_278 = tpu.memref_slice %arg3[%squeeze3A_260, %squeeze3A_262, %dma_start3A_277] : memref<12500x8x64xf32, #tpu.memory_space<hbm>> -> memref<1x1x64xf32, #tpu.memory_space<hbm>>
      %dma_start3A_279 = tpu.memref_squeeze %dma_start3A_278 : memref<1x1x64xf32, #tpu.memory_space<hbm>> -> memref<64xf32, #tpu.memory_space<hbm>>
      tpu.enqueue_dma source(%dma_start3A_279 : memref<64xf32, #tpu.memory_space<hbm>>) target(%dma_start3A_276 : memref<64xf32, #tpu.memory_space<vmem>>) target_semaphore(%arg7 : memref<!tpu.dma_semaphore, #tpu.memory_space<semaphore_mem>>)
      %slice3A_280 = vector.extract_strided_slice %shift_right_arithmetic3A_111 {offsets = [8], sizes = [1], strides = [1]} : vector<16xi32> to vector<1xi32>
      %squeeze3A_281 = vector.extract %slice3A_280[0] : i32 from vector<1xi32>
      %slice3A_282 = vector.extract_strided_slice %and3A_114 {offsets = [8], sizes = [1], strides = [1]} : vector<16xi32> to vector<1xi32>
      %squeeze3A_283 = vector.extract %slice3A_282[0] : i32 from vector<1xi32>
      %mul3A_284 = arith.constant 2 : i32
      %mul3A_285 = arith.muli %mul3A_284, %scan3A_105 : i32
      %add3A_286 = arith.constant 1 : i32
      %add3A_287 = arith.addi %mul3A_285, %add3A_286 : i32
      %dma_start3A_288 = arith.constant 0 : i32
      %dma_start3A_289 = arith.constant 0 : i32
      %dma_start3A_290 = tpu.memref_slice %arg6[%add3A_287, %dma_start3A_288, %dma_start3A_289] : memref<64x8x64xf32, #tpu.memory_space<vmem>> -> memref<1x1x64xf32, #tpu.memory_space<vmem>>
      %dma_start3A_291 = tpu.memref_squeeze %dma_start3A_290 : memref<1x1x64xf32, #tpu.memory_space<vmem>> -> memref<64xf32, #tpu.memory_space<vmem>>
      %dma_start3A_292 = arith.constant 0 : i32
      %dma_start3A_293 = tpu.memref_slice %arg3[%squeeze3A_281, %squeeze3A_283, %dma_start3A_292] : memref<12500x8x64xf32, #tpu.memory_space<hbm>> -> memref<1x1x64xf32, #tpu.memory_space<hbm>>
      %dma_start3A_294 = tpu.memref_squeeze %dma_start3A_293 : memref<1x1x64xf32, #tpu.memory_space<hbm>> -> memref<64xf32, #tpu.memory_space<hbm>>
      %dma_start3A_295 = arith.constant 0 : i32
      %dma_start3A_296 = tpu.memref_slice %arg6[%add3A_287, %dma_start3A_288, %dma_start3A_295] : memref<64x8x64xf32, #tpu.memory_space<vmem>> -> memref<1x1x64xf32, #tpu.memory_space<vmem>>
      %dma_start3A_297 = tpu.memref_squeeze %dma_start3A_296 : memref<1x1x64xf32, #tpu.memory_space<vmem>> -> memref<64xf32, #tpu.memory_space<vmem>>
      %dma_start3A_298 = arith.constant 0 : i32
      %dma_start3A_299 = tpu.memref_slice %arg3[%squeeze3A_281, %squeeze3A_283, %dma_start3A_298] : memref<12500x8x64xf32, #tpu.memory_space<hbm>> -> memref<1x1x64xf32, #tpu.memory_space<hbm>>
      %dma_start3A_300 = tpu.memref_squeeze %dma_start3A_299 : memref<1x1x64xf32, #tpu.memory_space<hbm>> -> memref<64xf32, #tpu.memory_space<hbm>>
      tpu.enqueue_dma source(%dma_start3A_300 : memref<64xf32, #tpu.memory_space<hbm>>) target(%dma_start3A_297 : memref<64xf32, #tpu.memory_space<vmem>>) target_semaphore(%arg7 : memref<!tpu.dma_semaphore, #tpu.memory_space<semaphore_mem>>)
      %slice3A_301 = vector.extract_strided_slice %shift_right_arithmetic3A_111 {offsets = [9], sizes = [1], strides = [1]} : vector<16xi32> to vector<1xi32>
      %squeeze3A_302 = vector.extract %slice3A_301[0] : i32 from vector<1xi32>
      %slice3A_303 = vector.extract_strided_slice %and3A_114 {offsets = [9], sizes = [1], strides = [1]} : vector<16xi32> to vector<1xi32>
      %squeeze3A_304 = vector.extract %slice3A_303[0] : i32 from vector<1xi32>
      %mul3A_305 = arith.constant 2 : i32
      %mul3A_306 = arith.muli %mul3A_305, %scan3A_105 : i32
      %add3A_307 = arith.constant 1 : i32
      %add3A_308 = arith.addi %mul3A_306, %add3A_307 : i32
      %dma_start3A_309 = arith.constant 1 : i32
      %dma_start3A_310 = arith.constant 0 : i32
      %dma_start3A_311 = tpu.memref_slice %arg6[%add3A_308, %dma_start3A_309, %dma_start3A_310] : memref<64x8x64xf32, #tpu.memory_space<vmem>> -> memref<1x1x64xf32, #tpu.memory_space<vmem>>
      %dma_start3A_312 = tpu.memref_squeeze %dma_start3A_311 : memref<1x1x64xf32, #tpu.memory_space<vmem>> -> memref<64xf32, #tpu.memory_space<vmem>>
      %dma_start3A_313 = arith.constant 0 : i32
      %dma_start3A_314 = tpu.memref_slice %arg3[%squeeze3A_302, %squeeze3A_304, %dma_start3A_313] : memref<12500x8x64xf32, #tpu.memory_space<hbm>> -> memref<1x1x64xf32, #tpu.memory_space<hbm>>
      %dma_start3A_315 = tpu.memref_squeeze %dma_start3A_314 : memref<1x1x64xf32, #tpu.memory_space<hbm>> -> memref<64xf32, #tpu.memory_space<hbm>>
      %dma_start3A_316 = arith.constant 0 : i32
      %dma_start3A_317 = tpu.memref_slice %arg6[%add3A_308, %dma_start3A_309, %dma_start3A_316] : memref<64x8x64xf32, #tpu.memory_space<vmem>> -> memref<1x1x64xf32, #tpu.memory_space<vmem>>
      %dma_start3A_318 = tpu.memref_squeeze %dma_start3A_317 : memref<1x1x64xf32, #tpu.memory_space<vmem>> -> memref<64xf32, #tpu.memory_space<vmem>>
      %dma_start3A_319 = arith.constant 0 : i32
      %dma_start3A_320 = tpu.memref_slice %arg3[%squeeze3A_302, %squeeze3A_304, %dma_start3A_319] : memref<12500x8x64xf32, #tpu.memory_space<hbm>> -> memref<1x1x64xf32, #tpu.memory_space<hbm>>
      %dma_start3A_321 = tpu.memref_squeeze %dma_start3A_320 : memref<1x1x64xf32, #tpu.memory_space<hbm>> -> memref<64xf32, #tpu.memory_space<hbm>>
      tpu.enqueue_dma source(%dma_start3A_321 : memref<64xf32, #tpu.memory_space<hbm>>) target(%dma_start3A_318 : memref<64xf32, #tpu.memory_space<vmem>>) target_semaphore(%arg7 : memref<!tpu.dma_semaphore, #tpu.memory_space<semaphore_mem>>)
      %slice3A_322 = vector.extract_strided_slice %shift_right_arithmetic3A_111 {offsets = [10], sizes = [1], strides = [1]} : vector<16xi32> to vector<1xi32>
      %squeeze3A_323 = vector.extract %slice3A_322[0] : i32 from vector<1xi32>
      %slice3A_324 = vector.extract_strided_slice %and3A_114 {offsets = [10], sizes = [1], strides = [1]} : vector<16xi32> to vector<1xi32>
      %squeeze3A_325 = vector.extract %slice3A_324[0] : i32 from vector<1xi32>
      %mul3A_326 = arith.constant 2 : i32
      %mul3A_327 = arith.muli %mul3A_326, %scan3A_105 : i32
      %add3A_328 = arith.constant 1 : i32
      %add3A_329 = arith.addi %mul3A_327, %add3A_328 : i32
      %dma_start3A_330 = arith.constant 2 : i32
      %dma_start3A_331 = arith.constant 0 : i32
      %dma_start3A_332 = tpu.memref_slice %arg6[%add3A_329, %dma_start3A_330, %dma_start3A_331] : memref<64x8x64xf32, #tpu.memory_space<vmem>> -> memref<1x1x64xf32, #tpu.memory_space<vmem>>
      %dma_start3A_333 = tpu.memref_squeeze %dma_start3A_332 : memref<1x1x64xf32, #tpu.memory_space<vmem>> -> memref<64xf32, #tpu.memory_space<vmem>>
      %dma_start3A_334 = arith.constant 0 : i32
      %dma_start3A_335 = tpu.memref_slice %arg3[%squeeze3A_323, %squeeze3A_325, %dma_start3A_334] : memref<12500x8x64xf32, #tpu.memory_space<hbm>> -> memref<1x1x64xf32, #tpu.memory_space<hbm>>
      %dma_start3A_336 = tpu.memref_squeeze %dma_start3A_335 : memref<1x1x64xf32, #tpu.memory_space<hbm>> -> memref<64xf32, #tpu.memory_space<hbm>>
      %dma_start3A_337 = arith.constant 0 : i32
      %dma_start3A_338 = tpu.memref_slice %arg6[%add3A_329, %dma_start3A_330, %dma_start3A_337] : memref<64x8x64xf32, #tpu.memory_space<vmem>> -> memref<1x1x64xf32, #tpu.memory_space<vmem>>
      %dma_start3A_339 = tpu.memref_squeeze %dma_start3A_338 : memref<1x1x64xf32, #tpu.memory_space<vmem>> -> memref<64xf32, #tpu.memory_space<vmem>>
      %dma_start3A_340 = arith.constant 0 : i32
      %dma_start3A_341 = tpu.memref_slice %arg3[%squeeze3A_323, %squeeze3A_325, %dma_start3A_340] : memref<12500x8x64xf32, #tpu.memory_space<hbm>> -> memref<1x1x64xf32, #tpu.memory_space<hbm>>
      %dma_start3A_342 = tpu.memref_squeeze %dma_start3A_341 : memref<1x1x64xf32, #tpu.memory_space<hbm>> -> memref<64xf32, #tpu.memory_space<hbm>>
      tpu.enqueue_dma source(%dma_start3A_342 : memref<64xf32, #tpu.memory_space<hbm>>) target(%dma_start3A_339 : memref<64xf32, #tpu.memory_space<vmem>>) target_semaphore(%arg7 : memref<!tpu.dma_semaphore, #tpu.memory_space<semaphore_mem>>)
      %slice3A_343 = vector.extract_strided_slice %shift_right_arithmetic3A_111 {offsets = [11], sizes = [1], strides = [1]} : vector<16xi32> to vector<1xi32>
      %squeeze3A_344 = vector.extract %slice3A_343[0] : i32 from vector<1xi32>
      %slice3A_345 = vector.extract_strided_slice %and3A_114 {offsets = [11], sizes = [1], strides = [1]} : vector<16xi32> to vector<1xi32>
      %squeeze3A_346 = vector.extract %slice3A_345[0] : i32 from vector<1xi32>
      %mul3A_347 = arith.constant 2 : i32
      %mul3A_348 = arith.muli %mul3A_347, %scan3A_105 : i32
      %add3A_349 = arith.constant 1 : i32
      %add3A_350 = arith.addi %mul3A_348, %add3A_349 : i32
      %dma_start3A_351 = arith.constant 3 : i32
      %dma_start3A_352 = arith.constant 0 : i32
      %dma_start3A_353 = tpu.memref_slice %arg6[%add3A_350, %dma_start3A_351, %dma_start3A_352] : memref<64x8x64xf32, #tpu.memory_space<vmem>> -> memref<1x1x64xf32, #tpu.memory_space<vmem>>
      %dma_start3A_354 = tpu.memref_squeeze %dma_start3A_353 : memref<1x1x64xf32, #tpu.memory_space<vmem>> -> memref<64xf32, #tpu.memory_space<vmem>>
      %dma_start3A_355 = arith.constant 0 : i32
      %dma_start3A_356 = tpu.memref_slice %arg3[%squeeze3A_344, %squeeze3A_346, %dma_start3A_355] : memref<12500x8x64xf32, #tpu.memory_space<hbm>> -> memref<1x1x64xf32, #tpu.memory_space<hbm>>
      %dma_start3A_357 = tpu.memref_squeeze %dma_start3A_356 : memref<1x1x64xf32, #tpu.memory_space<hbm>> -> memref<64xf32, #tpu.memory_space<hbm>>
      %dma_start3A_358 = arith.constant 0 : i32
      %dma_start3A_359 = tpu.memref_slice %arg6[%add3A_350, %dma_start3A_351, %dma_start3A_358] : memref<64x8x64xf32, #tpu.memory_space<vmem>> -> memref<1x1x64xf32, #tpu.memory_space<vmem>>
      %dma_start3A_360 = tpu.memref_squeeze %dma_start3A_359 : memref<1x1x64xf32, #tpu.memory_space<vmem>> -> memref<64xf32, #tpu.memory_space<vmem>>
      %dma_start3A_361 = arith.constant 0 : i32
      %dma_start3A_362 = tpu.memref_slice %arg3[%squeeze3A_344, %squeeze3A_346, %dma_start3A_361] : memref<12500x8x64xf32, #tpu.memory_space<hbm>> -> memref<1x1x64xf32, #tpu.memory_space<hbm>>
      %dma_start3A_363 = tpu.memref_squeeze %dma_start3A_362 : memref<1x1x64xf32, #tpu.memory_space<hbm>> -> memref<64xf32, #tpu.memory_space<hbm>>
      tpu.enqueue_dma source(%dma_start3A_363 : memref<64xf32, #tpu.memory_space<hbm>>) target(%dma_start3A_360 : memref<64xf32, #tpu.memory_space<vmem>>) target_semaphore(%arg7 : memref<!tpu.dma_semaphore, #tpu.memory_space<semaphore_mem>>)
      %slice3A_364 = vector.extract_strided_slice %shift_right_arithmetic3A_111 {offsets = [12], sizes = [1], strides = [1]} : vector<16xi32> to vector<1xi32>
      %squeeze3A_365 = vector.extract %slice3A_364[0] : i32 from vector<1xi32>
      %slice3A_366 = vector.extract_strided_slice %and3A_114 {offsets = [12], sizes = [1], strides = [1]} : vector<16xi32> to vector<1xi32>
      %squeeze3A_367 = vector.extract %slice3A_366[0] : i32 from vector<1xi32>
      %mul3A_368 = arith.constant 2 : i32
      %mul3A_369 = arith.muli %mul3A_368, %scan3A_105 : i32
      %add3A_370 = arith.constant 1 : i32
      %add3A_371 = arith.addi %mul3A_369, %add3A_370 : i32
      %dma_start3A_372 = arith.constant 4 : i32
      %dma_start3A_373 = arith.constant 0 : i32
      %dma_start3A_374 = tpu.memref_slice %arg6[%add3A_371, %dma_start3A_372, %dma_start3A_373] : memref<64x8x64xf32, #tpu.memory_space<vmem>> -> memref<1x1x64xf32, #tpu.memory_space<vmem>>
      %dma_start3A_375 = tpu.memref_squeeze %dma_start3A_374 : memref<1x1x64xf32, #tpu.memory_space<vmem>> -> memref<64xf32, #tpu.memory_space<vmem>>
      %dma_start3A_376 = arith.constant 0 : i32
      %dma_start3A_377 = tpu.memref_slice %arg3[%squeeze3A_365, %squeeze3A_367, %dma_start3A_376] : memref<12500x8x64xf32, #tpu.memory_space<hbm>> -> memref<1x1x64xf32, #tpu.memory_space<hbm>>
      %dma_start3A_378 = tpu.memref_squeeze %dma_start3A_377 : memref<1x1x64xf32, #tpu.memory_space<hbm>> -> memref<64xf32, #tpu.memory_space<hbm>>
      %dma_start3A_379 = arith.constant 0 : i32
      %dma_start3A_380 = tpu.memref_slice %arg6[%add3A_371, %dma_start3A_372, %dma_start3A_379] : memref<64x8x64xf32, #tpu.memory_space<vmem>> -> memref<1x1x64xf32, #tpu.memory_space<vmem>>
      %dma_start3A_381 = tpu.memref_squeeze %dma_start3A_380 : memref<1x1x64xf32, #tpu.memory_space<vmem>> -> memref<64xf32, #tpu.memory_space<vmem>>
      %dma_start3A_382 = arith.constant 0 : i32
      %dma_start3A_383 = tpu.memref_slice %arg3[%squeeze3A_365, %squeeze3A_367, %dma_start3A_382] : memref<12500x8x64xf32, #tpu.memory_space<hbm>> -> memref<1x1x64xf32, #tpu.memory_space<hbm>>
      %dma_start3A_384 = tpu.memref_squeeze %dma_start3A_383 : memref<1x1x64xf32, #tpu.memory_space<hbm>> -> memref<64xf32, #tpu.memory_space<hbm>>
      tpu.enqueue_dma source(%dma_start3A_384 : memref<64xf32, #tpu.memory_space<hbm>>) target(%dma_start3A_381 : memref<64xf32, #tpu.memory_space<vmem>>) target_semaphore(%arg7 : memref<!tpu.dma_semaphore, #tpu.memory_space<semaphore_mem>>)
      %slice3A_385 = vector.extract_strided_slice %shift_right_arithmetic3A_111 {offsets = [13], sizes = [1], strides = [1]} : vector<16xi32> to vector<1xi32>
      %squeeze3A_386 = vector.extract %slice3A_385[0] : i32 from vector<1xi32>
      %slice3A_387 = vector.extract_strided_slice %and3A_114 {offsets = [13], sizes = [1], strides = [1]} : vector<16xi32> to vector<1xi32>
      %squeeze3A_388 = vector.extract %slice3A_387[0] : i32 from vector<1xi32>
      %mul3A_389 = arith.constant 2 : i32
      %mul3A_390 = arith.muli %mul3A_389, %scan3A_105 : i32
      %add3A_391 = arith.constant 1 : i32
      %add3A_392 = arith.addi %mul3A_390, %add3A_391 : i32
      %dma_start3A_393 = arith.constant 5 : i32
      %dma_start3A_394 = arith.constant 0 : i32
      %dma_start3A_395 = tpu.memref_slice %arg6[%add3A_392, %dma_start3A_393, %dma_start3A_394] : memref<64x8x64xf32, #tpu.memory_space<vmem>> -> memref<1x1x64xf32, #tpu.memory_space<vmem>>
      %dma_start3A_396 = tpu.memref_squeeze %dma_start3A_395 : memref<1x1x64xf32, #tpu.memory_space<vmem>> -> memref<64xf32, #tpu.memory_space<vmem>>
      %dma_start3A_397 = arith.constant 0 : i32
      %dma_start3A_398 = tpu.memref_slice %arg3[%squeeze3A_386, %squeeze3A_388, %dma_start3A_397] : memref<12500x8x64xf32, #tpu.memory_space<hbm>> -> memref<1x1x64xf32, #tpu.memory_space<hbm>>
      %dma_start3A_399 = tpu.memref_squeeze %dma_start3A_398 : memref<1x1x64xf32, #tpu.memory_space<hbm>> -> memref<64xf32, #tpu.memory_space<hbm>>
      %dma_start3A_400 = arith.constant 0 : i32
      %dma_start3A_401 = tpu.memref_slice %arg6[%add3A_392, %dma_start3A_393, %dma_start3A_400] : memref<64x8x64xf32, #tpu.memory_space<vmem>> -> memref<1x1x64xf32, #tpu.memory_space<vmem>>
      %dma_start3A_402 = tpu.memref_squeeze %dma_start3A_401 : memref<1x1x64xf32, #tpu.memory_space<vmem>> -> memref<64xf32, #tpu.memory_space<vmem>>
      %dma_start3A_403 = arith.constant 0 : i32
      %dma_start3A_404 = tpu.memref_slice %arg3[%squeeze3A_386, %squeeze3A_388, %dma_start3A_403] : memref<12500x8x64xf32, #tpu.memory_space<hbm>> -> memref<1x1x64xf32, #tpu.memory_space<hbm>>
      %dma_start3A_405 = tpu.memref_squeeze %dma_start3A_404 : memref<1x1x64xf32, #tpu.memory_space<hbm>> -> memref<64xf32, #tpu.memory_space<hbm>>
      tpu.enqueue_dma source(%dma_start3A_405 : memref<64xf32, #tpu.memory_space<hbm>>) target(%dma_start3A_402 : memref<64xf32, #tpu.memory_space<vmem>>) target_semaphore(%arg7 : memref<!tpu.dma_semaphore, #tpu.memory_space<semaphore_mem>>)
      %slice3A_406 = vector.extract_strided_slice %shift_right_arithmetic3A_111 {offsets = [14], sizes = [1], strides = [1]} : vector<16xi32> to vector<1xi32>
      %squeeze3A_407 = vector.extract %slice3A_406[0] : i32 from vector<1xi32>
      %slice3A_408 = vector.extract_strided_slice %and3A_114 {offsets = [14], sizes = [1], strides = [1]} : vector<16xi32> to vector<1xi32>
      %squeeze3A_409 = vector.extract %slice3A_408[0] : i32 from vector<1xi32>
      %mul3A_410 = arith.constant 2 : i32
      %mul3A_411 = arith.muli %mul3A_410, %scan3A_105 : i32
      %add3A_412 = arith.constant 1 : i32
      %add3A_413 = arith.addi %mul3A_411, %add3A_412 : i32
      %dma_start3A_414 = arith.constant 6 : i32
      %dma_start3A_415 = arith.constant 0 : i32
      %dma_start3A_416 = tpu.memref_slice %arg6[%add3A_413, %dma_start3A_414, %dma_start3A_415] : memref<64x8x64xf32, #tpu.memory_space<vmem>> -> memref<1x1x64xf32, #tpu.memory_space<vmem>>
      %dma_start3A_417 = tpu.memref_squeeze %dma_start3A_416 : memref<1x1x64xf32, #tpu.memory_space<vmem>> -> memref<64xf32, #tpu.memory_space<vmem>>
      %dma_start3A_418 = arith.constant 0 : i32
      %dma_start3A_419 = tpu.memref_slice %arg3[%squeeze3A_407, %squeeze3A_409, %dma_start3A_418] : memref<12500x8x64xf32, #tpu.memory_space<hbm>> -> memref<1x1x64xf32, #tpu.memory_space<hbm>>
      %dma_start3A_420 = tpu.memref_squeeze %dma_start3A_419 : memref<1x1x64xf32, #tpu.memory_space<hbm>> -> memref<64xf32, #tpu.memory_space<hbm>>
      %dma_start3A_421 = arith.constant 0 : i32
      %dma_start3A_422 = tpu.memref_slice %arg6[%add3A_413, %dma_start3A_414, %dma_start3A_421] : memref<64x8x64xf32, #tpu.memory_space<vmem>> -> memref<1x1x64xf32, #tpu.memory_space<vmem>>
      %dma_start3A_423 = tpu.memref_squeeze %dma_start3A_422 : memref<1x1x64xf32, #tpu.memory_space<vmem>> -> memref<64xf32, #tpu.memory_space<vmem>>
      %dma_start3A_424 = arith.constant 0 : i32
      %dma_start3A_425 = tpu.memref_slice %arg3[%squeeze3A_407, %squeeze3A_409, %dma_start3A_424] : memref<12500x8x64xf32, #tpu.memory_space<hbm>> -> memref<1x1x64xf32, #tpu.memory_space<hbm>>
      %dma_start3A_426 = tpu.memref_squeeze %dma_start3A_425 : memref<1x1x64xf32, #tpu.memory_space<hbm>> -> memref<64xf32, #tpu.memory_space<hbm>>
      tpu.enqueue_dma source(%dma_start3A_426 : memref<64xf32, #tpu.memory_space<hbm>>) target(%dma_start3A_423 : memref<64xf32, #tpu.memory_space<vmem>>) target_semaphore(%arg7 : memref<!tpu.dma_semaphore, #tpu.memory_space<semaphore_mem>>)
      %slice3A_427 = vector.extract_strided_slice %shift_right_arithmetic3A_111 {offsets = [15], sizes = [1], strides = [1]} : vector<16xi32> to vector<1xi32>
      %squeeze3A_428 = vector.extract %slice3A_427[0] : i32 from vector<1xi32>
      %slice3A_429 = vector.extract_strided_slice %and3A_114 {offsets = [15], sizes = [1], strides = [1]} : vector<16xi32> to vector<1xi32>
      %squeeze3A_430 = vector.extract %slice3A_429[0] : i32 from vector<1xi32>
      %mul3A_431 = arith.constant 2 : i32
      %mul3A_432 = arith.muli %mul3A_431, %scan3A_105 : i32
      %add3A_433 = arith.constant 1 : i32
      %add3A_434 = arith.addi %mul3A_432, %add3A_433 : i32
      %dma_start3A_435 = arith.constant 7 : i32
      %dma_start3A_436 = arith.constant 0 : i32
      %dma_start3A_437 = tpu.memref_slice %arg6[%add3A_434, %dma_start3A_435, %dma_start3A_436] : memref<64x8x64xf32, #tpu.memory_space<vmem>> -> memref<1x1x64xf32, #tpu.memory_space<vmem>>
      %dma_start3A_438 = tpu.memref_squeeze %dma_start3A_437 : memref<1x1x64xf32, #tpu.memory_space<vmem>> -> memref<64xf32, #tpu.memory_space<vmem>>
      %dma_start3A_439 = arith.constant 0 : i32
      %dma_start3A_440 = tpu.memref_slice %arg3[%squeeze3A_428, %squeeze3A_430, %dma_start3A_439] : memref<12500x8x64xf32, #tpu.memory_space<hbm>> -> memref<1x1x64xf32, #tpu.memory_space<hbm>>
      %dma_start3A_441 = tpu.memref_squeeze %dma_start3A_440 : memref<1x1x64xf32, #tpu.memory_space<hbm>> -> memref<64xf32, #tpu.memory_space<hbm>>
      %dma_start3A_442 = arith.constant 0 : i32
      %dma_start3A_443 = tpu.memref_slice %arg6[%add3A_434, %dma_start3A_435, %dma_start3A_442] : memref<64x8x64xf32, #tpu.memory_space<vmem>> -> memref<1x1x64xf32, #tpu.memory_space<vmem>>
      %dma_start3A_444 = tpu.memref_squeeze %dma_start3A_443 : memref<1x1x64xf32, #tpu.memory_space<vmem>> -> memref<64xf32, #tpu.memory_space<vmem>>
      %dma_start3A_445 = arith.constant 0 : i32
      %dma_start3A_446 = tpu.memref_slice %arg3[%squeeze3A_428, %squeeze3A_430, %dma_start3A_445] : memref<12500x8x64xf32, #tpu.memory_space<hbm>> -> memref<1x1x64xf32, #tpu.memory_space<hbm>>
      %dma_start3A_447 = tpu.memref_squeeze %dma_start3A_446 : memref<1x1x64xf32, #tpu.memory_space<hbm>> -> memref<64xf32, #tpu.memory_space<hbm>>
      tpu.enqueue_dma source(%dma_start3A_447 : memref<64xf32, #tpu.memory_space<hbm>>) target(%dma_start3A_444 : memref<64xf32, #tpu.memory_space<vmem>>) target_semaphore(%arg7 : memref<!tpu.dma_semaphore, #tpu.memory_space<semaphore_mem>>)
    }
    %scan3A_56 = arith.constant 8 : i32
    %dma_wait3A_57 = arith.constant 0 : i32
    %dma_wait3A_58 = arith.constant 0 : i32
    %dma_wait3A_59 = arith.constant 0 : i32
    %dma_wait3A_60 = tpu.memref_slice %arg6[%dma_wait3A_57, %dma_wait3A_58, %dma_wait3A_59] : memref<64x8x64xf32, #tpu.memory_space<vmem>> -> memref<16x8x64xf32, #tpu.memory_space<vmem>>
    %dma_wait3A_61 = arith.constant 0 : i32
    %dma_wait3A_62 = arith.constant 0 : i32
    %dma_wait3A_63 = arith.constant 0 : i32
    %dma_wait3A_64 = tpu.memref_slice %arg4[%dma_wait3A_61, %dma_wait3A_62, %dma_wait3A_63] : memref<2048x8x64xf32, #tpu.memory_space<hbm>> -> memref<16x8x64xf32, #tpu.memory_space<hbm>>
    %dma_wait3A_65 = arith.constant 0 : i32
    %dma_wait3A_66 = arith.constant 0 : i32
    %dma_wait3A_67 = arith.constant 0 : i32
    %dma_wait3A_68 = tpu.memref_slice %arg6[%dma_wait3A_65, %dma_wait3A_66, %dma_wait3A_67] : memref<64x8x64xf32, #tpu.memory_space<vmem>> -> memref<16x8x64xf32, #tpu.memory_space<vmem>>
    %dma_wait3A_69 = arith.constant 0 : i32
    %dma_wait3A_70 = arith.constant 0 : i32
    %dma_wait3A_71 = arith.constant 0 : i32
    %dma_wait3A_72 = tpu.memref_slice %arg4[%dma_wait3A_69, %dma_wait3A_70, %dma_wait3A_71] : memref<2048x8x64xf32, #tpu.memory_space<hbm>> -> memref<16x8x64xf32, #tpu.memory_space<hbm>>
    tpu.wait_dma2 semaphore(%arg7 : memref<!tpu.dma_semaphore, #tpu.memory_space<semaphore_mem>>) src(%dma_wait3A_72 : memref<16x8x64xf32, #tpu.memory_space<hbm>>) dst(%dma_wait3A_68 : memref<16x8x64xf32, #tpu.memory_space<vmem>>)
    %dma_wait3A_73 = arith.constant 0 : i32
    %dma_wait3A_74 = arith.constant 0 : i32
    %dma_wait3A_75 = arith.constant 0 : i32
    %dma_wait3A_76 = tpu.memref_slice %arg6[%dma_wait3A_73, %dma_wait3A_74, %dma_wait3A_75] : memref<64x8x64xf32, #tpu.memory_space<vmem>> -> memref<16x8x64xf32, #tpu.memory_space<vmem>>
    %dma_wait3A_77 = arith.constant 0 : i32
    %dma_wait3A_78 = arith.constant 0 : i32
    %dma_wait3A_79 = arith.constant 0 : i32
    %dma_wait3A_80 = tpu.memref_slice %arg4[%dma_wait3A_77, %dma_wait3A_78, %dma_wait3A_79] : memref<2048x8x64xf32, #tpu.memory_space<hbm>> -> memref<16x8x64xf32, #tpu.memory_space<hbm>>
    %dma_wait3A_81 = arith.constant 0 : i32
    %dma_wait3A_82 = arith.constant 0 : i32
    %dma_wait3A_83 = arith.constant 0 : i32
    %dma_wait3A_84 = tpu.memref_slice %arg6[%dma_wait3A_81, %dma_wait3A_82, %dma_wait3A_83] : memref<64x8x64xf32, #tpu.memory_space<vmem>> -> memref<16x8x64xf32, #tpu.memory_space<vmem>>
    %dma_wait3A_85 = arith.constant 0 : i32
    %dma_wait3A_86 = arith.constant 0 : i32
    %dma_wait3A_87 = arith.constant 0 : i32
    %dma_wait3A_88 = tpu.memref_slice %arg4[%dma_wait3A_85, %dma_wait3A_86, %dma_wait3A_87] : memref<2048x8x64xf32, #tpu.memory_space<hbm>> -> memref<16x8x64xf32, #tpu.memory_space<hbm>>
    tpu.wait_dma2 semaphore(%arg7 : memref<!tpu.dma_semaphore, #tpu.memory_space<semaphore_mem>>) src(%dma_wait3A_88 : memref<16x8x64xf32, #tpu.memory_space<hbm>>) dst(%dma_wait3A_84 : memref<16x8x64xf32, #tpu.memory_space<vmem>>)
    %jit3A = arith.constant 8 : i32
    %div3A = arith.divsi %mul3A_2, %jit3A : i32
    %sign3A = arith.constant 0 : i32
    %sign3A_89 = arith.cmpi sgt, %mul3A_2, %sign3A : i32
    %sign3A_90 = arith.extui %sign3A_89 : i1 to i32
    %sign3A_91 = arith.constant 0 : i32
    %sign3A_92 = arith.cmpi slt, %mul3A_2, %sign3A_91 : i32
    %sign3A_93 = arith.extui %sign3A_92 : i1 to i32
    %sign3A_94 = arith.subi %sign3A_90, %sign3A_93 : i32
    %sign3A_95 = arith.constant 0 : i32
    %sign3A_96 = arith.cmpi sgt, %jit3A, %sign3A_95 : i32
    %sign3A_97 = arith.extui %sign3A_96 : i1 to i32
    %sign3A_98 = arith.constant 0 : i32
    %sign3A_99 = arith.cmpi slt, %jit3A, %sign3A_98 : i32
    %sign3A_100 = arith.extui %sign3A_99 : i1 to i32
    %sign3A_101 = arith.subi %sign3A_97, %sign3A_100 : i32
    %ne3A = arith.cmpi ne, %sign3A_94, %sign3A_101 : i32
    %rem3A = arith.remsi %mul3A_2, %jit3A : i32
    %ne3A_102 = arith.constant 0 : i32
    %ne3A_103 = arith.cmpi ne, %rem3A, %ne3A_102 : i32
    %and3A = arith.andi %ne3A, %ne3A_103 : i1
    %sub3A = arith.constant 1 : i32
    %sub3A_104 = arith.subi %div3A, %sub3A : i32
    %select_n3A = arith.select %and3A, %sub3A_104, %div3A : i32
    "tpu.region"() ({
      %run_scoped3A = tpu.sem_alloc : memref<!tpu.dma_semaphore, #tpu.memory_space<semaphore_mem>>
      %dma_start3A = arith.constant 0 : i32
      %dma_start3A_105 = arith.constant 0 : i32
      %dma_start3A_106 = tpu.memref_slice %arg4[%select_n3A, %dma_start3A, %dma_start3A_105] : memref<2048x8x64xf32, #tpu.memory_space<hbm>> -> memref<64x8x64xf32, #tpu.memory_space<hbm>>
      %dma_start3A_107 = arith.constant 0 : i32
      %dma_start3A_108 = arith.constant 0 : i32
      %dma_start3A_109 = tpu.memref_slice %arg4[%select_n3A, %dma_start3A_107, %dma_start3A_108] : memref<2048x8x64xf32, #tpu.memory_space<hbm>> -> memref<64x8x64xf32, #tpu.memory_space<hbm>>
      tpu.enqueue_dma source(%arg6 : memref<64x8x64xf32, #tpu.memory_space<vmem>>) target(%dma_start3A_109 : memref<64x8x64xf32, #tpu.memory_space<hbm>>) target_semaphore(%run_scoped3A : memref<!tpu.dma_semaphore, #tpu.memory_space<semaphore_mem>>)
      %dma_wait3A_110 = arith.constant 0 : i32
      %dma_wait3A_111 = arith.constant 0 : i32
      %dma_wait3A_112 = tpu.memref_slice %arg4[%select_n3A, %dma_wait3A_110, %dma_wait3A_111] : memref<2048x8x64xf32, #tpu.memory_space<hbm>> -> memref<64x8x64xf32, #tpu.memory_space<hbm>>
      %dma_wait3A_113 = arith.constant 0 : i32
      %dma_wait3A_114 = arith.constant 0 : i32
      %dma_wait3A_115 = tpu.memref_slice %arg4[%select_n3A, %dma_wait3A_113, %dma_wait3A_114] : memref<2048x8x64xf32, #tpu.memory_space<hbm>> -> memref<64x8x64xf32, #tpu.memory_space<hbm>>
      tpu.wait_dma2 semaphore(%run_scoped3A : memref<!tpu.dma_semaphore, #tpu.memory_space<semaphore_mem>>) src(%arg6 : memref<64x8x64xf32, #tpu.memory_space<vmem>>) dst(%dma_wait3A_115 : memref<64x8x64xf32, #tpu.memory_space<hbm>>)
      tpu.yield
    }) : () -> ()
    return
  }
}

</mosaic_0001>

<sc_bundles>
// kernel: kernel.3.cloned.1.call-start
scs
__scs_entry_jumppad:
0x0: {  	(pc) =	sbr.rel $0x88, $3  }
0x1: {  	(tag) =	ssettag $0x0;
	lr =	simm.s32 $0x1  }
0x2: {  	[smem:$0x3F9F] =	sst lr;
	_ =	strace $0xD0000000  }
0x3: {  	_ = 	snop  }
0x4: {  	_ = 	snop  }
0x5: {  	_ = 	snop  }
0x6: {  	_ = 	snop  }
0x7: {  	_ = 	snop  }
__scs_overlays_trampoline_lowered:
0x8: {  	[smem:$0x3FAE] =	sst s0  }
0x9: {  	[smem:$0x3FAF] =	sst s1  }
0xa: {  	[smem:$0x3FB0] =	sst s2  }
0xb: {  	[smem:$0x3FB1] =	sst s3  }
0xc: {  	[smem:$0x3FB2] =	sst s4  }
0xd: {  	[smem:$0x3FB3] =	sst s5  }
0xe: {  	[smem:$0x3FB4] =	sst s6  }
0xf: {  	[smem:$0x3FB5] =	sst s7  }
0x10: {  	[smem:$0x3FB6] =	sst s8  }
0x11: {  	[smem:$0x3FB7] =	sst s9;
	s0 =	simm.s32 @!p0 $0x0  }
0x12: {  	s1 =	sld [smem:$0x3F9D];
	s0 =	simm.s32 @p0 $0x1  }
0x13: {  	[smem:$0x3FB8] =	sst s0;
	s0 =	simm.s32 @!p1 $0x0  }
0x14: {  	s2 =	sld [smem:$0x3F9C];
	s0 =	simm.s32 @p1 $0x1  }
0x15: {  	[smem:$0x3FB9] =	sst s0;
	s0 =	simm.s32 @!p2 $0x0  }
0x16: {  	s3 =	sld [smem:$0x3FDB];
	s0 =	simm.s32 @p2 $0x1  }
0x17: {  	s4 =	simm.s32 $0x1BF5;
	[smem:$0x3FBB] =	sst s0  }
0x18: {  	s0 =	sld [smem:$0x3F9E];
	_ =	swait.ge [sflag:s4], $0x0  }
0x19: {  	s7 =	sld [smem:$0x3F9F]  }
0x1a: {  	s8 =	sadd.s32 $0xFFFFE003, lr  }
0x1b: {  	s9 =	sadd.s32 $0xFFFFFEF7, lr;
	s5 =	simm.s32 $0xFFFFFFFF;
	p2 =	slt.u32 s8, $0xFFFFF086  }
0x1c: {  	p1 =	slt.u32 s9, $0xF7A;
	s5 =	simm.s32 @!p2 $0x0  }
0x1d: {  	s5 =	simm.s32 @p1 $0x1;
	p0 =	seq.s32 s7, s2  }
0x1e: {  	s7 =	smul.u32 @!p0 $0xF7A, s2;
	p2 =	seq.s32 @!p0 s5, $0x0  }
0x1f: {  	s9 =	smul.u32 $0xF7A, s1;
	s8 =	simm.s32 @!p0 $0x1BF5;
	p2 =	por !p2, p0  }
0x20: {  	[sflag:s8] =	ssyncset.s32 @!p0 $0xFFFFF086;
	s6 =	sadd.s32 @!p0 s3, s7;
	s7 =	simm.s32 @!p0 $0x108  }
0x21: {  	s3 =	sadd.s32 s3, s9;
	s6 =	sadd.s32 @!p0 $0x88, s6;
	s7 =	simm.s32 @p2 $0x1082  }
0x22: {  	[simem:s7], [sflag:s8] =	dma.local @!p0 [hbm:s6], $0xF7A  }
0x23: {  	s9 =	sor.u32 $0xD0000000, s2;
	s6 =	simm.s32 $0x108;
	_ =	swait.ge @!p0 [sflag:s8], $0x0  }
0x24: {  	s3 =	sadd.s32 $0x88, s3;
	s6 =	simm.s32 @!p1 $0x1082;
	[sflag:s4] =	ssyncset.s32 $0xFFFFF086  }
0x25: {  	[simem:s6], [sflag:s4] =	dma.local [hbm:s3], $0xF7A  }
0x26: {  	[smem:$0x3F9F] =	sst s1;
	(tag) =	ssettag s2;
	_ =	strace s9  }
0x27: {  	s1 =	sld [smem:$0x3FAF]  }
0x28: {  	s2 =	sld [smem:$0x3FB0]  }
0x29: {  	s4 =	sld [smem:$0x3FB2]  }
0x2a: {  	p0 =	seq.s32 s5, $0x0;
	s5 =	sld [smem:$0x3FB3]  }
0x2b: {  	s6 =	sld [smem:$0x3FB4]  }
0x2c: {  	s7 =	sld [smem:$0x3FB5]  }
0x2d: {  	s3 =	simm.s32 $0x108;
	s8 =	sld [smem:$0x3FB6]  }
0x2e: {  	s3 =	simm.s32 @!p0 $0x1082;
	s9 =	sld [smem:$0x3FB7]  }
0x2f: {  	lr =	sadd.s32 s0, s3;
	s0 =	sld [smem:$0x3FAE]  }
0x30: {  	s3 =	sld [smem:$0x3FB1]  }
0x31: {  	[smem:$0x3FBA] =	sst s10  }
0x32: {  	s10 =	sld [smem:$0x3FB8];
	_ =	sdelay $0x3  }
0x33: {  	p0 =	seq.s32 s10, $0x1;
	s10 =	sld [smem:$0x3FBA];
	_ =	sdelay $0x3  }
0x34: {  	[smem:$0x3FBA] =	sst s10  }
0x35: {  	s10 =	sld [smem:$0x3FB9];
	_ =	sdelay $0x3  }
0x36: {  	p1 =	seq.s32 s10, $0x1;
	s10 =	sld [smem:$0x3FBA];
	_ =	sdelay $0x3  }
0x37: {  	[smem:$0x3FBA] =	sst s10  }
0x38: {  	s10 =	sld [smem:$0x3FBB]  }
0x39: {  	_ = 	snop;
	(pc) =	sbr.ind lr, $3  }
0x3a: {  	_ = 	snop  }
0x3b: {  	_ = 	snop  }
0x3c: {  	p2 =	seq.s32 s10, $0x1;
	s10 =	sld [smem:$0x3FBA]  }
0x3d: {  	_ =	shalt  }
0x3e: {  	_ =	shalt  }
0x3f: {  	_ =	shalt  }
0x40: {  	_ =	shalt  }
0x41: {  	_ =	shalt  }
0x42: {  	_ =	shalt  }
0x43: {  	_ =	shalt  }
0x44: {  	_ =	shalt  }
0x45: {  	_ =	shalt  }
0x46: {  	_ =	shalt  }
0x47: {  	_ =	shalt  }
0x48: {  	_ =	shalt  }
0x49: {  	_ =	shalt  }
0x4a: {  	_ =	shalt  }
0x4b: {  	_ =	shalt  }
0x4c: {  	_ =	shalt  }
0x4d: {  	_ =	shalt  }
0x4e: {  	_ =	shalt  }
0x4f: {  	_ =	shalt  }
0x50: {  	_ =	shalt  }
0x51: {  	_ =	shalt  }
0x52: {  	_ =	shalt  }
0x53: {  	_ =	shalt  }
0x54: {  	_ =	shalt  }
0x55: {  	_ =	shalt  }
0x56: {  	_ =	shalt  }
0x57: {  	_ =	shalt  }
0x58: {  	_ =	shalt  }
0x59: {  	_ =	shalt  }
0x5a: {  	_ =	shalt  }
0x5b: {  	_ =	shalt  }
0x5c: {  	_ =	shalt  }
0x5d: {  	_ =	shalt  }
0x5e: {  	_ =	shalt  }
0x5f: {  	_ =	shalt  }
0x60: {  	_ =	shalt  }
0x61: {  	_ =	shalt  }
0x62: {  	_ =	shalt  }
0x63: {  	_ =	shalt  }
0x64: {  	_ =	shalt  }
0x65: {  	_ =	shalt  }
0x66: {  	_ =	shalt  }
0x67: {  	_ =	shalt  }
0x68: {  	_ =	shalt  }
0x69: {  	_ =	shalt  }
0x6a: {  	_ =	shalt  }
0x6b: {  	_ =	shalt  }
0x6c: {  	_ =	shalt  }
0x6d: {  	_ =	shalt  }
0x6e: {  	_ =	shalt  }
0x6f: {  	_ =	shalt  }
0x70: {  	_ =	shalt  }
0x71: {  	_ =	shalt  }
0x72: {  	_ =	shalt  }
0x73: {  	_ =	shalt  }
0x74: {  	_ =	shalt  }
0x75: {  	_ =	shalt  }
0x76: {  	_ =	shalt  }
0x77: {  	_ =	shalt  }
0x78: {  	_ =	shalt  }
0x79: {  	_ =	shalt  }
0x7a: {  	_ =	shalt  }
0x7b: {  	_ =	shalt  }
0x7c: {  	_ =	shalt  }
0x7d: {  	_ =	shalt  }
0x7e: {  	_ =	shalt  }
0x7f: {  	_ =	shalt  }
0x80: {  	_ =	shalt  }
0x81: {  	_ =	shalt  }
0x82: {  	_ =	shalt  }
0x83: {  	_ =	shalt  }
0x84: {  	_ =	shalt  }
0x85: {  	_ =	shalt  }
0x86: {  	_ =	shalt  }
0x87: {  	_ =	shalt  }
.Lfunc_end0:
.L_simem_size_0:
called_computation_lowered:
.L_overlay_start_0:
0x88: {  	s2 =	sld [smem:$0x3FD9]  }
0x89: {  	s3 =	sld [smem:$0x3FFE];
	_ =	sdelay $0x1  }
0x8a: {  	s1 =	srdreg.scid  }
0x8b: {  	s0 =	sand.u32 $0x1, s1  }
0x8c: {  	s17 =	sshll.u32 s0, $0xA;
	s2 =	sadd.s32 s3, s2  }
0x8d: {  	s2 =	sadd.s32 s2, s17  }
0x8e: {  	[smem:$0x3FC6] =	sst s2  }
0x8f: {  	_ = 	snop  }
0x90: {  	s2 =	sld [smem:$0x3FC9];
	(tm) =	ssettm $0x1  }
0x91: {  	s18 =	sld [smem:$0x3FFB];
	_ =	sdelay $0x3  }
0x92: {  	_ =	strace s18  }
0x93: {  	s3 =	sld [smem:$0x3FFC];
	_ =	sdelay $0x3  }
0x94: {  	_ =	strace s3  }
0x95: {  	s3 =	sld [smem:$0x3FFD];
	_ =	sdelay $0x3  }
0x96: {  	_ =	strace s3  }
0x97: {  	_ =	strace $0x8FFFFFFF  }
0x98: {  	s19 =	sld [smem:$0x3FDB];
	_ =	sdelay $0x1  }
0x99: {  	s4 =	simm.s32 $_scs_section_size  }
0x9a: {  	s5 =	simm.s32 $_size__tile_overlayer_lowered;
	s6 =	simm.s32 $_tile_overlayer_lowered  }
0x9b: {  	s22 =	simm.s32 $0x1BFF;
	s21 =	sshll.u32 s6, $0x1;
	s3 =	sadd.s32 s4, s19  }
0x9c: {  	s7 =	simm.s32 $0x0;
	s20 =	sshll.u32 s5, $0x1;
	s5 =	sadd.s32 s21, s3  }
0x9d: {  	[timem:s7], [sflag:s22] =	dma.local [hbm:s5], s20  }
0x9e: {  	_ =	swait.ge [sflag:s22], s20  }
0x9f: {  	s4 =	ssub.s32 $0x0, s20;
	[sflag:s22] =	ssyncset.done $0x0  }
0xa0: {  	[sflag:s22] =	ssyncadd.s32 s4;
	_ =	sdelay $0x1  }
0xa1: {  	s23 =	simm.s32 $0x1B8B  }
0xa2: {  	_ =	swait.ge [sflag:s23], $0x1  }
0xa3: {  	[sflag:s23] =	ssyncset.done $0x0  }
0xa4: {  	s25 =	simm.s32 $0x1B8E;
	s24 =	sld [smem:$0x3FFE];
	[sflag:s23] =	ssyncadd.s32 $0xFFFFFFFF  }
0xa5: {  	s26 =	simm.s32 $execute0_lowered;
	[smem:$0x3FD2] =	sst s25  }
0xa6: {  	s5 =	sshll.u32 s26, $0x1;
	_ =	strace $0x80000046;
	[dreg:$0x1] =	wrdreg $0xFFFFFFFF  }
0xa7: {  	s28 =	simm.s32 $_size_execute0_lowered;
	s3 =	sadd.s32 s3, s5;
	[dreg:$0x0] =	wrdreg $0x0  }
0xa8: {  	s5 =	sshll.u32 s28, $0x1;
	[dreg:$0x2] =	wrdreg s3  }
0xa9: {  	[dreg:$0x3] =	wrdreg s5  }
0xaa: {  	[dreg:$0x4] =	wrdreg $0xC0  }
0xab: {  	_ =	task [dreg:s7], $0x5FFFF  }
0xac: {  	[dreg:$0x1] =	wrdreg $0xFFFFFFFF  }
0xad: {  	[dreg:$0x0] =	wrdreg $0x60  }
0xae: {  	[dreg:$0x2] =	wrdreg s2  }
0xaf: {  	[dreg:$0x3] =	wrdreg s24  }
0xb0: {  	[dreg:$0x4] =	wrdreg $0x9  }
0xb1: {  	_ =	task.clear_ibuf [dreg:s7], $0x5FFFF;
	_ =	strace $0x90000046  }
0xb2: {  	s29 =	simm.s32 $0x9;
	_ =	strace $0x80000048  }
0xb3: {  	_ =	swait.ge [sflag:s29], $0x1  }
0xb4: {  	[sflag:s29] =	ssyncadd.s32 $0xFFFFFFFF  }
0xb5: {  	_ =	strace $0x90000048  }
0xb6: {  	_ =	sfence  }
0xb7: {  	s30 =	sld [smem:$0x0];
	_ =	sdelay $0x2  }
0xb8: {  	s31 =	sshll.u32 s1, $0xD;
	s1 =	sshrl.u32 s1, $0x2  }
0xb9: {  	s3 =	sand.u32 $0x4000, s31;
	s1 =	sadd.s32 s1, s30  }
0xba: {  	s0 =	sor.u32 s3, s0;
	s1 =	sshll.u32 s1, $0x11  }
0xbb: {  	s0 =	sor.u32 s1, s0  }
0xbc: {  	s0 =	sadd.s32 $0x8F2B, s0  }
0xbd: {  	[sflag:s0] =	ssyncadd.remote.s32 $0x1  }
0xbe: {  	_ =	sfence.sel $0xFFFF  }
0xbf: {  	[dreg:$0x0] =	wrdreg $0xFFFFFFFF;
	(pc) =	sbr.abs _section_cstart, $3  }
0xc0: {  	[dreg:$0x1] =	wrdreg $0xFFFFFFFF  }
0xc1: {  	_ =	task.clear_ibuf [dreg:s7], $0x2FFFF;
	_ =	strace $0x9FFFFFFF  }
0xc2: {  	(tm) =	ssettm $0x7FFFFFFF  }
0xc3: {  	_ =	shalt  }
tec
execute0_lowered:
.L_overlay_start_1:
0x0: {  	(tag) =	ssettag $0x1  }
0x1: {  	s4 =	rddreg [dreg:$0x0]  }
0x2: {  	s5 =	rddreg [dreg:$0x1]  }
0x3: {  	s0 =	rddreg [dreg:$0x2];
	s2 =	simm.s32 $0x0;
	s3 =	srdreg.scid  }
0x4: {  	s1 =	stileid.u32;
	s10 =	simm.s32 $0x0;
	s6 =	sand.u32 $0x1, s3  }
0x5: {  	[smem:$0x7FF] =	sst s2;
	s7 =	sshll.u32 s1, $0xA;
	s8 =	sshll.u32 s6, $0x9  }
0x6: {  	s3 =	sadd.s32 $0x400, s5;
	s6 =	ssub.s32 $0x2, s6;
	s7 =	sor.u32 s8, s7  }
0x7: {  	_ =	strace $0x80000047;
	s9 =	sshrl.u32 s6, $0x1;
	s8 =	sshll.u32 s7, $0x4  }
0x8: {  	s7 =	sshrl.u32 s7, $0x3;
	s6 =	ssub.s32 s6, s9;
	s9 =	simm.s32 $0x200  }
0x9: {  	s5 =	sadd.s32 s8, s5;
	s4 =	sadd.s32 s4, s7;
	s6 =	smax.u32 s6, $0x1  }
0xa: {  	s7 =	simm.s32 $0x2;
	s8 =	simm.s32 $0x1;
	s5 =	sadd.s32 $0x186E00, s5  }
.LBB2_1:
0xb: {  	[tilespmem:s2], [sflag:$0x2] =	stream.linear.gather [hbm4b:s4+s2], $0x200, $0x38;
	[tilespmem:$0x10200] =	vst v63  }
0xc: {  	_ =	swait.ge [sflag:s7], $0x200  }
0xd: {  	[sflag:s7] =	ssyncset.done $0x0  }
0xe: {  	s12 =	simm.s32 $0x0;
	s13 =	simm.s32 $0x0;
	[sflag:s7] =	ssyncadd.s32 $0xFFFFFE00  }
.LBB2_2:
0xf: {  	v0 =	vld [tilespmem:s12+$0x0];
	_ =	sdelay $0x4  }
0x10: {  	v1 =	vshrl.u32 v0, $0x3  }
0x11: {  	v0 =	vand.u32 $0x7, v0;
	v1 =	vshll.u32 v1, $0xA  }
0x12: {  	v0 =	vshll.u32 v0, $0x7;
	(v2sf) =	vpush v1, $0x0  }
0x13: {  	(v2sf) =	vpush v0, $0x0;
	_ =	sdelay $0x4  }
0x14: {  	(v2sf) =	vpush v1, $0x1  }
0x15: {  	(v2sf) =	vpush v0, $0x1;
	_ =	sdelay $0x1  }
0x16: {  	(v2sf) =	vpush v1, $0x2  }
0x17: {  	(v2sf) =	vpush v0, $0x2;
	_ =	sdelay $0x4  }
0x18: {  	s11 =	spop (v2sf)  }
0x19: {  	(v2sf) =	vpush v1, $0x3;
	s14 =	spop (v2sf)  }
0x1a: {  	(v2sf) =	vpush v0, $0x3;
	s11 =	sor.u32 s14, s11  }
0x1b: {  	s14 =	sshra.s32 s13, $0x2;
	s11 =	sshrl.u32 s11, $0x3  }
0x1c: {  	s15 =	sadd.s32 $0x200, s14;
	s16 =	sadd.s32 s3, s11;
	s11 =	simm.s32 $0x0  }
0x1d: {  	[tilespmem:s15], [sflag:$0x1] =	stream.linear.gather [hbm4b:s16+s11], $0x80, $0x38;
	[tilespmem:$0x10200] =	vst v63  }
0x1e: {  	s16 =	spop (v2sf)  }
0x1f: {  	(v2sf) =	vpush v1, $0x4;
	s17 =	spop (v2sf)  }
0x20: {  	(v2sf) =	vpush v0, $0x4;
	s15 =	sor.u32 s17, s16  }
0x21: {  	s19 =	spop (v2sf);
	s15 =	sshrl.u32 s15, $0x3  }
0x22: {  	s18 =	sadd.s32 $0x280, s14;
	(v2sf) =	vpush v1, $0x5;
	s20 =	spop (v2sf);
	s15 =	sadd.s32 s3, s15  }
0x23: {  	(v2sf) =	vpush v0, $0x5;
	[tilespmem:s18], [sflag:$0x1] =	stream.linear.gather [hbm4b:s15+s11], $0x80, $0x38;
	[tilespmem:$0x10200] =	vst v63  }
0x24: {  	s15 =	sor.u32 s20, s19  }
0x25: {  	s15 =	sshrl.u32 s15, $0x3  }
0x26: {  	s21 =	sadd.s32 $0x300, s14;
	s15 =	sadd.s32 s3, s15  }
0x27: {  	[tilespmem:s21], [sflag:$0x1] =	stream.linear.gather [hbm4b:s15+s11], $0x80, $0x38;
	[tilespmem:$0x10200] =	vst v63  }
0x28: {  	s22 =	spop (v2sf)  }
0x29: {  	(v2sf) =	vpush v1, $0x6;
	s23 =	spop (v2sf)  }
0x2a: {  	(v2sf) =	vpush v0, $0x6;
	s15 =	sor.u32 s23, s22  }
0x2b: {  	s15 =	sshrl.u32 s15, $0x3  }
0x2c: {  	s24 =	sadd.s32 $0x380, s14;
	s15 =	sadd.s32 s3, s15  }
0x2d: {  	[tilespmem:s24], [sflag:$0x1] =	stream.linear.gather [hbm4b:s15+s11], $0x80, $0x38;
	[tilespmem:$0x10200] =	vst v63  }
0x2e: {  	s25 =	spop (v2sf)  }
0x2f: {  	(v2sf) =	vpush v1, $0x7;
	s26 =	spop (v2sf)  }
0x30: {  	(v2sf) =	vpush v0, $0x7;
	s15 =	sor.u32 s26, s25  }
0x31: {  	s29 =	spop (v2sf);
	s15 =	sshrl.u32 s15, $0x3  }
0x32: {  	s28 =	sadd.s32 $0x400, s14;
	(v2sf) =	vpush v1, $0x8;
	s30 =	spop (v2sf);
	s15 =	sadd.s32 s3, s15  }
0x33: {  	(v2sf) =	vpush v0, $0x8;
	[tilespmem:s28], [sflag:$0x1] =	stream.linear.gather [hbm4b:s15+s11], $0x80, $0x38;
	[tilespmem:$0x10200] =	vst v63  }
0x34: {  	s15 =	sor.u32 s30, s29  }
0x35: {  	s15 =	sshrl.u32 s15, $0x3  }
0x36: {  	s31 =	sadd.s32 $0x480, s14;
	s15 =	sadd.s32 s3, s15  }
0x37: {  	[tilespmem:s31], [sflag:$0x1] =	stream.linear.gather [hbm4b:s15+s11], $0x80, $0x38;
	[tilespmem:$0x10200] =	vst v63  }
0x38: {  	s16 =	spop (v2sf)  }
0x39: {  	(v2sf) =	vpush v1, $0x9;
	s17 =	spop (v2sf)  }
0x3a: {  	(v2sf) =	vpush v0, $0x9;
	s15 =	sor.u32 s17, s16  }
0x3b: {  	s15 =	sshrl.u32 s15, $0x3  }
0x3c: {  	s18 =	sadd.s32 $0x500, s14;
	s15 =	sadd.s32 s3, s15  }
0x3d: {  	[tilespmem:s18], [sflag:$0x1] =	stream.linear.gather [hbm4b:s15+s11], $0x80, $0x38;
	[tilespmem:$0x10200] =	vst v63  }
0x3e: {  	s19 =	spop (v2sf)  }
0x3f: {  	(v2sf) =	vpush v1, $0xA;
	s20 =	spop (v2sf)  }
0x40: {  	(v2sf) =	vpush v0, $0xA;
	s15 =	sor.u32 s20, s19  }
0x41: {  	s22 =	spop (v2sf);
	s15 =	sshrl.u32 s15, $0x3  }
0x42: {  	s21 =	sadd.s32 $0x580, s14;
	(v2sf) =	vpush v1, $0xB;
	s23 =	spop (v2sf);
	s15 =	sadd.s32 s3, s15  }
0x43: {  	(v2sf) =	vpush v0, $0xB;
	[tilespmem:s21], [sflag:$0x1] =	stream.linear.gather [hbm4b:s15+s11], $0x80, $0x38;
	[tilespmem:$0x10200] =	vst v63  }
0x44: {  	s15 =	sor.u32 s23, s22  }
0x45: {  	s15 =	sshrl.u32 s15, $0x3  }
0x46: {  	s24 =	sadd.s32 $0x600, s14;
	s15 =	sadd.s32 s3, s15  }
0x47: {  	[tilespmem:s24], [sflag:$0x1] =	stream.linear.gather [hbm4b:s15+s11], $0x80, $0x38;
	[tilespmem:$0x10200] =	vst v63  }
0x48: {  	s25 =	spop (v2sf)  }
0x49: {  	(v2sf) =	vpush v1, $0xC;
	s26 =	spop (v2sf)  }
0x4a: {  	(v2sf) =	vpush v0, $0xC;
	s15 =	sor.u32 s26, s25  }
0x4b: {  	s15 =	sshrl.u32 s15, $0x3  }
0x4c: {  	s28 =	sadd.s32 $0x680, s14;
	s15 =	sadd.s32 s3, s15  }
0x4d: {  	[tilespmem:s28], [sflag:$0x1] =	stream.linear.gather [hbm4b:s15+s11], $0x80, $0x38;
	[tilespmem:$0x10200] =	vst v63  }
0x4e: {  	s29 =	spop (v2sf)  }
0x4f: {  	(v2sf) =	vpush v1, $0xD;
	s30 =	spop (v2sf)  }
0x50: {  	(v2sf) =	vpush v0, $0xD;
	s15 =	sor.u32 s30, s29  }
0x51: {  	s17 =	spop (v2sf);
	s15 =	sshrl.u32 s15, $0x3  }
0x52: {  	s31 =	sadd.s32 $0x700, s14;
	(v2sf) =	vpush v1, $0xE;
	s18 =	spop (v2sf);
	s15 =	sadd.s32 s3, s15  }
0x53: {  	(v2sf) =	vpush v0, $0xE;
	[tilespmem:s31], [sflag:$0x1] =	stream.linear.gather [hbm4b:s15+s11], $0x80, $0x38;
	[tilespmem:$0x10200] =	vst v63  }
0x54: {  	s15 =	sor.u32 s18, s17  }
0x55: {  	s15 =	sshrl.u32 s15, $0x3  }
0x56: {  	s19 =	sadd.s32 $0x780, s14;
	s15 =	sadd.s32 s3, s15  }
0x57: {  	[tilespmem:s19], [sflag:$0x1] =	stream.linear.gather [hbm4b:s15+s11], $0x80, $0x38;
	[tilespmem:$0x10200] =	vst v63  }
0x58: {  	s20 =	spop (v2sf)  }
0x59: {  	(v2sf) =	vpush v1, $0xF;
	s21 =	spop (v2sf)  }
0x5a: {  	(v2sf) =	vpush v0, $0xF;
	s15 =	sor.u32 s21, s20  }
0x5b: {  	s15 =	sshrl.u32 s15, $0x3  }
0x5c: {  	s22 =	sadd.s32 $0x800, s14;
	s15 =	sadd.s32 s3, s15  }
0x5d: {  	[tilespmem:s22], [sflag:$0x1] =	stream.linear.gather [hbm4b:s15+s11], $0x80, $0x38;
	[tilespmem:$0x10200] =	vst v63  }
0x5e: {  	s23 =	spop (v2sf)  }
0x5f: {  	s24 =	spop (v2sf)  }
0x60: {  	s15 =	sor.u32 s24, s23  }
0x61: {  	s26 =	spop (v2sf);
	s15 =	sshrl.u32 s15, $0x3  }
0x62: {  	s25 =	sadd.s32 $0x880, s14;
	s28 =	spop (v2sf);
	s15 =	sadd.s32 s3, s15  }
0x63: {  	[tilespmem:s25], [sflag:$0x1] =	stream.linear.gather [hbm4b:s15+s11], $0x80, $0x38;
	[tilespmem:$0x10200] =	vst v63  }
0x64: {  	s15 =	sor.u32 s28, s26  }
0x65: {  	s15 =	sshrl.u32 s15, $0x3  }
0x66: {  	s29 =	sadd.s32 $0x900, s14;
	s15 =	sadd.s32 s3, s15  }
0x67: {  	[tilespmem:s29], [sflag:$0x1] =	stream.linear.gather [hbm4b:s15+s11], $0x80, $0x38;
	[tilespmem:$0x10200] =	vst v63  }
0x68: {  	p0 =	sne.s32 s13, $0xE000;
	s30 =	spop (v2sf)  }
.Ltmp0:
0x69: {  	s31 =	spop (v2sf);
	(pc) =	sbr.rel @p0 .LBB2_2-.Ltmp0, $4  }
0x6a: {  	s15 =	sor.u32 s31, s30  }
0x6b: {  	s12 =	sadd.s32 $0x10, s12;
	s15 =	sshrl.u32 s15, $0x3  }
0x6c: {  	s13 =	sadd.s32 $0x2000, s13;
	s14 =	sadd.s32 $0x980, s14;
	s15 =	sadd.s32 s3, s15  }
0x6d: {  	[tilespmem:s14], [sflag:$0x1] =	stream.linear.gather [hbm4b:s15+s11], $0x80, $0x38;
	[tilespmem:$0x10200] =	vst v63  }
0x6e: {  	s12 =	simm.s32 $0x80  }
.LBB2_4:
0x6f: {  	v0 =	vld [tilespmem:s12+$0x0];
	_ =	sdelay $0x4  }
0x70: {  	v1 =	vshrl.u32 v0, $0x3  }
0x71: {  	v0 =	vand.u32 $0x7, v0;
	v1 =	vshll.u32 v1, $0xA  }
0x72: {  	v0 =	vshll.u32 v0, $0x7;
	(v2sf) =	vpush v1, $0x0  }
0x73: {  	(v2sf) =	vpush v0, $0x0;
	_ =	sdelay $0x2  }
0x74: {  	(v2sf) =	vpush v1, $0x1  }
0x75: {  	(v2sf) =	vpush v0, $0x1;
	_ =	sdelay $0x1  }
0x76: {  	(v2sf) =	vpush v1, $0x2;
	_ =	sdelay $0x1  }
0x77: {  	(v2sf) =	vpush v0, $0x2;
	_ =	sdelay $0x5  }
0x78: {  	s13 =	spop (v2sf);
	(v2sf) =	vpush v1, $0x3  }
0x79: {  	s14 =	spop (v2sf);
	(v2sf) =	vpush v0, $0x3;
	_ =	sdelay $0x2  }
0x7a: {  	s17 =	spop (v2sf);
	(v2sf) =	vpush v1, $0x4  }
0x7b: {  	s18 =	spop (v2sf);
	(v2sf) =	vpush v0, $0x4;
	_ =	sdelay $0x1  }
0x7c: {  	s20 =	spop (v2sf);
	(v2sf) =	vpush v1, $0x5;
	_ =	sdelay $0x1  }
0x7d: {  	s21 =	spop (v2sf);
	(v2sf) =	vpush v0, $0x5;
	_ =	sdelay $0x1  }
0x7e: {  	s14 =	sor.u32 s14, s13  }
0x7f: {  	s13 =	sshra.s32 s11, $0x2;
	s14 =	sshrl.u32 s14, $0x3  }
0x80: {  	s15 =	sadd.s32 $0x4200, s13;
	s14 =	sadd.s32 s3, s14  }
0x81: {  	[tilespmem:s15], [sflag:$0x1] =	stream.linear.gather [hbm4b:s14+s2], $0x80, $0x38;
	[tilespmem:$0x10200] =	vst v63  }
0x82: {  	s14 =	sor.u32 s18, s17;
	s23 =	spop (v2sf);
	(v2sf) =	vpush v1, $0x6  }
0x83: {  	s14 =	sshrl.u32 s14, $0x3;
	s24 =	spop (v2sf);
	(v2sf) =	vpush v0, $0x6  }
0x84: {  	s19 =	sadd.s32 $0x4280, s13;
	s14 =	sadd.s32 s3, s14  }
0x85: {  	[tilespmem:s19], [sflag:$0x1] =	stream.linear.gather [hbm4b:s14+s2], $0x80, $0x38;
	[tilespmem:$0x10200] =	vst v63  }
0x86: {  	s26 =	spop (v2sf);
	(v2sf) =	vpush v1, $0x7  }
0x87: {  	s14 =	sor.u32 s21, s20;
	s28 =	spop (v2sf);
	(v2sf) =	vpush v0, $0x7  }
0x88: {  	s14 =	sshrl.u32 s14, $0x3  }
0x89: {  	s22 =	sadd.s32 $0x4300, s13;
	s14 =	sadd.s32 s3, s14;
	s30 =	spop (v2sf);
	(v2sf) =	vpush v1, $0x8  }
0x8a: {  	[tilespmem:s22], [sflag:$0x1] =	stream.linear.gather [hbm4b:s14+s2], $0x80, $0x38;
	[tilespmem:$0x10200] =	vst v63  }
0x8b: {  	s31 =	spop (v2sf);
	(v2sf) =	vpush v0, $0x8  }
0x8c: {  	s14 =	sor.u32 s24, s23  }
0x8d: {  	s14 =	sshrl.u32 s14, $0x3  }
0x8e: {  	s25 =	sadd.s32 $0x4380, s13;
	s14 =	sadd.s32 s3, s14  }
0x8f: {  	[tilespmem:s25], [sflag:$0x1] =	stream.linear.gather [hbm4b:s14+s2], $0x80, $0x38;
	[tilespmem:$0x10200] =	vst v63  }
0x90: {  	s14 =	sor.u32 s28, s26  }
0x91: {  	s14 =	sshrl.u32 s14, $0x3;
	s17 =	spop (v2sf);
	(v2sf) =	vpush v1, $0x9  }
0x92: {  	s29 =	sadd.s32 $0x4400, s13;
	s14 =	sadd.s32 s3, s14;
	s18 =	spop (v2sf);
	(v2sf) =	vpush v0, $0x9  }
0x93: {  	[tilespmem:s29], [sflag:$0x1] =	stream.linear.gather [hbm4b:s14+s2], $0x80, $0x38;
	[tilespmem:$0x10200] =	vst v63  }
0x94: {  	s14 =	sor.u32 s31, s30  }
0x95: {  	s14 =	sshrl.u32 s14, $0x3;
	s20 =	spop (v2sf);
	(v2sf) =	vpush v1, $0xA  }
0x96: {  	s16 =	sadd.s32 $0x4480, s13;
	s14 =	sadd.s32 s3, s14;
	s21 =	spop (v2sf);
	(v2sf) =	vpush v0, $0xA  }
0x97: {  	[tilespmem:s16], [sflag:$0x1] =	stream.linear.gather [hbm4b:s14+s2], $0x80, $0x38;
	[tilespmem:$0x10200] =	vst v63  }
0x98: {  	s14 =	sor.u32 s18, s17;
	s23 =	spop (v2sf);
	(v2sf) =	vpush v1, $0xB  }
0x99: {  	s14 =	sshrl.u32 s14, $0x3  }
0x9a: {  	s19 =	sadd.s32 $0x4500, s13;
	s14 =	sadd.s32 s3, s14;
	s24 =	spop (v2sf);
	(v2sf) =	vpush v0, $0xB  }
0x9b: {  	[tilespmem:s19], [sflag:$0x1] =	stream.linear.gather [hbm4b:s14+s2], $0x80, $0x38;
	[tilespmem:$0x10200] =	vst v63  }
0x9c: {  	s14 =	sor.u32 s21, s20  }
0x9d: {  	s14 =	sshrl.u32 s14, $0x3  }
0x9e: {  	s22 =	sadd.s32 $0x4580, s13;
	s14 =	sadd.s32 s3, s14  }
0x9f: {  	[tilespmem:s22], [sflag:$0x1] =	stream.linear.gather [hbm4b:s14+s2], $0x80, $0x38;
	[tilespmem:$0x10200] =	vst v63  }
0xa0: {  	s14 =	sor.u32 s24, s23;
	s26 =	spop (v2sf);
	(v2sf) =	vpush v1, $0xC  }
0xa1: {  	s14 =	sshrl.u32 s14, $0x3;
	s28 =	spop (v2sf);
	(v2sf) =	vpush v0, $0xC  }
0xa2: {  	s25 =	sadd.s32 $0x4600, s13;
	s14 =	sadd.s32 s3, s14  }
0xa3: {  	[tilespmem:s25], [sflag:$0x1] =	stream.linear.gather [hbm4b:s14+s2], $0x80, $0x38;
	[tilespmem:$0x10200] =	vst v63  }
0xa4: {  	s30 =	spop (v2sf);
	(v2sf) =	vpush v1, $0xD  }
0xa5: {  	s14 =	sor.u32 s28, s26;
	s31 =	spop (v2sf);
	(v2sf) =	vpush v0, $0xD  }
0xa6: {  	s14 =	sshrl.u32 s14, $0x3  }
0xa7: {  	s29 =	sadd.s32 $0x4680, s13;
	s14 =	sadd.s32 s3, s14;
	s17 =	spop (v2sf)  }
0xa8: {  	(v2sf) =	vpush v1, $0xE;
	[tilespmem:s29], [sflag:$0x1] =	stream.linear.gather [hbm4b:s14+s2], $0x80, $0x38;
	[tilespmem:$0x10200] =	vst v63  }
0xa9: {  	s18 =	spop (v2sf);
	(v2sf) =	vpush v0, $0xE  }
0xaa: {  	s14 =	sor.u32 s31, s30  }
0xab: {  	s14 =	sshrl.u32 s14, $0x3  }
0xac: {  	s16 =	sadd.s32 $0x4700, s13;
	s14 =	sadd.s32 s3, s14  }
0xad: {  	[tilespmem:s16], [sflag:$0x1] =	stream.linear.gather [hbm4b:s14+s2], $0x80, $0x38;
	[tilespmem:$0x10200] =	vst v63  }
0xae: {  	s14 =	sor.u32 s18, s17  }
0xaf: {  	s14 =	sshrl.u32 s14, $0x3;
	s20 =	spop (v2sf);
	(v2sf) =	vpush v1, $0xF  }
0xb0: {  	s19 =	sadd.s32 $0x4780, s13;
	s14 =	sadd.s32 s3, s14;
	s21 =	spop (v2sf);
	(v2sf) =	vpush v0, $0xF  }
0xb1: {  	[tilespmem:s19], [sflag:$0x1] =	stream.linear.gather [hbm4b:s14+s2], $0x80, $0x38;
	[tilespmem:$0x10200] =	vst v63  }
0xb2: {  	s14 =	sor.u32 s21, s20  }
0xb3: {  	s23 =	spop (v2sf);
	s14 =	sshrl.u32 s14, $0x3  }
0xb4: {  	s22 =	sadd.s32 $0x4800, s13;
	s24 =	spop (v2sf);
	s14 =	sadd.s32 s3, s14  }
0xb5: {  	[tilespmem:s22], [sflag:$0x1] =	stream.linear.gather [hbm4b:s14+s2], $0x80, $0x38;
	[tilespmem:$0x10200] =	vst v63  }
0xb6: {  	s14 =	sor.u32 s24, s23  }
0xb7: {  	s26 =	spop (v2sf);
	s14 =	sshrl.u32 s14, $0x3  }
0xb8: {  	s25 =	sadd.s32 $0x4880, s13;
	s28 =	spop (v2sf);
	s14 =	sadd.s32 s3, s14  }
0xb9: {  	[tilespmem:s25], [sflag:$0x1] =	stream.linear.gather [hbm4b:s14+s2], $0x80, $0x38;
	[tilespmem:$0x10200] =	vst v63  }
0xba: {  	s14 =	sor.u32 s28, s26  }
0xbb: {  	s14 =	sshrl.u32 s14, $0x3  }
0xbc: {  	s29 =	sadd.s32 $0x4900, s13;
	s14 =	sadd.s32 s3, s14  }
0xbd: {  	[tilespmem:s29], [sflag:$0x1] =	stream.linear.gather [hbm4b:s14+s2], $0x80, $0x38;
	[tilespmem:$0x10200] =	vst v63  }
0xbe: {  	p0 =	sne.s32 s11, $0xE000;
	s30 =	spop (v2sf)  }
.Ltmp1:
0xbf: {  	s31 =	spop (v2sf);
	(pc) =	sbr.rel @p0 .LBB2_4-.Ltmp1, $4  }
0xc0: {  	s14 =	sor.u32 s31, s30  }
0xc1: {  	s12 =	sadd.s32 $0x10, s12;
	s14 =	sshrl.u32 s14, $0x3  }
0xc2: {  	s11 =	sadd.s32 $0x2000, s11;
	s13 =	sadd.s32 $0x4980, s13;
	s14 =	sadd.s32 s3, s14  }
0xc3: {  	[tilespmem:s13], [sflag:$0x1] =	stream.linear.gather [hbm4b:s14+s2], $0x80, $0x38;
	[tilespmem:$0x10200] =	vst v63  }
0xc4: {  	_ =	swait.ge [sflag:s8], $0x4000  }
0xc5: {  	[sflag:s8] =	ssyncset.done $0x0  }
0xc6: {  	s11 =	simm.s32 $0x0;
	s12 =	simm.s32 $0x100;
	[sflag:s8] =	ssyncadd.s32 $0xFFFFC000  }
.LBB2_6:
0xc7: {  	v0 =	vld [tilespmem:s12+$0x0];
	_ =	sdelay $0x4  }
0xc8: {  	v1 =	vshrl.u32 v0, $0x3  }
0xc9: {  	v0 =	vand.u32 $0x7, v0;
	v1 =	vshll.u32 v1, $0xA  }
0xca: {  	v0 =	vshll.u32 v0, $0x7;
	(v2sf) =	vpush v1, $0x0  }
0xcb: {  	(v2sf) =	vpush v0, $0x0;
	_ =	sdelay $0x2  }
0xcc: {  	(v2sf) =	vpush v1, $0x1  }
0xcd: {  	(v2sf) =	vpush v0, $0x1;
	_ =	sdelay $0x1  }
0xce: {  	(v2sf) =	vpush v1, $0x2;
	_ =	sdelay $0x1  }
0xcf: {  	(v2sf) =	vpush v0, $0x2;
	_ =	sdelay $0x5  }
0xd0: {  	s13 =	spop (v2sf);
	(v2sf) =	vpush v1, $0x3  }
0xd1: {  	s14 =	spop (v2sf);
	(v2sf) =	vpush v0, $0x3;
	_ =	sdelay $0x2  }
0xd2: {  	s17 =	spop (v2sf);
	(v2sf) =	vpush v1, $0x4  }
0xd3: {  	s18 =	spop (v2sf);
	(v2sf) =	vpush v0, $0x4;
	_ =	sdelay $0x1  }
0xd4: {  	s20 =	spop (v2sf);
	(v2sf) =	vpush v1, $0x5;
	_ =	sdelay $0x1  }
0xd5: {  	s21 =	spop (v2sf);
	(v2sf) =	vpush v0, $0x5;
	_ =	sdelay $0x1  }
0xd6: {  	s14 =	sor.u32 s14, s13  }
0xd7: {  	s13 =	sshra.s32 s11, $0x2;
	s14 =	sshrl.u32 s14, $0x3  }
0xd8: {  	s15 =	sadd.s32 $0x8200, s13;
	s14 =	sadd.s32 s3, s14  }
0xd9: {  	[tilespmem:s15], [sflag:$0x1] =	stream.linear.gather [hbm4b:s14+s2], $0x80, $0x38;
	[tilespmem:$0x10200] =	vst v63  }
0xda: {  	s14 =	sor.u32 s18, s17;
	s23 =	spop (v2sf);
	(v2sf) =	vpush v1, $0x6  }
0xdb: {  	s14 =	sshrl.u32 s14, $0x3;
	s24 =	spop (v2sf);
	(v2sf) =	vpush v0, $0x6  }
0xdc: {  	s19 =	sadd.s32 $0x8280, s13;
	s14 =	sadd.s32 s3, s14  }
0xdd: {  	[tilespmem:s19], [sflag:$0x1] =	stream.linear.gather [hbm4b:s14+s2], $0x80, $0x38;
	[tilespmem:$0x10200] =	vst v63  }
0xde: {  	s26 =	spop (v2sf);
	(v2sf) =	vpush v1, $0x7  }
0xdf: {  	s14 =	sor.u32 s21, s20;
	s28 =	spop (v2sf);
	(v2sf) =	vpush v0, $0x7  }
0xe0: {  	s14 =	sshrl.u32 s14, $0x3  }
0xe1: {  	s22 =	sadd.s32 $0x8300, s13;
	s14 =	sadd.s32 s3, s14;
	s30 =	spop (v2sf);
	(v2sf) =	vpush v1, $0x8  }
0xe2: {  	[tilespmem:s22], [sflag:$0x1] =	stream.linear.gather [hbm4b:s14+s2], $0x80, $0x38;
	[tilespmem:$0x10200] =	vst v63  }
0xe3: {  	s31 =	spop (v2sf);
	(v2sf) =	vpush v0, $0x8  }
0xe4: {  	s14 =	sor.u32 s24, s23  }
0xe5: {  	s14 =	sshrl.u32 s14, $0x3  }
0xe6: {  	s25 =	sadd.s32 $0x8380, s13;
	s14 =	sadd.s32 s3, s14  }
0xe7: {  	[tilespmem:s25], [sflag:$0x1] =	stream.linear.gather [hbm4b:s14+s2], $0x80, $0x38;
	[tilespmem:$0x10200] =	vst v63  }
0xe8: {  	s14 =	sor.u32 s28, s26  }
0xe9: {  	s14 =	sshrl.u32 s14, $0x3;
	s17 =	spop (v2sf);
	(v2sf) =	vpush v1, $0x9  }
0xea: {  	s29 =	sadd.s32 $0x8400, s13;
	s14 =	sadd.s32 s3, s14;
	s18 =	spop (v2sf);
	(v2sf) =	vpush v0, $0x9  }
0xeb: {  	[tilespmem:s29], [sflag:$0x1] =	stream.linear.gather [hbm4b:s14+s2], $0x80, $0x38;
	[tilespmem:$0x10200] =	vst v63  }
0xec: {  	s14 =	sor.u32 s31, s30  }
0xed: {  	s14 =	sshrl.u32 s14, $0x3;
	s20 =	spop (v2sf);
	(v2sf) =	vpush v1, $0xA  }
0xee: {  	s16 =	sadd.s32 $0x8480, s13;
	s14 =	sadd.s32 s3, s14;
	s21 =	spop (v2sf);
	(v2sf) =	vpush v0, $0xA  }
0xef: {  	[tilespmem:s16], [sflag:$0x1] =	stream.linear.gather [hbm4b:s14+s2], $0x80, $0x38;
	[tilespmem:$0x10200] =	vst v63  }
0xf0: {  	s14 =	sor.u32 s18, s17;
	s23 =	spop (v2sf);
	(v2sf) =	vpush v1, $0xB  }
0xf1: {  	s14 =	sshrl.u32 s14, $0x3  }
0xf2: {  	s19 =	sadd.s32 $0x8500, s13;
	s14 =	sadd.s32 s3, s14;
	s24 =	spop (v2sf);
	(v2sf) =	vpush v0, $0xB  }
0xf3: {  	[tilespmem:s19], [sflag:$0x1] =	stream.linear.gather [hbm4b:s14+s2], $0x80, $0x38;
	[tilespmem:$0x10200] =	vst v63  }
0xf4: {  	s14 =	sor.u32 s21, s20  }
0xf5: {  	s14 =	sshrl.u32 s14, $0x3  }
0xf6: {  	s22 =	sadd.s32 $0x8580, s13;
	s14 =	sadd.s32 s3, s14  }
0xf7: {  	[tilespmem:s22], [sflag:$0x1] =	stream.linear.gather [hbm4b:s14+s2], $0x80, $0x38;
	[tilespmem:$0x10200] =	vst v63  }
0xf8: {  	s14 =	sor.u32 s24, s23;
	s26 =	spop (v2sf);
	(v2sf) =	vpush v1, $0xC  }
0xf9: {  	s14 =	sshrl.u32 s14, $0x3;
	s28 =	spop (v2sf);
	(v2sf) =	vpush v0, $0xC  }
0xfa: {  	s25 =	sadd.s32 $0x8600, s13;
	s14 =	sadd.s32 s3, s14  }
0xfb: {  	[tilespmem:s25], [sflag:$0x1] =	stream.linear.gather [hbm4b:s14+s2], $0x80, $0x38;
	[tilespmem:$0x10200] =	vst v63  }
0xfc: {  	s30 =	spop (v2sf);
	(v2sf) =	vpush v1, $0xD  }
0xfd: {  	s14 =	sor.u32 s28, s26;
	s31 =	spop (v2sf);
	(v2sf) =	vpush v0, $0xD  }
0xfe: {  	s14 =	sshrl.u32 s14, $0x3  }
0xff: {  	s29 =	sadd.s32 $0x8680, s13;
	s14 =	sadd.s32 s3, s14;
	s17 =	spop (v2sf)  }
0x100: {  	(v2sf) =	vpush v1, $0xE;
	[tilespmem:s29], [sflag:$0x1] =	stream.linear.gather [hbm4b:s14+s2], $0x80, $0x38;
	[tilespmem:$0x10200] =	vst v63  }
0x101: {  	s18 =	spop (v2sf);
	(v2sf) =	vpush v0, $0xE  }
0x102: {  	s14 =	sor.u32 s31, s30  }
0x103: {  	s14 =	sshrl.u32 s14, $0x3  }
0x104: {  	s16 =	sadd.s32 $0x8700, s13;
	s14 =	sadd.s32 s3, s14  }
0x105: {  	[tilespmem:s16], [sflag:$0x1] =	stream.linear.gather [hbm4b:s14+s2], $0x80, $0x38;
	[tilespmem:$0x10200] =	vst v63  }
0x106: {  	s14 =	sor.u32 s18, s17  }
0x107: {  	s14 =	sshrl.u32 s14, $0x3;
	s20 =	spop (v2sf);
	(v2sf) =	vpush v1, $0xF  }
0x108: {  	s19 =	sadd.s32 $0x8780, s13;
	s14 =	sadd.s32 s3, s14;
	s21 =	spop (v2sf);
	(v2sf) =	vpush v0, $0xF  }
0x109: {  	[tilespmem:s19], [sflag:$0x1] =	stream.linear.gather [hbm4b:s14+s2], $0x80, $0x38;
	[tilespmem:$0x10200] =	vst v63  }
0x10a: {  	s14 =	sor.u32 s21, s20  }
0x10b: {  	s23 =	spop (v2sf);
	s14 =	sshrl.u32 s14, $0x3  }
0x10c: {  	s22 =	sadd.s32 $0x8800, s13;
	s24 =	spop (v2sf);
	s14 =	sadd.s32 s3, s14  }
0x10d: {  	[tilespmem:s22], [sflag:$0x1] =	stream.linear.gather [hbm4b:s14+s2], $0x80, $0x38;
	[tilespmem:$0x10200] =	vst v63  }
0x10e: {  	s14 =	sor.u32 s24, s23  }
0x10f: {  	s26 =	spop (v2sf);
	s14 =	sshrl.u32 s14, $0x3  }
0x110: {  	s25 =	sadd.s32 $0x8880, s13;
	s28 =	spop (v2sf);
	s14 =	sadd.s32 s3, s14  }
0x111: {  	[tilespmem:s25], [sflag:$0x1] =	stream.linear.gather [hbm4b:s14+s2], $0x80, $0x38;
	[tilespmem:$0x10200] =	vst v63  }
0x112: {  	s14 =	sor.u32 s28, s26  }
0x113: {  	s14 =	sshrl.u32 s14, $0x3  }
0x114: {  	s29 =	sadd.s32 $0x8900, s13;
	s14 =	sadd.s32 s3, s14  }
0x115: {  	[tilespmem:s29], [sflag:$0x1] =	stream.linear.gather [hbm4b:s14+s2], $0x80, $0x38;
	[tilespmem:$0x10200] =	vst v63  }
0x116: {  	p0 =	sne.s32 s11, $0xE000;
	s30 =	spop (v2sf)  }
.Ltmp2:
0x117: {  	s31 =	spop (v2sf);
	(pc) =	sbr.rel @p0 .LBB2_6-.Ltmp2, $4  }
0x118: {  	s14 =	sor.u32 s31, s30  }
0x119: {  	s12 =	sadd.s32 $0x10, s12;
	s14 =	sshrl.u32 s14, $0x3  }
0x11a: {  	s11 =	sadd.s32 $0x2000, s11;
	s13 =	sadd.s32 $0x8980, s13;
	s14 =	sadd.s32 s3, s14  }
0x11b: {  	[tilespmem:s13], [sflag:$0x1] =	stream.linear.gather [hbm4b:s14+s2], $0x80, $0x38;
	[tilespmem:$0x10200] =	vst v63  }
0x11c: {  	_ =	swait.ge [sflag:s8], $0x4000  }
0x11d: {  	[sflag:s8] =	ssyncset.done $0x0  }
0x11e: {  	s11 =	simm.s32 $0x0;
	s12 =	simm.s32 $0x180;
	[sflag:s8] =	ssyncadd.s32 $0xFFFFC000  }
.LBB2_8:
0x11f: {  	v0 =	vld [tilespmem:s12+$0x0];
	_ =	sdelay $0x4  }
0x120: {  	v1 =	vshrl.u32 v0, $0x3  }
0x121: {  	v0 =	vand.u32 $0x7, v0;
	v1 =	vshll.u32 v1, $0xA  }
0x122: {  	v0 =	vshll.u32 v0, $0x7;
	(v2sf) =	vpush v1, $0x0  }
0x123: {  	(v2sf) =	vpush v0, $0x0;
	_ =	sdelay $0x2  }
0x124: {  	(v2sf) =	vpush v1, $0x1  }
0x125: {  	(v2sf) =	vpush v0, $0x1;
	_ =	sdelay $0x1  }
0x126: {  	(v2sf) =	vpush v1, $0x2;
	_ =	sdelay $0x1  }
0x127: {  	(v2sf) =	vpush v0, $0x2;
	_ =	sdelay $0x5  }
0x128: {  	s13 =	spop (v2sf);
	(v2sf) =	vpush v1, $0x3  }
0x129: {  	s14 =	spop (v2sf);
	(v2sf) =	vpush v0, $0x3;
	_ =	sdelay $0x2  }
0x12a: {  	s17 =	spop (v2sf);
	(v2sf) =	vpush v1, $0x4  }
0x12b: {  	s18 =	spop (v2sf);
	(v2sf) =	vpush v0, $0x4;
	_ =	sdelay $0x1  }
0x12c: {  	s20 =	spop (v2sf);
	(v2sf) =	vpush v1, $0x5;
	_ =	sdelay $0x1  }
0x12d: {  	s21 =	spop (v2sf);
	(v2sf) =	vpush v0, $0x5;
	_ =	sdelay $0x1  }
0x12e: {  	s14 =	sor.u32 s14, s13  }
0x12f: {  	s13 =	sshra.s32 s11, $0x2;
	s14 =	sshrl.u32 s14, $0x3  }
0x130: {  	s15 =	sadd.s32 $0xC200, s13;
	s14 =	sadd.s32 s3, s14  }
0x131: {  	[tilespmem:s15], [sflag:$0x1] =	stream.linear.gather [hbm4b:s14+s2], $0x80, $0x38;
	[tilespmem:$0x10200] =	vst v63  }
0x132: {  	s14 =	sor.u32 s18, s17;
	s23 =	spop (v2sf);
	(v2sf) =	vpush v1, $0x6  }
0x133: {  	s14 =	sshrl.u32 s14, $0x3;
	s24 =	spop (v2sf);
	(v2sf) =	vpush v0, $0x6  }
0x134: {  	s19 =	sadd.s32 $0xC280, s13;
	s14 =	sadd.s32 s3, s14  }
0x135: {  	[tilespmem:s19], [sflag:$0x1] =	stream.linear.gather [hbm4b:s14+s2], $0x80, $0x38;
	[tilespmem:$0x10200] =	vst v63  }
0x136: {  	s26 =	spop (v2sf);
	(v2sf) =	vpush v1, $0x7  }
0x137: {  	s14 =	sor.u32 s21, s20;
	s28 =	spop (v2sf);
	(v2sf) =	vpush v0, $0x7  }
0x138: {  	s14 =	sshrl.u32 s14, $0x3  }
0x139: {  	s22 =	sadd.s32 $0xC300, s13;
	s14 =	sadd.s32 s3, s14;
	s30 =	spop (v2sf);
	(v2sf) =	vpush v1, $0x8  }
0x13a: {  	[tilespmem:s22], [sflag:$0x1] =	stream.linear.gather [hbm4b:s14+s2], $0x80, $0x38;
	[tilespmem:$0x10200] =	vst v63  }
0x13b: {  	s31 =	spop (v2sf);
	(v2sf) =	vpush v0, $0x8  }
0x13c: {  	s14 =	sor.u32 s24, s23  }
0x13d: {  	s14 =	sshrl.u32 s14, $0x3  }
0x13e: {  	s25 =	sadd.s32 $0xC380, s13;
	s14 =	sadd.s32 s3, s14  }
0x13f: {  	[tilespmem:s25], [sflag:$0x1] =	stream.linear.gather [hbm4b:s14+s2], $0x80, $0x38;
	[tilespmem:$0x10200] =	vst v63  }
0x140: {  	s14 =	sor.u32 s28, s26  }
0x141: {  	s14 =	sshrl.u32 s14, $0x3;
	s17 =	spop (v2sf);
	(v2sf) =	vpush v1, $0x9  }
0x142: {  	s29 =	sadd.s32 $0xC400, s13;
	s14 =	sadd.s32 s3, s14;
	s18 =	spop (v2sf);
	(v2sf) =	vpush v0, $0x9  }
0x143: {  	[tilespmem:s29], [sflag:$0x1] =	stream.linear.gather [hbm4b:s14+s2], $0x80, $0x38;
	[tilespmem:$0x10200] =	vst v63  }
0x144: {  	s14 =	sor.u32 s31, s30  }
0x145: {  	s14 =	sshrl.u32 s14, $0x3;
	s20 =	spop (v2sf);
	(v2sf) =	vpush v1, $0xA  }
0x146: {  	s16 =	sadd.s32 $0xC480, s13;
	s14 =	sadd.s32 s3, s14;
	s21 =	spop (v2sf);
	(v2sf) =	vpush v0, $0xA  }
0x147: {  	[tilespmem:s16], [sflag:$0x1] =	stream.linear.gather [hbm4b:s14+s2], $0x80, $0x38;
	[tilespmem:$0x10200] =	vst v63  }
0x148: {  	s14 =	sor.u32 s18, s17;
	s23 =	spop (v2sf);
	(v2sf) =	vpush v1, $0xB  }
0x149: {  	s14 =	sshrl.u32 s14, $0x3  }
0x14a: {  	s19 =	sadd.s32 $0xC500, s13;
	s14 =	sadd.s32 s3, s14;
	s24 =	spop (v2sf);
	(v2sf) =	vpush v0, $0xB  }
0x14b: {  	[tilespmem:s19], [sflag:$0x1] =	stream.linear.gather [hbm4b:s14+s2], $0x80, $0x38;
	[tilespmem:$0x10200] =	vst v63  }
0x14c: {  	s14 =	sor.u32 s21, s20  }
0x14d: {  	s14 =	sshrl.u32 s14, $0x3  }
0x14e: {  	s22 =	sadd.s32 $0xC580, s13;
	s14 =	sadd.s32 s3, s14  }
0x14f: {  	[tilespmem:s22], [sflag:$0x1] =	stream.linear.gather [hbm4b:s14+s2], $0x80, $0x38;
	[tilespmem:$0x10200] =	vst v63  }
0x150: {  	s14 =	sor.u32 s24, s23;
	s26 =	spop (v2sf);
	(v2sf) =	vpush v1, $0xC  }
0x151: {  	s14 =	sshrl.u32 s14, $0x3;
	s28 =	spop (v2sf);
	(v2sf) =	vpush v0, $0xC  }
0x152: {  	s25 =	sadd.s32 $0xC600, s13;
	s14 =	sadd.s32 s3, s14  }
0x153: {  	[tilespmem:s25], [sflag:$0x1] =	stream.linear.gather [hbm4b:s14+s2], $0x80, $0x38;
	[tilespmem:$0x10200] =	vst v63  }
0x154: {  	s30 =	spop (v2sf);
	(v2sf) =	vpush v1, $0xD  }
0x155: {  	s14 =	sor.u32 s28, s26;
	s31 =	spop (v2sf);
	(v2sf) =	vpush v0, $0xD  }
0x156: {  	s14 =	sshrl.u32 s14, $0x3  }
0x157: {  	s29 =	sadd.s32 $0xC680, s13;
	s14 =	sadd.s32 s3, s14;
	s17 =	spop (v2sf)  }
0x158: {  	(v2sf) =	vpush v1, $0xE;
	[tilespmem:s29], [sflag:$0x1] =	stream.linear.gather [hbm4b:s14+s2], $0x80, $0x38;
	[tilespmem:$0x10200] =	vst v63  }
0x159: {  	s18 =	spop (v2sf);
	(v2sf) =	vpush v0, $0xE  }
0x15a: {  	s14 =	sor.u32 s31, s30  }
0x15b: {  	s14 =	sshrl.u32 s14, $0x3  }
0x15c: {  	s16 =	sadd.s32 $0xC700, s13;
	s14 =	sadd.s32 s3, s14  }
0x15d: {  	[tilespmem:s16], [sflag:$0x1] =	stream.linear.gather [hbm4b:s14+s2], $0x80, $0x38;
	[tilespmem:$0x10200] =	vst v63  }
0x15e: {  	s14 =	sor.u32 s18, s17  }
0x15f: {  	s14 =	sshrl.u32 s14, $0x3;
	s20 =	spop (v2sf);
	(v2sf) =	vpush v1, $0xF  }
0x160: {  	s19 =	sadd.s32 $0xC780, s13;
	s14 =	sadd.s32 s3, s14;
	s21 =	spop (v2sf);
	(v2sf) =	vpush v0, $0xF  }
0x161: {  	[tilespmem:s19], [sflag:$0x1] =	stream.linear.gather [hbm4b:s14+s2], $0x80, $0x38;
	[tilespmem:$0x10200] =	vst v63  }
0x162: {  	s14 =	sor.u32 s21, s20  }
0x163: {  	s23 =	spop (v2sf);
	s14 =	sshrl.u32 s14, $0x3  }
0x164: {  	s22 =	sadd.s32 $0xC800, s13;
	s24 =	spop (v2sf);
	s14 =	sadd.s32 s3, s14  }
0x165: {  	[tilespmem:s22], [sflag:$0x1] =	stream.linear.gather [hbm4b:s14+s2], $0x80, $0x38;
	[tilespmem:$0x10200] =	vst v63  }
0x166: {  	s14 =	sor.u32 s24, s23  }
0x167: {  	s26 =	spop (v2sf);
	s14 =	sshrl.u32 s14, $0x3  }
0x168: {  	s25 =	sadd.s32 $0xC880, s13;
	s28 =	spop (v2sf);
	s14 =	sadd.s32 s3, s14  }
0x169: {  	[tilespmem:s25], [sflag:$0x1] =	stream.linear.gather [hbm4b:s14+s2], $0x80, $0x38;
	[tilespmem:$0x10200] =	vst v63  }
0x16a: {  	s14 =	sor.u32 s28, s26  }
0x16b: {  	s14 =	sshrl.u32 s14, $0x3  }
0x16c: {  	s29 =	sadd.s32 $0xC900, s13;
	s14 =	sadd.s32 s3, s14  }
0x16d: {  	[tilespmem:s29], [sflag:$0x1] =	stream.linear.gather [hbm4b:s14+s2], $0x80, $0x38;
	[tilespmem:$0x10200] =	vst v63  }
0x16e: {  	p0 =	sne.s32 s11, $0xE000;
	s30 =	spop (v2sf)  }
.Ltmp3:
0x16f: {  	s31 =	spop (v2sf);
	(pc) =	sbr.rel @p0 .LBB2_8-.Ltmp3, $4  }
0x170: {  	s14 =	sor.u32 s31, s30  }
0x171: {  	s12 =	sadd.s32 $0x10, s12;
	s14 =	sshrl.u32 s14, $0x3  }
0x172: {  	s11 =	sadd.s32 $0x2000, s11;
	s13 =	sadd.s32 $0xC980, s13;
	s14 =	sadd.s32 s3, s14  }
0x173: {  	[tilespmem:s13], [sflag:$0x1] =	stream.linear.gather [hbm4b:s14+s2], $0x80, $0x38;
	[tilespmem:$0x10200] =	vst v63  }
0x174: {  	_ =	swait.ge [sflag:s8], $0x4000  }
0x175: {  	[sflag:s8] =	ssyncset.done $0x0  }
0x176: {  	[sflag:s8] =	ssyncadd.s32 $0xFFFFC000  }
0x177: {  	s10 =	sadd.s32 $0x1, s10;
	_ =	swait.ge [sflag:s8], $0x4000  }
0x178: {  	p0 =	sne.s32 s10, s6;
	[sflag:s8] =	ssyncset.done $0x0  }
.Ltmp4:
0x179: {  	[sflag:s8] =	ssyncadd.s32 $0xFFFFC000;
	(pc) =	sbr.rel @p0 .LBB2_1-.Ltmp4, $4  }
0x17a: {  	[hbm4b:s5+s2] =	stream.linear.scatter [tilespmem:s9], [sflag:$0x2], $0x10000, $0x38;
	[tilespmem:$0x10200] =	vst v63  }
0x17b: {  	_ =	swait.ge [sflag:s7], $0x10000  }
0x17c: {  	[sflag:s7] =	ssyncset.done $0x0  }
0x17d: {  	[sflag:s7] =	ssyncadd.s32 $0xFFFF0000  }
0x17e: {  	_ =	sfence.sel $0x180000  }
0x17f: {  	[bflag:$0x0] =	sbarrier.arrive $0xFFFF  }
0x180: {  	p0 =	sne.s32 s1, $0x0;
	_ =	strace $0x90000047  }
0x181: {  	s0 =	sadd.s32 @!p0 $0x100000, s0;
	[bflag:$0x2] =	sbarrier.arrive $0xFFFF  }
0x182: {  	[sflag:s0] =	ssyncadd.tile.s32 @!p0 $0x1;
	_ =	shalt  }
.Lfunc_end2:
_tile_overlayer_lowered:
.L_overlay_start_2:
0x183: {  	(tag) =	ssettag $0x2  }
0x184: {  	s0 =	rddreg [dreg:$0x0];
	s2 =	stileid.u32  }
0x185: {  	s1 =	rddreg [dreg:$0x1];
	p0 =	sne.s32 s2, $0x0  }
0x186: {  	s3 =	rddreg [dreg:$0x2];
	[bflag:$0x3] =	sbarrier.arrive $0xFFFF;
	s2 =	simm.s32 @!p0 $0x1C02  }
0x187: {  	[timem:s3], [sflag:s2] =	dma.local @!p0 [hbm:s0], s1  }
0x188: {  	s0 =	simm.s32 @!p0 $0x2  }
0x189: {  	_ =	swait.ge @!p0 [sflag:s0], s1  }
0x18a: {  	s1 =	ssub.s32 @!p0 $0x0, s1;
	[sflag:s0] =	ssyncset.done @!p0 $0x0  }
0x18b: {  	[sflag:s0] =	ssyncadd.s32 @!p0 s1  }
0x18c: {  	[bflag:$0x3] =	sbarrier.arrive $0xFFFF  }
0x18d: {  	_ =	shalt  }

</sc_bundles>
